<compile_context>
chip_gen: v7x
topology: tpu7x:2x2x1
jax: 0.10.2.dev20260603
libtpu: 0.0.44.dev20260713+nightly
codegen_flags: <defaults>
</compile_context>

<pallas_src>
import jax
import jax.numpy as jnp
from jax.experimental import pallas as pl
from jax.experimental.pallas import tpu as pltpu

N = 8192
K = 16
BQ = 256
NBLK = N // BQ
CG = 512
NCH = N // CG


def _make_knn_body(nch):
    width = nch * CG

    def body(ws_ref, *refs):
        (pos_q_r, x_q_r, bat_q_r), rest = refs[:3], refs[3:]
        posT_rs, rest = rest[:nch], rest[nch:]
        batT_rs, rest = rest[:nch], rest[nch:]
        posf_rs, rest = rest[:nch], rest[nch:]
        W1x_r, W1p_r, b1_r, W2_r, b2_r, nbr_ref, h2_ref, h2s_ref = rest

        i = pl.program_id(0)
        col0 = ws_ref[i] * CG
        pos_q, x_q, bat_q = pos_q_r[...], x_q_r[...], bat_q_r[...]
        posT = jnp.concatenate([r[...] for r in posT_rs], axis=1)
        batT = jnp.concatenate([r[...] for r in batT_rs], axis=1)
        pos_f = jnp.concatenate([r[...] for r in posf_rs], axis=0)
        W1x, W1p, b1 = W1x_r[...], W1p_r[...], b1_r[...]
        W2, b2 = W2_r[...], b2_r[...]

        ii = jax.lax.broadcasted_iota(jnp.int32, (BQ, width), 1)
        d0 = pos_q[:, 0:1] - posT[0:1, :]
        d1 = pos_q[:, 1:2] - posT[1:2, :]
        d2c = pos_q[:, 2:3] - posT[2:3, :]
        d = (d0 * d0 + d1 * d1) + d2c * d2c
        d = jnp.where((bat_q != batT) | (ii + col0 >= N), jnp.inf, d)

        base = jnp.dot(x_q, W1x, preferred_element_type=jnp.float32) + b1
        h1s = jax.nn.relu(base)
        h2s_ref[...] = jax.nn.relu(
            jnp.dot(h1s, W2, preferred_element_type=jnp.float32) + b2)

        for k in range(K):
            m = jnp.min(d, axis=1, keepdims=True)
            masked = jnp.where(d == m, ii, jnp.int32(width))
            amin = jnp.min(masked, axis=1)
            onehot = ii == amin[:, None]
            nbr_ref[k, :] = amin + col0
            pos_n = jnp.dot(onehot.astype(jnp.float32), pos_f,
                            preferred_element_type=jnp.float32)
            d = jnp.where(onehot, jnp.inf, d)
            pd = pos_q - pos_n
            h1 = jax.nn.relu(
                base + jnp.dot(pd, W1p, preferred_element_type=jnp.float32))
            h2_ref[k] = jax.nn.relu(
                jnp.dot(h1, W2, preferred_element_type=jnp.float32) + b2)

    return body


def _chunk_map(c):
    return lambda i, ws: (0, jnp.minimum(ws[i] + c, NCH - 1))


def _chunk_map_r(c):
    return lambda i, ws: (jnp.minimum(ws[i] + c, NCH - 1), 0)


def _knn_call(nch, ws, pos, x, bat_col, posT, bat_row, W1x, W1p, b1, W2, b2):
    in_specs = [
        pl.BlockSpec((BQ, 3), lambda i, ws: (i, 0)),
        pl.BlockSpec((BQ, 128), lambda i, ws: (i, 0)),
        pl.BlockSpec((BQ, 1), lambda i, ws: (i, 0)),
    ]
    in_specs += [pl.BlockSpec((3, CG), _chunk_map(c)) for c in range(nch)]
    in_specs += [pl.BlockSpec((1, CG), _chunk_map(c)) for c in range(nch)]
    in_specs += [pl.BlockSpec((CG, 3), _chunk_map_r(c)) for c in range(nch)]
    in_specs += [
        pl.BlockSpec((128, 128), lambda i, ws: (0, 0)),
        pl.BlockSpec((3, 128), lambda i, ws: (0, 0)),
        pl.BlockSpec((1, 128), lambda i, ws: (0, 0)),
        pl.BlockSpec((128, 256), lambda i, ws: (0, 0)),
        pl.BlockSpec((1, 256), lambda i, ws: (0, 0)),
    ]
    args = ([pos, x, bat_col] + [posT] * nch + [bat_row] * nch + [pos] * nch
            + [W1x, W1p, b1, W2, b2])
    return pl.pallas_call(
        _make_knn_body(nch),
        grid_spec=pltpu.PrefetchScalarGridSpec(
            num_scalar_prefetch=1,
            grid=(NBLK,),
            in_specs=in_specs,
            out_specs=[
                pl.BlockSpec((K, BQ), lambda i, ws: (0, i)),
                pl.BlockSpec((K, BQ, 256), lambda i, ws: (0, i, 0)),
                pl.BlockSpec((BQ, 256), lambda i, ws: (i, 0)),
            ],
        ),
        out_shape=[
            jax.ShapeDtypeStruct((K, N), jnp.int32),
            jax.ShapeDtypeStruct((K, N, 256), jnp.float32),
            jax.ShapeDtypeStruct((N, 256), jnp.float32),
        ],
    )(ws, *args)


def _scatter_kernel(nbr_sm, h2_ref, h2s_ref, out_ref):
    i = pl.program_id(0)

    @pl.when(i == 0)
    def _init():
        out_ref[...] = h2s_ref[...]

    def body(q, carry):
        for k in range(K):
            dst = nbr_sm[k, i * BQ + q]
            row = h2_ref[k, pl.ds(q, 1), :]
            cur = out_ref[pl.ds(dst, 1), :]
            out_ref[pl.ds(dst, 1), :] = jnp.maximum(cur, row)
        return carry

    jax.lax.fori_loop(0, BQ, body, 0)


def _final_kernel(agg, Wg, bg, out_ref):
    out_ref[...] = jax.nn.relu(
        jnp.dot(agg[...], Wg[...], preferred_element_type=jnp.float32) + bg[...])


def kernel(x, pos, batch, W1, b1, W2, b2, Wg, bg):
    bat32 = batch.astype(jnp.int32)
    batf = bat32.astype(jnp.float32)
    posT = pos.T
    W1x = W1[:128, :]
    W1p = W1[128:, :]
    b1r = b1.reshape(1, 128)
    b2r = b2.reshape(1, 256)
    bat_col = batf.reshape(N, 1)
    bat_row = batf.reshape(1, N)

    counts = jnp.bincount(bat32, length=8)
    off = jnp.cumsum(counts) - counts
    ends = off + counts
    qb = jnp.arange(NBLK)
    b_first = bat32[qb * BQ]
    b_last = bat32[qb * BQ + BQ - 1]
    ws = (off[b_first] // CG).astype(jnp.int32)
    fits = jnp.all(ends[b_last] - ws * CG <= 6 * CG)
    ws_full = jnp.zeros((NBLK,), jnp.int32)

    common = (pos, x, bat_col, posT, bat_row, W1x, W1p, b1r, W2, b2r)
    nbr, h2, h2s = jax.lax.cond(
        fits,
        lambda ws_, ws_full_, *a: _knn_call(6, ws_, *a),
        lambda ws_, ws_full_, *a: _knn_call(NCH, ws_full_, *a),
        ws, ws_full, *common)

    agg = pl.pallas_call(
        _scatter_kernel,
        grid_spec=pltpu.PrefetchScalarGridSpec(
            num_scalar_prefetch=1,
            grid=(NBLK,),
            in_specs=[
                pl.BlockSpec((K, BQ, 256), lambda i, s: (0, i, 0)),
                pl.BlockSpec((N, 256), lambda i, s: (0, 0)),
            ],
            out_specs=pl.BlockSpec((N, 256), lambda i, s: (0, 0)),
        ),
        out_shape=jax.ShapeDtypeStruct((N, 256), jnp.float32),
    )(nbr, h2, h2s)

    out = pl.pallas_call(
        _final_kernel,
        grid=(NBLK,),
        in_specs=[
            pl.BlockSpec((BQ, 256), lambda i: (i, 0)),
            pl.BlockSpec((256, 256), lambda i: (0, 0)),
            pl.BlockSpec((1, 256), lambda i: (0, 0)),
        ],
        out_specs=pl.BlockSpec((BQ, 256), lambda i: (i, 0)),
        out_shape=jax.ShapeDtypeStruct((N, 256), jnp.float32),
    )(agg, Wg, bg.reshape(1, 256))

    return (out, pos, batch)

# --- scband reference (transcript-rebuilt; emitter-appended) ---
"""Pipeline reference for scband-res-module-55688545960610 (READ-ONLY COPY).

The authoritative reference and input builder live on the scoring server;
editing this copy changes nothing except your own understanding.
"""

import jax, jax.numpy as jnp
import numpy as np

N = 8192
D_IN = 128
K = 16
NB = 8

def setup_inputs(seed: int = 0) -> dict:
    key = jax.random.key(seed)
    ks = jax.random.split(key, 10)
    x = jax.random.normal(ks[0], (N, D_IN), dtype=jnp.float32)
    pos = jax.random.uniform(ks[1], (N, 3), dtype=jnp.float32)
    batch = jnp.sort(jax.random.randint(ks[2], (N,), 0, NB, dtype=jnp.int64))
    # feature_nn: Lin(131,128)+ReLU, Lin(128,256)+ReLU; global_nn: Lin(256,256)+ReLU
    W1 = jax.random.normal(ks[3], (D_IN + 3, 128), dtype=jnp.float32) * (2.0 / (D_IN + 3)) ** 0.5
    b1 = jnp.zeros((128,), dtype=jnp.float32)
    W2 = jax.random.normal(ks[4], (128, 256), dtype=jnp.float32) * (2.0 / 128) ** 0.5
    b2 = jnp.zeros((256,), dtype=jnp.float32)
    Wg = jax.random.normal(ks[5], (256, 256), dtype=jnp.float32) * (2.0 / 256) ** 0.5
    bg = jnp.zeros((256,), dtype=jnp.float32)
    return {"x": x, "pos": pos, "batch": batch, "W1": W1, "b1": b1, "W2": W2, "b2": b2, "Wg": Wg, "bg": bg}


def _knn_edges(pos, batch, k):
    # brute-force batched knn: pairwise sq-dist, mask cross-cloud pairs with +inf
    d2 = jnp.sum((pos[:, None, :] - pos[None, :, :]) ** 2, axis=-1)
    mask = batch[:, None] != batch[None, :]
    d2 = jnp.where(mask, jnp.inf, d2)
    _, nbr = jax.lax.top_k(-d2, k)  # [N, k] neighbor indices (self included, dist 0)
    n = pos.shape[0]
    row = jnp.repeat(jnp.arange(n), k)  # query index
    col = nbr.reshape(-1)               # neighbor index
    return row, col


def reference(x, pos, batch, W1, b1, W2, b2, Wg, bg):
    n = x.shape[0]
    row, col = _knn_edges(pos, batch, K)
    # Module passes knn output directly as edge_index: source = row (query), target = col (neighbor).
    # PointNetConv: remove self loops then add self loops -> ensure (i,i) edges exist.
    src = jnp.concatenate([row, jnp.arange(n)])
    dst = jnp.concatenate([col, jnp.arange(n)])
    msg_in = jnp.concatenate([x[src], pos[src] - pos[dst]], axis=1)
    h = jax.nn.relu(msg_in @ W1 + b1)
    h = jax.nn.relu(h @ W2 + b2)
    agg = jax.ops.segment_max(h, dst, num_segments=n)  # PointNetConv default aggr='max'
    out = jax.nn.relu(agg @ Wg + bg)
    return (out, pos, batch)

if __name__ == "__main__":
    import jax
    _d = setup_inputs()
    print(jax.jit(kernel)(*tuple(_d.values())))

</pallas_src>

<mosaic_0001>
module attributes {stable_mosaic.version = 14 : i64} {
  func.func @body(%arg0: i32, %arg1: memref<32xi32, #tpu.memory_space<smem>>, %arg2: memref<256x3xf32, #tpu.memory_space<vmem>>, %arg3: memref<256x128xf32, #tpu.memory_space<vmem>>, %arg4: memref<256x1xf32, #tpu.memory_space<vmem>>, %arg5: memref<3x512xf32, #tpu.memory_space<vmem>>, %arg6: memref<3x512xf32, #tpu.memory_space<vmem>>, %arg7: memref<3x512xf32, #tpu.memory_space<vmem>>, %arg8: memref<3x512xf32, #tpu.memory_space<vmem>>, %arg9: memref<3x512xf32, #tpu.memory_space<vmem>>, %arg10: memref<3x512xf32, #tpu.memory_space<vmem>>, %arg11: memref<3x512xf32, #tpu.memory_space<vmem>>, %arg12: memref<3x512xf32, #tpu.memory_space<vmem>>, %arg13: memref<3x512xf32, #tpu.memory_space<vmem>>, %arg14: memref<3x512xf32, #tpu.memory_space<vmem>>, %arg15: memref<3x512xf32, #tpu.memory_space<vmem>>, %arg16: memref<3x512xf32, #tpu.memory_space<vmem>>, %arg17: memref<3x512xf32, #tpu.memory_space<vmem>>, %arg18: memref<3x512xf32, #tpu.memory_space<vmem>>, %arg19: memref<3x512xf32, #tpu.memory_space<vmem>>, %arg20: memref<3x512xf32, #tpu.memory_space<vmem>>, %arg21: memref<1x512xf32, #tpu.memory_space<vmem>>, %arg22: memref<1x512xf32, #tpu.memory_space<vmem>>, %arg23: memref<1x512xf32, #tpu.memory_space<vmem>>, %arg24: memref<1x512xf32, #tpu.memory_space<vmem>>, %arg25: memref<1x512xf32, #tpu.memory_space<vmem>>, %arg26: memref<1x512xf32, #tpu.memory_space<vmem>>, %arg27: memref<1x512xf32, #tpu.memory_space<vmem>>, %arg28: memref<1x512xf32, #tpu.memory_space<vmem>>, %arg29: memref<1x512xf32, #tpu.memory_space<vmem>>, %arg30: memref<1x512xf32, #tpu.memory_space<vmem>>, %arg31: memref<1x512xf32, #tpu.memory_space<vmem>>, %arg32: memref<1x512xf32, #tpu.memory_space<vmem>>, %arg33: memref<1x512xf32, #tpu.memory_space<vmem>>, %arg34: memref<1x512xf32, #tpu.memory_space<vmem>>, %arg35: memref<1x512xf32, #tpu.memory_space<vmem>>, %arg36: memref<1x512xf32, #tpu.memory_space<vmem>>, %arg37: memref<512x3xf32, #tpu.memory_space<vmem>>, %arg38: memref<512x3xf32, #tpu.memory_space<vmem>>, %arg39: memref<512x3xf32, #tpu.memory_space<vmem>>, %arg40: memref<512x3xf32, #tpu.memory_space<vmem>>, %arg41: memref<512x3xf32, #tpu.memory_space<vmem>>, %arg42: memref<512x3xf32, #tpu.memory_space<vmem>>, %arg43: memref<512x3xf32, #tpu.memory_space<vmem>>, %arg44: memref<512x3xf32, #tpu.memory_space<vmem>>, %arg45: memref<512x3xf32, #tpu.memory_space<vmem>>, %arg46: memref<512x3xf32, #tpu.memory_space<vmem>>, %arg47: memref<512x3xf32, #tpu.memory_space<vmem>>, %arg48: memref<512x3xf32, #tpu.memory_space<vmem>>, %arg49: memref<512x3xf32, #tpu.memory_space<vmem>>, %arg50: memref<512x3xf32, #tpu.memory_space<vmem>>, %arg51: memref<512x3xf32, #tpu.memory_space<vmem>>, %arg52: memref<512x3xf32, #tpu.memory_space<vmem>>, %arg53: memref<128x128xf32, #tpu.memory_space<vmem>>, %arg54: memref<3x128xf32, #tpu.memory_space<vmem>>, %arg55: memref<1x128xf32, #tpu.memory_space<vmem>>, %arg56: memref<128x256xf32, #tpu.memory_space<vmem>>, %arg57: memref<1x256xf32, #tpu.memory_space<vmem>>, %arg58: memref<16x256xi32, #tpu.memory_space<vmem>>, %arg59: memref<16x256x256xf32, #tpu.memory_space<vmem>>, %arg60: memref<256x256xf32, #tpu.memory_space<vmem>>) attributes {dimension_semantics = [#tpu.dimension_semantics<arbitrary>], iteration_bounds = array<i64: 32>, scalar_prefetch = 1 : i64, scratch_operands = 0 : i64, tpu.core_type = #tpu.core_type<tc>, window_params = [{transform_indices = @transform_0, window_bounds = array<i64: 256, 3>}, {transform_indices = @transform_1, window_bounds = array<i64: 256, 128>}, {transform_indices = @transform_2, window_bounds = array<i64: 256, 1>}, {transform_indices = @transform_3, window_bounds = array<i64: 3, 512>}, {transform_indices = @transform_4, window_bounds = array<i64: 3, 512>}, {transform_indices = @transform_5, window_bounds = array<i64: 3, 512>}, {transform_indices = @transform_6, window_bounds = array<i64: 3, 512>}, {transform_indices = @transform_7, window_bounds = array<i64: 3, 512>}, {transform_indices = @transform_8, window_bounds = array<i64: 3, 512>}, {transform_indices = @transform_9, window_bounds = array<i64: 3, 512>}, {transform_indices = @transform_10, window_bounds = array<i64: 3, 512>}, {transform_indices = @transform_11, window_bounds = array<i64: 3, 512>}, {transform_indices = @transform_12, window_bounds = array<i64: 3, 512>}, {transform_indices = @transform_13, window_bounds = array<i64: 3, 512>}, {transform_indices = @transform_14, window_bounds = array<i64: 3, 512>}, {transform_indices = @transform_15, window_bounds = array<i64: 3, 512>}, {transform_indices = @transform_16, window_bounds = array<i64: 3, 512>}, {transform_indices = @transform_17, window_bounds = array<i64: 3, 512>}, {transform_indices = @transform_18, window_bounds = array<i64: 3, 512>}, {transform_indices = @transform_19, window_bounds = array<i64: 1, 512>}, {transform_indices = @transform_20, window_bounds = array<i64: 1, 512>}, {transform_indices = @transform_21, window_bounds = array<i64: 1, 512>}, {transform_indices = @transform_22, window_bounds = array<i64: 1, 512>}, {transform_indices = @transform_23, window_bounds = array<i64: 1, 512>}, {transform_indices = @transform_24, window_bounds = array<i64: 1, 512>}, {transform_indices = @transform_25, window_bounds = array<i64: 1, 512>}, {transform_indices = @transform_26, window_bounds = array<i64: 1, 512>}, {transform_indices = @transform_27, window_bounds = array<i64: 1, 512>}, {transform_indices = @transform_28, window_bounds = array<i64: 1, 512>}, {transform_indices = @transform_29, window_bounds = array<i64: 1, 512>}, {transform_indices = @transform_30, window_bounds = array<i64: 1, 512>}, {transform_indices = @transform_31, window_bounds = array<i64: 1, 512>}, {transform_indices = @transform_32, window_bounds = array<i64: 1, 512>}, {transform_indices = @transform_33, window_bounds = array<i64: 1, 512>}, {transform_indices = @transform_34, window_bounds = array<i64: 1, 512>}, {transform_indices = @transform_35, window_bounds = array<i64: 512, 3>}, {transform_indices = @transform_36, window_bounds = array<i64: 512, 3>}, {transform_indices = @transform_37, window_bounds = array<i64: 512, 3>}, {transform_indices = @transform_38, window_bounds = array<i64: 512, 3>}, {transform_indices = @transform_39, window_bounds = array<i64: 512, 3>}, {transform_indices = @transform_40, window_bounds = array<i64: 512, 3>}, {transform_indices = @transform_41, window_bounds = array<i64: 512, 3>}, {transform_indices = @transform_42, window_bounds = array<i64: 512, 3>}, {transform_indices = @transform_43, window_bounds = array<i64: 512, 3>}, {transform_indices = @transform_44, window_bounds = array<i64: 512, 3>}, {transform_indices = @transform_45, window_bounds = array<i64: 512, 3>}, {transform_indices = @transform_46, window_bounds = array<i64: 512, 3>}, {transform_indices = @transform_47, window_bounds = array<i64: 512, 3>}, {transform_indices = @transform_48, window_bounds = array<i64: 512, 3>}, {transform_indices = @transform_49, window_bounds = array<i64: 512, 3>}, {transform_indices = @transform_50, window_bounds = array<i64: 512, 3>}, {pipeline_mode = #tpu.pipeline_mode<synchronous>, transform_indices = @transform_51, window_bounds = array<i64: 128, 128>}, {pipeline_mode = #tpu.pipeline_mode<synchronous>, transform_indices = @transform_52, window_bounds = array<i64: 3, 128>}, {pipeline_mode = #tpu.pipeline_mode<synchronous>, transform_indices = @transform_53, window_bounds = array<i64: 1, 128>}, {pipeline_mode = #tpu.pipeline_mode<synchronous>, transform_indices = @transform_54, window_bounds = array<i64: 128, 256>}, {pipeline_mode = #tpu.pipeline_mode<synchronous>, transform_indices = @transform_55, window_bounds = array<i64: 1, 256>}, {transform_indices = @transform_56, window_bounds = array<i64: 16, 256>}, {transform_indices = @transform_57, window_bounds = array<i64: 16, 256, 256>}, {transform_indices = @transform_58, window_bounds = array<i64: 256, 256>}]} {
    %get3A = arith.index_cast %arg0 : i32 to index
    %get3A_0 = memref.load %arg1[%get3A] : memref<32xi32, #tpu.memory_space<smem>>
    %mul3A = arith.constant 512 : i32
    %mul3A_1 = arith.muli %get3A_0, %mul3A : i32
    %get3A_2 = arith.constant 0 : index
    %get3A_3 = arith.constant 0 : index
    %get3A_4 = vector.load %arg2[%get3A_2, %get3A_3] : memref<256x3xf32, #tpu.memory_space<vmem>>, vector<256x3xf32>
    %get3A_5 = arith.constant 0 : index
    %get3A_6 = arith.constant 0 : index
    %get3A_7 = vector.load %arg3[%get3A_5, %get3A_6] : memref<256x128xf32, #tpu.memory_space<vmem>>, vector<256x128xf32>
    %get3A_8 = arith.constant 0 : index
    %get3A_9 = arith.constant 0 : index
    %get3A_10 = vector.load %arg4[%get3A_8, %get3A_9] : memref<256x1xf32, #tpu.memory_space<vmem>>, vector<256x1xf32>
    %get3A_11 = arith.constant 0 : index
    %get3A_12 = arith.constant 0 : index
    %get3A_13 = vector.load %arg5[%get3A_11, %get3A_12] : memref<3x512xf32, #tpu.memory_space<vmem>>, vector<3x512xf32>
    %get3A_14 = arith.constant 0 : index
    %get3A_15 = arith.constant 0 : index
    %get3A_16 = vector.load %arg6[%get3A_14, %get3A_15] : memref<3x512xf32, #tpu.memory_space<vmem>>, vector<3x512xf32>
    %get3A_17 = arith.constant 0 : index
    %get3A_18 = arith.constant 0 : index
    %get3A_19 = vector.load %arg7[%get3A_17, %get3A_18] : memref<3x512xf32, #tpu.memory_space<vmem>>, vector<3x512xf32>
    %get3A_20 = arith.constant 0 : index
    %get3A_21 = arith.constant 0 : index
    %get3A_22 = vector.load %arg8[%get3A_20, %get3A_21] : memref<3x512xf32, #tpu.memory_space<vmem>>, vector<3x512xf32>
    %get3A_23 = arith.constant 0 : index
    %get3A_24 = arith.constant 0 : index
    %get3A_25 = vector.load %arg9[%get3A_23, %get3A_24] : memref<3x512xf32, #tpu.memory_space<vmem>>, vector<3x512xf32>
    %get3A_26 = arith.constant 0 : index
    %get3A_27 = arith.constant 0 : index
    %get3A_28 = vector.load %arg10[%get3A_26, %get3A_27] : memref<3x512xf32, #tpu.memory_space<vmem>>, vector<3x512xf32>
    %get3A_29 = arith.constant 0 : index
    %get3A_30 = arith.constant 0 : index
    %get3A_31 = vector.load %arg11[%get3A_29, %get3A_30] : memref<3x512xf32, #tpu.memory_space<vmem>>, vector<3x512xf32>
    %get3A_32 = arith.constant 0 : index
    %get3A_33 = arith.constant 0 : index
    %get3A_34 = vector.load %arg12[%get3A_32, %get3A_33] : memref<3x512xf32, #tpu.memory_space<vmem>>, vector<3x512xf32>
    %get3A_35 = arith.constant 0 : index
    %get3A_36 = arith.constant 0 : index
    %get3A_37 = vector.load %arg13[%get3A_35, %get3A_36] : memref<3x512xf32, #tpu.memory_space<vmem>>, vector<3x512xf32>
    %get3A_38 = arith.constant 0 : index
    %get3A_39 = arith.constant 0 : index
    %get3A_40 = vector.load %arg14[%get3A_38, %get3A_39] : memref<3x512xf32, #tpu.memory_space<vmem>>, vector<3x512xf32>
    %get3A_41 = arith.constant 0 : index
    %get3A_42 = arith.constant 0 : index
    %get3A_43 = vector.load %arg15[%get3A_41, %get3A_42] : memref<3x512xf32, #tpu.memory_space<vmem>>, vector<3x512xf32>
    %get3A_44 = arith.constant 0 : index
    %get3A_45 = arith.constant 0 : index
    %get3A_46 = vector.load %arg16[%get3A_44, %get3A_45] : memref<3x512xf32, #tpu.memory_space<vmem>>, vector<3x512xf32>
    %get3A_47 = arith.constant 0 : index
    %get3A_48 = arith.constant 0 : index
    %get3A_49 = vector.load %arg17[%get3A_47, %get3A_48] : memref<3x512xf32, #tpu.memory_space<vmem>>, vector<3x512xf32>
    %get3A_50 = arith.constant 0 : index
    %get3A_51 = arith.constant 0 : index
    %get3A_52 = vector.load %arg18[%get3A_50, %get3A_51] : memref<3x512xf32, #tpu.memory_space<vmem>>, vector<3x512xf32>
    %get3A_53 = arith.constant 0 : index
    %get3A_54 = arith.constant 0 : index
    %get3A_55 = vector.load %arg19[%get3A_53, %get3A_54] : memref<3x512xf32, #tpu.memory_space<vmem>>, vector<3x512xf32>
    %get3A_56 = arith.constant 0 : index
    %get3A_57 = arith.constant 0 : index
    %get3A_58 = vector.load %arg20[%get3A_56, %get3A_57] : memref<3x512xf32, #tpu.memory_space<vmem>>, vector<3x512xf32>
    %concatenate3A = tpu.concatenate %get3A_13, %get3A_16, %get3A_19, %get3A_22, %get3A_25, %get3A_28, %get3A_31, %get3A_34, %get3A_37, %get3A_40, %get3A_43, %get3A_46, %get3A_49, %get3A_52, %get3A_55, %get3A_58 in 1 : vector<3x512xf32>, vector<3x512xf32>, vector<3x512xf32>, vector<3x512xf32>, vector<3x512xf32>, vector<3x512xf32>, vector<3x512xf32>, vector<3x512xf32>, vector<3x512xf32>, vector<3x512xf32>, vector<3x512xf32>, vector<3x512xf32>, vector<3x512xf32>, vector<3x512xf32>, vector<3x512xf32>, vector<3x512xf32> -> vector<3x8192xf32>
    %get3A_59 = arith.constant 0 : index
    %get3A_60 = arith.constant 0 : index
    %get3A_61 = vector.load %arg21[%get3A_59, %get3A_60] : memref<1x512xf32, #tpu.memory_space<vmem>>, vector<1x512xf32>
    %get3A_62 = arith.constant 0 : index
    %get3A_63 = arith.constant 0 : index
    %get3A_64 = vector.load %arg22[%get3A_62, %get3A_63] : memref<1x512xf32, #tpu.memory_space<vmem>>, vector<1x512xf32>
    %get3A_65 = arith.constant 0 : index
    %get3A_66 = arith.constant 0 : index
    %get3A_67 = vector.load %arg23[%get3A_65, %get3A_66] : memref<1x512xf32, #tpu.memory_space<vmem>>, vector<1x512xf32>
    %get3A_68 = arith.constant 0 : index
    %get3A_69 = arith.constant 0 : index
    %get3A_70 = vector.load %arg24[%get3A_68, %get3A_69] : memref<1x512xf32, #tpu.memory_space<vmem>>, vector<1x512xf32>
    %get3A_71 = arith.constant 0 : index
    %get3A_72 = arith.constant 0 : index
    %get3A_73 = vector.load %arg25[%get3A_71, %get3A_72] : memref<1x512xf32, #tpu.memory_space<vmem>>, vector<1x512xf32>
    %get3A_74 = arith.constant 0 : index
    %get3A_75 = arith.constant 0 : index
    %get3A_76 = vector.load %arg26[%get3A_74, %get3A_75] : memref<1x512xf32, #tpu.memory_space<vmem>>, vector<1x512xf32>
    %get3A_77 = arith.constant 0 : index
    %get3A_78 = arith.constant 0 : index
    %get3A_79 = vector.load %arg27[%get3A_77, %get3A_78] : memref<1x512xf32, #tpu.memory_space<vmem>>, vector<1x512xf32>
    %get3A_80 = arith.constant 0 : index
    %get3A_81 = arith.constant 0 : index
    %get3A_82 = vector.load %arg28[%get3A_80, %get3A_81] : memref<1x512xf32, #tpu.memory_space<vmem>>, vector<1x512xf32>
    %get3A_83 = arith.constant 0 : index
    %get3A_84 = arith.constant 0 : index
    %get3A_85 = vector.load %arg29[%get3A_83, %get3A_84] : memref<1x512xf32, #tpu.memory_space<vmem>>, vector<1x512xf32>
    %get3A_86 = arith.constant 0 : index
    %get3A_87 = arith.constant 0 : index
    %get3A_88 = vector.load %arg30[%get3A_86, %get3A_87] : memref<1x512xf32, #tpu.memory_space<vmem>>, vector<1x512xf32>
    %get3A_89 = arith.constant 0 : index
    %get3A_90 = arith.constant 0 : index
    %get3A_91 = vector.load %arg31[%get3A_89, %get3A_90] : memref<1x512xf32, #tpu.memory_space<vmem>>, vector<1x512xf32>
    %get3A_92 = arith.constant 0 : index
    %get3A_93 = arith.constant 0 : index
    %get3A_94 = vector.load %arg32[%get3A_92, %get3A_93] : memref<1x512xf32, #tpu.memory_space<vmem>>, vector<1x512xf32>
    %get3A_95 = arith.constant 0 : index
    %get3A_96 = arith.constant 0 : index
    %get3A_97 = vector.load %arg33[%get3A_95, %get3A_96] : memref<1x512xf32, #tpu.memory_space<vmem>>, vector<1x512xf32>
    %get3A_98 = arith.constant 0 : index
    %get3A_99 = arith.constant 0 : index
    %get3A_100 = vector.load %arg34[%get3A_98, %get3A_99] : memref<1x512xf32, #tpu.memory_space<vmem>>, vector<1x512xf32>
    %get3A_101 = arith.constant 0 : index
    %get3A_102 = arith.constant 0 : index
    %get3A_103 = vector.load %arg35[%get3A_101, %get3A_102] : memref<1x512xf32, #tpu.memory_space<vmem>>, vector<1x512xf32>
    %get3A_104 = arith.constant 0 : index
    %get3A_105 = arith.constant 0 : index
    %get3A_106 = vector.load %arg36[%get3A_104, %get3A_105] : memref<1x512xf32, #tpu.memory_space<vmem>>, vector<1x512xf32>
    %concatenate3A_107 = tpu.concatenate %get3A_61, %get3A_64, %get3A_67, %get3A_70, %get3A_73, %get3A_76, %get3A_79, %get3A_82, %get3A_85, %get3A_88, %get3A_91, %get3A_94, %get3A_97, %get3A_100, %get3A_103, %get3A_106 in 1 : vector<1x512xf32>, vector<1x512xf32>, vector<1x512xf32>, vector<1x512xf32>, vector<1x512xf32>, vector<1x512xf32>, vector<1x512xf32>, vector<1x512xf32>, vector<1x512xf32>, vector<1x512xf32>, vector<1x512xf32>, vector<1x512xf32>, vector<1x512xf32>, vector<1x512xf32>, vector<1x512xf32>, vector<1x512xf32> -> vector<1x8192xf32>
    %get3A_108 = arith.constant 0 : index
    %get3A_109 = arith.constant 0 : index
    %get3A_110 = vector.load %arg37[%get3A_108, %get3A_109] : memref<512x3xf32, #tpu.memory_space<vmem>>, vector<512x3xf32>
    %get3A_111 = arith.constant 0 : index
    %get3A_112 = arith.constant 0 : index
    %get3A_113 = vector.load %arg38[%get3A_111, %get3A_112] : memref<512x3xf32, #tpu.memory_space<vmem>>, vector<512x3xf32>
    %get3A_114 = arith.constant 0 : index
    %get3A_115 = arith.constant 0 : index
    %get3A_116 = vector.load %arg39[%get3A_114, %get3A_115] : memref<512x3xf32, #tpu.memory_space<vmem>>, vector<512x3xf32>
    %get3A_117 = arith.constant 0 : index
    %get3A_118 = arith.constant 0 : index
    %get3A_119 = vector.load %arg40[%get3A_117, %get3A_118] : memref<512x3xf32, #tpu.memory_space<vmem>>, vector<512x3xf32>
    %get3A_120 = arith.constant 0 : index
    %get3A_121 = arith.constant 0 : index
    %get3A_122 = vector.load %arg41[%get3A_120, %get3A_121] : memref<512x3xf32, #tpu.memory_space<vmem>>, vector<512x3xf32>
    %get3A_123 = arith.constant 0 : index
    %get3A_124 = arith.constant 0 : index
    %get3A_125 = vector.load %arg42[%get3A_123, %get3A_124] : memref<512x3xf32, #tpu.memory_space<vmem>>, vector<512x3xf32>
    %get3A_126 = arith.constant 0 : index
    %get3A_127 = arith.constant 0 : index
    %get3A_128 = vector.load %arg43[%get3A_126, %get3A_127] : memref<512x3xf32, #tpu.memory_space<vmem>>, vector<512x3xf32>
    %get3A_129 = arith.constant 0 : index
    %get3A_130 = arith.constant 0 : index
    %get3A_131 = vector.load %arg44[%get3A_129, %get3A_130] : memref<512x3xf32, #tpu.memory_space<vmem>>, vector<512x3xf32>
    %get3A_132 = arith.constant 0 : index
    %get3A_133 = arith.constant 0 : index
    %get3A_134 = vector.load %arg45[%get3A_132, %get3A_133] : memref<512x3xf32, #tpu.memory_space<vmem>>, vector<512x3xf32>
    %get3A_135 = arith.constant 0 : index
    %get3A_136 = arith.constant 0 : index
    %get3A_137 = vector.load %arg46[%get3A_135, %get3A_136] : memref<512x3xf32, #tpu.memory_space<vmem>>, vector<512x3xf32>
    %get3A_138 = arith.constant 0 : index
    %get3A_139 = arith.constant 0 : index
    %get3A_140 = vector.load %arg47[%get3A_138, %get3A_139] : memref<512x3xf32, #tpu.memory_space<vmem>>, vector<512x3xf32>
    %get3A_141 = arith.constant 0 : index
    %get3A_142 = arith.constant 0 : index
    %get3A_143 = vector.load %arg48[%get3A_141, %get3A_142] : memref<512x3xf32, #tpu.memory_space<vmem>>, vector<512x3xf32>
    %get3A_144 = arith.constant 0 : index
    %get3A_145 = arith.constant 0 : index
    %get3A_146 = vector.load %arg49[%get3A_144, %get3A_145] : memref<512x3xf32, #tpu.memory_space<vmem>>, vector<512x3xf32>
    %get3A_147 = arith.constant 0 : index
    %get3A_148 = arith.constant 0 : index
    %get3A_149 = vector.load %arg50[%get3A_147, %get3A_148] : memref<512x3xf32, #tpu.memory_space<vmem>>, vector<512x3xf32>
    %get3A_150 = arith.constant 0 : index
    %get3A_151 = arith.constant 0 : index
    %get3A_152 = vector.load %arg51[%get3A_150, %get3A_151] : memref<512x3xf32, #tpu.memory_space<vmem>>, vector<512x3xf32>
    %get3A_153 = arith.constant 0 : index
    %get3A_154 = arith.constant 0 : index
    %get3A_155 = vector.load %arg52[%get3A_153, %get3A_154] : memref<512x3xf32, #tpu.memory_space<vmem>>, vector<512x3xf32>
    %concatenate3A_156 = tpu.concatenate %get3A_110, %get3A_113, %get3A_116, %get3A_119, %get3A_122, %get3A_125, %get3A_128, %get3A_131, %get3A_134, %get3A_137, %get3A_140, %get3A_143, %get3A_146, %get3A_149, %get3A_152, %get3A_155 in 0 : vector<512x3xf32>, vector<512x3xf32>, vector<512x3xf32>, vector<512x3xf32>, vector<512x3xf32>, vector<512x3xf32>, vector<512x3xf32>, vector<512x3xf32>, vector<512x3xf32>, vector<512x3xf32>, vector<512x3xf32>, vector<512x3xf32>, vector<512x3xf32>, vector<512x3xf32>, vector<512x3xf32>, vector<512x3xf32> -> vector<8192x3xf32>
    %get3A_157 = arith.constant 0 : index
    %get3A_158 = arith.constant 0 : index
    %get3A_159 = vector.load %arg53[%get3A_157, %get3A_158] : memref<128x128xf32, #tpu.memory_space<vmem>>, vector<128x128xf32>
    %get3A_160 = arith.constant 0 : index
    %get3A_161 = arith.constant 0 : index
    %get3A_162 = vector.load %arg54[%get3A_160, %get3A_161] : memref<3x128xf32, #tpu.memory_space<vmem>>, vector<3x128xf32>
    %get3A_163 = arith.constant 0 : index
    %get3A_164 = arith.constant 0 : index
    %get3A_165 = vector.load %arg55[%get3A_163, %get3A_164] : memref<1x128xf32, #tpu.memory_space<vmem>>, vector<1x128xf32>
    %get3A_166 = arith.constant 0 : index
    %get3A_167 = arith.constant 0 : index
    %get3A_168 = vector.load %arg56[%get3A_166, %get3A_167] : memref<128x256xf32, #tpu.memory_space<vmem>>, vector<128x256xf32>
    %get3A_169 = arith.constant 0 : index
    %get3A_170 = arith.constant 0 : index
    %get3A_171 = vector.load %arg57[%get3A_169, %get3A_170] : memref<1x256xf32, #tpu.memory_space<vmem>>, vector<1x256xf32>
    %iota3A = tpu.iota {dimensions = array<i32: 1>} : vector<256x8192xi32>
    %slice3A = vector.extract_strided_slice %get3A_4 {offsets = [0, 0], sizes = [256, 1], strides = [1, 1]} : vector<256x3xf32> to vector<256x1xf32>
    %slice3A_172 = vector.extract_strided_slice %concatenate3A {offsets = [0, 0], sizes = [1, 8192], strides = [1, 1]} : vector<3x8192xf32> to vector<1x8192xf32>
    %sub3A = vector.broadcast %slice3A : vector<256x1xf32> to vector<256x8192xf32>
    %sub3A_173 = vector.broadcast %slice3A_172 : vector<1x8192xf32> to vector<256x8192xf32>
    %sub3A_174 = arith.subf %sub3A, %sub3A_173 : vector<256x8192xf32>
    %slice3A_175 = vector.extract_strided_slice %get3A_4 {offsets = [0, 1], sizes = [256, 1], strides = [1, 1]} : vector<256x3xf32> to vector<256x1xf32>
    %slice3A_176 = vector.extract_strided_slice %concatenate3A {offsets = [1, 0], sizes = [1, 8192], strides = [1, 1]} : vector<3x8192xf32> to vector<1x8192xf32>
    %sub3A_177 = vector.broadcast %slice3A_175 : vector<256x1xf32> to vector<256x8192xf32>
    %sub3A_178 = vector.broadcast %slice3A_176 : vector<1x8192xf32> to vector<256x8192xf32>
    %sub3A_179 = arith.subf %sub3A_177, %sub3A_178 : vector<256x8192xf32>
    %slice3A_180 = vector.extract_strided_slice %get3A_4 {offsets = [0, 2], sizes = [256, 1], strides = [1, 1]} : vector<256x3xf32> to vector<256x1xf32>
    %slice3A_181 = vector.extract_strided_slice %concatenate3A {offsets = [2, 0], sizes = [1, 8192], strides = [1, 1]} : vector<3x8192xf32> to vector<1x8192xf32>
    %sub3A_182 = vector.broadcast %slice3A_180 : vector<256x1xf32> to vector<256x8192xf32>
    %sub3A_183 = vector.broadcast %slice3A_181 : vector<1x8192xf32> to vector<256x8192xf32>
    %sub3A_184 = arith.subf %sub3A_182, %sub3A_183 : vector<256x8192xf32>
    %mul3A_185 = arith.mulf %sub3A_174, %sub3A_174 : vector<256x8192xf32>
    %mul3A_186 = arith.mulf %sub3A_179, %sub3A_179 : vector<256x8192xf32>
    %add3A = arith.addf %mul3A_185, %mul3A_186 : vector<256x8192xf32>
    %mul3A_187 = arith.mulf %sub3A_184, %sub3A_184 : vector<256x8192xf32>
    %add3A_188 = arith.addf %add3A, %mul3A_187 : vector<256x8192xf32>
    %ne3A = vector.broadcast %get3A_10 : vector<256x1xf32> to vector<256x8192xf32>
    %ne3A_189 = vector.broadcast %concatenate3A_107 : vector<1x8192xf32> to vector<256x8192xf32>
    %ne3A_190 = arith.cmpf one, %ne3A, %ne3A_189 : vector<256x8192xf32>
    %add3A_191 = vector.broadcast %mul3A_1 : i32 to vector<256x8192xi32>
    %add3A_192 = arith.addi %iota3A, %add3A_191 : vector<256x8192xi32>
    %ge3A = arith.constant 8192 : i32
    %ge3A_193 = vector.broadcast %ge3A : i32 to vector<256x8192xi32>
    %ge3A_194 = arith.cmpi sge, %add3A_192, %ge3A_193 : vector<256x8192xi32>
    %or3A = arith.ori %ne3A_190, %ge3A_194 : vector<256x8192xi1>
    %jit3A = arith.constant 0x7F800000 : f32
    %broadcast_in_dim3A = vector.broadcast %jit3A : f32 to vector<256x8192xf32>
    %select_n3A = arith.select %or3A, %broadcast_in_dim3A, %add3A_188 : vector<256x8192xi1>, vector<256x8192xf32>
    %dot_general3A = arith.constant dense<0.000000e+00> : vector<256x128xf32>
    %dot_general3A_195 = tpu.matmul %get3A_7, %get3A_159, %dot_general3A {dimension_numbers = #tpu.dot_dimension_numbers<[1], [0], [0], [1], [0, 0, 1, 1], [], []>, transpose_lhs_hint = false} : vector<256x128xf32>, vector<128x128xf32>, vector<256x128xf32> -> vector<256x128xf32>
    %add3A_196 = vector.broadcast %get3A_165 : vector<1x128xf32> to vector<256x128xf32>
    %add3A_197 = arith.addf %dot_general3A_195, %add3A_196 : vector<256x128xf32>
    %max3A = arith.constant 0.000000e+00 : f32
    %max3A_198 = vector.broadcast %max3A : f32 to vector<256x128xf32>
    %max3A_199 = arith.maximumf %add3A_197, %max3A_198 : vector<256x128xf32>
    %dot_general3A_200 = arith.constant dense<0.000000e+00> : vector<256x256xf32>
    %dot_general3A_201 = tpu.matmul %max3A_199, %get3A_168, %dot_general3A_200 {dimension_numbers = #tpu.dot_dimension_numbers<[1], [0], [0], [1], [0, 0, 1, 1], [], []>, transpose_lhs_hint = false} : vector<256x128xf32>, vector<128x256xf32>, vector<256x256xf32> -> vector<256x256xf32>
    %add3A_202 = vector.broadcast %get3A_171 : vector<1x256xf32> to vector<256x256xf32>
    %add3A_203 = arith.addf %dot_general3A_201, %add3A_202 : vector<256x256xf32>
    %max3A_204 = arith.constant 0.000000e+00 : f32
    %max3A_205 = vector.broadcast %max3A_204 : f32 to vector<256x256xf32>
    %max3A_206 = arith.maximumf %add3A_203, %max3A_205 : vector<256x256xf32>
    %swap3A = arith.constant 0 : index
    %swap3A_207 = arith.constant 0 : index
    %swap3A_208 = vector.load %arg60[%swap3A, %swap3A_207] : memref<256x256xf32, #tpu.memory_space<vmem>>, vector<256x256xf32>
    tpu.vector_store %arg60[%swap3A, %swap3A_207], %max3A_206 {strides = array<i32>} : memref<256x256xf32, #tpu.memory_space<vmem>>, vector<256x256xf32>,
    %reduce_min3A = arith.constant dense<0x7F800000> : vector<256xf32>
    %reduce_min3A_209 = vector.multi_reduction <minimumf>, %select_n3A, %reduce_min3A [1] : vector<256x8192xf32> to vector<256xf32>
    %broadcast_in_dim3A_210 = vector.shape_cast %reduce_min3A_209 : vector<256xf32> to vector<256x1xf32>
    %eq3A = vector.broadcast %broadcast_in_dim3A_210 : vector<256x1xf32> to vector<256x8192xf32>
    %eq3A_211 = arith.cmpf oeq, %select_n3A, %eq3A : vector<256x8192xf32>
    %jit3A_212 = arith.constant 8192 : i32
    %broadcast_in_dim3A_213 = vector.broadcast %jit3A_212 : i32 to vector<256x8192xi32>
    %select_n3A_214 = arith.select %eq3A_211, %iota3A, %broadcast_in_dim3A_213 : vector<256x8192xi1>, vector<256x8192xi32>
    %reduce_min3A_215 = arith.constant dense<2147483647> : vector<256xi32>
    %reduce_min3A_216 = vector.multi_reduction <minsi>, %select_n3A_214, %reduce_min3A_215 [1] : vector<256x8192xi32> to vector<256xi32>
    %broadcast_in_dim3A_217 = vector.shape_cast %reduce_min3A_216 : vector<256xi32> to vector<256x1xi32>
    %eq3A_218 = vector.broadcast %broadcast_in_dim3A_217 : vector<256x1xi32> to vector<256x8192xi32>
    %eq3A_219 = arith.cmpi eq, %iota3A, %eq3A_218 : vector<256x8192xi32>
    %add3A_220 = vector.broadcast %mul3A_1 : i32 to vector<256xi32>
    %add3A_221 = arith.addi %reduce_min3A_216, %add3A_220 : vector<256xi32>
    %swap3A_222 = arith.constant 0 : index
    %swap3A_223 = arith.constant 0 : index
    %swap3A_224 = vector.load %arg58[%swap3A_222, %swap3A_223] : memref<16x256xi32, #tpu.memory_space<vmem>>, vector<1x256xi32>
    %swap3A_225 = vector.shape_cast %swap3A_224 : vector<1x256xi32> to vector<256xi32>
    %swap3A_226 = vector.shape_cast %add3A_221 : vector<256xi32> to vector<1x256xi32>
    tpu.vector_store %arg58[%swap3A_222, %swap3A_223], %swap3A_226 {strides = array<i32>} : memref<16x256xi32, #tpu.memory_space<vmem>>, vector<1x256xi32>,
    %convert_element_type3A = arith.extui %eq3A_219 : vector<256x8192xi1> to vector<256x8192xi32>
    %convert_element_type3A_227 = arith.sitofp %convert_element_type3A : vector<256x8192xi32> to vector<256x8192xf32>
    %dot_general3A_228 = arith.constant dense<0.000000e+00> : vector<256x3xf32>
    %dot_general3A_229 = tpu.matmul %convert_element_type3A_227, %concatenate3A_156, %dot_general3A_228 {dimension_numbers = #tpu.dot_dimension_numbers<[1], [0], [0], [1], [0, 0, 1, 1], [], []>, transpose_lhs_hint = false} : vector<256x8192xf32>, vector<8192x3xf32>, vector<256x3xf32> -> vector<256x3xf32>
    %jit3A_230 = arith.constant 0x7F800000 : f32
    %broadcast_in_dim3A_231 = vector.broadcast %jit3A_230 : f32 to vector<256x8192xf32>
    %select_n3A_232 = arith.select %eq3A_219, %broadcast_in_dim3A_231, %select_n3A : vector<256x8192xi1>, vector<256x8192xf32>
    %sub3A_233 = arith.subf %get3A_4, %dot_general3A_229 : vector<256x3xf32>
    %dot_general3A_234 = arith.constant dense<0.000000e+00> : vector<256x128xf32>
    %dot_general3A_235 = tpu.matmul %sub3A_233, %get3A_162, %dot_general3A_234 {dimension_numbers = #tpu.dot_dimension_numbers<[1], [0], [0], [1], [0, 0, 1, 1], [], []>, transpose_lhs_hint = false} : vector<256x3xf32>, vector<3x128xf32>, vector<256x128xf32> -> vector<256x128xf32>
    %add3A_236 = arith.addf %add3A_197, %dot_general3A_235 : vector<256x128xf32>
    %max3A_237 = arith.constant 0.000000e+00 : f32
    %max3A_238 = vector.broadcast %max3A_237 : f32 to vector<256x128xf32>
    %max3A_239 = arith.maximumf %add3A_236, %max3A_238 : vector<256x128xf32>
    %dot_general3A_240 = arith.constant dense<0.000000e+00> : vector<256x256xf32>
    %dot_general3A_241 = tpu.matmul %max3A_239, %get3A_168, %dot_general3A_240 {dimension_numbers = #tpu.dot_dimension_numbers<[1], [0], [0], [1], [0, 0, 1, 1], [], []>, transpose_lhs_hint = false} : vector<256x128xf32>, vector<128x256xf32>, vector<256x256xf32> -> vector<256x256xf32>
    %add3A_242 = vector.broadcast %get3A_171 : vector<1x256xf32> to vector<256x256xf32>
    %add3A_243 = arith.addf %dot_general3A_241, %add3A_242 : vector<256x256xf32>
    %max3A_244 = arith.constant 0.000000e+00 : f32
    %max3A_245 = vector.broadcast %max3A_244 : f32 to vector<256x256xf32>
    %max3A_246 = arith.maximumf %add3A_243, %max3A_245 : vector<256x256xf32>
    %swap3A_247 = arith.constant 0 : index
    %swap3A_248 = arith.constant 0 : index
    %swap3A_249 = arith.constant 0 : index
    %swap3A_250 = vector.load %arg59[%swap3A_247, %swap3A_248, %swap3A_249] : memref<16x256x256xf32, #tpu.memory_space<vmem>>, vector<1x256x256xf32>
    %swap3A_251 = vector.shape_cast %swap3A_250 : vector<1x256x256xf32> to vector<256x256xf32>
    %swap3A_252 = vector.shape_cast %max3A_246 : vector<256x256xf32> to vector<1x256x256xf32>
    tpu.vector_store %arg59[%swap3A_247, %swap3A_248, %swap3A_249], %swap3A_252 {strides = array<i32>} : memref<16x256x256xf32, #tpu.memory_space<vmem>>, vector<1x256x256xf32>,
    %reduce_min3A_253 = arith.constant dense<0x7F800000> : vector<256xf32>
    %reduce_min3A_254 = vector.multi_reduction <minimumf>, %select_n3A_232, %reduce_min3A_253 [1] : vector<256x8192xf32> to vector<256xf32>
    %broadcast_in_dim3A_255 = vector.shape_cast %reduce_min3A_254 : vector<256xf32> to vector<256x1xf32>
    %eq3A_256 = vector.broadcast %broadcast_in_dim3A_255 : vector<256x1xf32> to vector<256x8192xf32>
    %eq3A_257 = arith.cmpf oeq, %select_n3A_232, %eq3A_256 : vector<256x8192xf32>
    %jit3A_258 = arith.constant 8192 : i32
    %broadcast_in_dim3A_259 = vector.broadcast %jit3A_258 : i32 to vector<256x8192xi32>
    %select_n3A_260 = arith.select %eq3A_257, %iota3A, %broadcast_in_dim3A_259 : vector<256x8192xi1>, vector<256x8192xi32>
    %reduce_min3A_261 = arith.constant dense<2147483647> : vector<256xi32>
    %reduce_min3A_262 = vector.multi_reduction <minsi>, %select_n3A_260, %reduce_min3A_261 [1] : vector<256x8192xi32> to vector<256xi32>
    %broadcast_in_dim3A_263 = vector.shape_cast %reduce_min3A_262 : vector<256xi32> to vector<256x1xi32>
    %eq3A_264 = vector.broadcast %broadcast_in_dim3A_263 : vector<256x1xi32> to vector<256x8192xi32>
    %eq3A_265 = arith.cmpi eq, %iota3A, %eq3A_264 : vector<256x8192xi32>
    %add3A_266 = vector.broadcast %mul3A_1 : i32 to vector<256xi32>
    %add3A_267 = arith.addi %reduce_min3A_262, %add3A_266 : vector<256xi32>
    %swap3A_268 = arith.constant 1 : index
    %swap3A_269 = arith.constant 0 : index
    %swap3A_270 = vector.load %arg58[%swap3A_268, %swap3A_269] : memref<16x256xi32, #tpu.memory_space<vmem>>, vector<1x256xi32>
    %swap3A_271 = vector.shape_cast %swap3A_270 : vector<1x256xi32> to vector<256xi32>
    %swap3A_272 = vector.shape_cast %add3A_267 : vector<256xi32> to vector<1x256xi32>
    tpu.vector_store %arg58[%swap3A_268, %swap3A_269], %swap3A_272 {strides = array<i32>} : memref<16x256xi32, #tpu.memory_space<vmem>>, vector<1x256xi32>,
    %convert_element_type3A_273 = arith.extui %eq3A_265 : vector<256x8192xi1> to vector<256x8192xi32>
    %convert_element_type3A_274 = arith.sitofp %convert_element_type3A_273 : vector<256x8192xi32> to vector<256x8192xf32>
    %dot_general3A_275 = arith.constant dense<0.000000e+00> : vector<256x3xf32>
    %dot_general3A_276 = tpu.matmul %convert_element_type3A_274, %concatenate3A_156, %dot_general3A_275 {dimension_numbers = #tpu.dot_dimension_numbers<[1], [0], [0], [1], [0, 0, 1, 1], [], []>, transpose_lhs_hint = false} : vector<256x8192xf32>, vector<8192x3xf32>, vector<256x3xf32> -> vector<256x3xf32>
    %jit3A_277 = arith.constant 0x7F800000 : f32
    %broadcast_in_dim3A_278 = vector.broadcast %jit3A_277 : f32 to vector<256x8192xf32>
    %select_n3A_279 = arith.select %eq3A_265, %broadcast_in_dim3A_278, %select_n3A_232 : vector<256x8192xi1>, vector<256x8192xf32>
    %sub3A_280 = arith.subf %get3A_4, %dot_general3A_276 : vector<256x3xf32>
    %dot_general3A_281 = arith.constant dense<0.000000e+00> : vector<256x128xf32>
    %dot_general3A_282 = tpu.matmul %sub3A_280, %get3A_162, %dot_general3A_281 {dimension_numbers = #tpu.dot_dimension_numbers<[1], [0], [0], [1], [0, 0, 1, 1], [], []>, transpose_lhs_hint = false} : vector<256x3xf32>, vector<3x128xf32>, vector<256x128xf32> -> vector<256x128xf32>
    %add3A_283 = arith.addf %add3A_197, %dot_general3A_282 : vector<256x128xf32>
    %max3A_284 = arith.constant 0.000000e+00 : f32
    %max3A_285 = vector.broadcast %max3A_284 : f32 to vector<256x128xf32>
    %max3A_286 = arith.maximumf %add3A_283, %max3A_285 : vector<256x128xf32>
    %dot_general3A_287 = arith.constant dense<0.000000e+00> : vector<256x256xf32>
    %dot_general3A_288 = tpu.matmul %max3A_286, %get3A_168, %dot_general3A_287 {dimension_numbers = #tpu.dot_dimension_numbers<[1], [0], [0], [1], [0, 0, 1, 1], [], []>, transpose_lhs_hint = false} : vector<256x128xf32>, vector<128x256xf32>, vector<256x256xf32> -> vector<256x256xf32>
    %add3A_289 = vector.broadcast %get3A_171 : vector<1x256xf32> to vector<256x256xf32>
    %add3A_290 = arith.addf %dot_general3A_288, %add3A_289 : vector<256x256xf32>
    %max3A_291 = arith.constant 0.000000e+00 : f32
    %max3A_292 = vector.broadcast %max3A_291 : f32 to vector<256x256xf32>
    %max3A_293 = arith.maximumf %add3A_290, %max3A_292 : vector<256x256xf32>
    %swap3A_294 = arith.constant 1 : index
    %swap3A_295 = arith.constant 0 : index
    %swap3A_296 = arith.constant 0 : index
    %swap3A_297 = vector.load %arg59[%swap3A_294, %swap3A_295, %swap3A_296] : memref<16x256x256xf32, #tpu.memory_space<vmem>>, vector<1x256x256xf32>
    %swap3A_298 = vector.shape_cast %swap3A_297 : vector<1x256x256xf32> to vector<256x256xf32>
    %swap3A_299 = vector.shape_cast %max3A_293 : vector<256x256xf32> to vector<1x256x256xf32>
    tpu.vector_store %arg59[%swap3A_294, %swap3A_295, %swap3A_296], %swap3A_299 {strides = array<i32>} : memref<16x256x256xf32, #tpu.memory_space<vmem>>, vector<1x256x256xf32>,
    %reduce_min3A_300 = arith.constant dense<0x7F800000> : vector<256xf32>
    %reduce_min3A_301 = vector.multi_reduction <minimumf>, %select_n3A_279, %reduce_min3A_300 [1] : vector<256x8192xf32> to vector<256xf32>
    %broadcast_in_dim3A_302 = vector.shape_cast %reduce_min3A_301 : vector<256xf32> to vector<256x1xf32>
    %eq3A_303 = vector.broadcast %broadcast_in_dim3A_302 : vector<256x1xf32> to vector<256x8192xf32>
    %eq3A_304 = arith.cmpf oeq, %select_n3A_279, %eq3A_303 : vector<256x8192xf32>
    %jit3A_305 = arith.constant 8192 : i32
    %broadcast_in_dim3A_306 = vector.broadcast %jit3A_305 : i32 to vector<256x8192xi32>
    %select_n3A_307 = arith.select %eq3A_304, %iota3A, %broadcast_in_dim3A_306 : vector<256x8192xi1>, vector<256x8192xi32>
    %reduce_min3A_308 = arith.constant dense<2147483647> : vector<256xi32>
    %reduce_min3A_309 = vector.multi_reduction <minsi>, %select_n3A_307, %reduce_min3A_308 [1] : vector<256x8192xi32> to vector<256xi32>
    %broadcast_in_dim3A_310 = vector.shape_cast %reduce_min3A_309 : vector<256xi32> to vector<256x1xi32>
    %eq3A_311 = vector.broadcast %broadcast_in_dim3A_310 : vector<256x1xi32> to vector<256x8192xi32>
    %eq3A_312 = arith.cmpi eq, %iota3A, %eq3A_311 : vector<256x8192xi32>
    %add3A_313 = vector.broadcast %mul3A_1 : i32 to vector<256xi32>
    %add3A_314 = arith.addi %reduce_min3A_309, %add3A_313 : vector<256xi32>
    %swap3A_315 = arith.constant 2 : index
    %swap3A_316 = arith.constant 0 : index
    %swap3A_317 = vector.load %arg58[%swap3A_315, %swap3A_316] : memref<16x256xi32, #tpu.memory_space<vmem>>, vector<1x256xi32>
    %swap3A_318 = vector.shape_cast %swap3A_317 : vector<1x256xi32> to vector<256xi32>
    %swap3A_319 = vector.shape_cast %add3A_314 : vector<256xi32> to vector<1x256xi32>
    tpu.vector_store %arg58[%swap3A_315, %swap3A_316], %swap3A_319 {strides = array<i32>} : memref<16x256xi32, #tpu.memory_space<vmem>>, vector<1x256xi32>,
    %convert_element_type3A_320 = arith.extui %eq3A_312 : vector<256x8192xi1> to vector<256x8192xi32>
    %convert_element_type3A_321 = arith.sitofp %convert_element_type3A_320 : vector<256x8192xi32> to vector<256x8192xf32>
    %dot_general3A_322 = arith.constant dense<0.000000e+00> : vector<256x3xf32>
    %dot_general3A_323 = tpu.matmul %convert_element_type3A_321, %concatenate3A_156, %dot_general3A_322 {dimension_numbers = #tpu.dot_dimension_numbers<[1], [0], [0], [1], [0, 0, 1, 1], [], []>, transpose_lhs_hint = false} : vector<256x8192xf32>, vector<8192x3xf32>, vector<256x3xf32> -> vector<256x3xf32>
    %jit3A_324 = arith.constant 0x7F800000 : f32
    %broadcast_in_dim3A_325 = vector.broadcast %jit3A_324 : f32 to vector<256x8192xf32>
    %select_n3A_326 = arith.select %eq3A_312, %broadcast_in_dim3A_325, %select_n3A_279 : vector<256x8192xi1>, vector<256x8192xf32>
    %sub3A_327 = arith.subf %get3A_4, %dot_general3A_323 : vector<256x3xf32>
    %dot_general3A_328 = arith.constant dense<0.000000e+00> : vector<256x128xf32>
    %dot_general3A_329 = tpu.matmul %sub3A_327, %get3A_162, %dot_general3A_328 {dimension_numbers = #tpu.dot_dimension_numbers<[1], [0], [0], [1], [0, 0, 1, 1], [], []>, transpose_lhs_hint = false} : vector<256x3xf32>, vector<3x128xf32>, vector<256x128xf32> -> vector<256x128xf32>
    %add3A_330 = arith.addf %add3A_197, %dot_general3A_329 : vector<256x128xf32>
    %max3A_331 = arith.constant 0.000000e+00 : f32
    %max3A_332 = vector.broadcast %max3A_331 : f32 to vector<256x128xf32>
    %max3A_333 = arith.maximumf %add3A_330, %max3A_332 : vector<256x128xf32>
    %dot_general3A_334 = arith.constant dense<0.000000e+00> : vector<256x256xf32>
    %dot_general3A_335 = tpu.matmul %max3A_333, %get3A_168, %dot_general3A_334 {dimension_numbers = #tpu.dot_dimension_numbers<[1], [0], [0], [1], [0, 0, 1, 1], [], []>, transpose_lhs_hint = false} : vector<256x128xf32>, vector<128x256xf32>, vector<256x256xf32> -> vector<256x256xf32>
    %add3A_336 = vector.broadcast %get3A_171 : vector<1x256xf32> to vector<256x256xf32>
    %add3A_337 = arith.addf %dot_general3A_335, %add3A_336 : vector<256x256xf32>
    %max3A_338 = arith.constant 0.000000e+00 : f32
    %max3A_339 = vector.broadcast %max3A_338 : f32 to vector<256x256xf32>
    %max3A_340 = arith.maximumf %add3A_337, %max3A_339 : vector<256x256xf32>
    %swap3A_341 = arith.constant 2 : index
    %swap3A_342 = arith.constant 0 : index
    %swap3A_343 = arith.constant 0 : index
    %swap3A_344 = vector.load %arg59[%swap3A_341, %swap3A_342, %swap3A_343] : memref<16x256x256xf32, #tpu.memory_space<vmem>>, vector<1x256x256xf32>
    %swap3A_345 = vector.shape_cast %swap3A_344 : vector<1x256x256xf32> to vector<256x256xf32>
    %swap3A_346 = vector.shape_cast %max3A_340 : vector<256x256xf32> to vector<1x256x256xf32>
    tpu.vector_store %arg59[%swap3A_341, %swap3A_342, %swap3A_343], %swap3A_346 {strides = array<i32>} : memref<16x256x256xf32, #tpu.memory_space<vmem>>, vector<1x256x256xf32>,
    %reduce_min3A_347 = arith.constant dense<0x7F800000> : vector<256xf32>
    %reduce_min3A_348 = vector.multi_reduction <minimumf>, %select_n3A_326, %reduce_min3A_347 [1] : vector<256x8192xf32> to vector<256xf32>
    %broadcast_in_dim3A_349 = vector.shape_cast %reduce_min3A_348 : vector<256xf32> to vector<256x1xf32>
    %eq3A_350 = vector.broadcast %broadcast_in_dim3A_349 : vector<256x1xf32> to vector<256x8192xf32>
    %eq3A_351 = arith.cmpf oeq, %select_n3A_326, %eq3A_350 : vector<256x8192xf32>
    %jit3A_352 = arith.constant 8192 : i32
    %broadcast_in_dim3A_353 = vector.broadcast %jit3A_352 : i32 to vector<256x8192xi32>
    %select_n3A_354 = arith.select %eq3A_351, %iota3A, %broadcast_in_dim3A_353 : vector<256x8192xi1>, vector<256x8192xi32>
    %reduce_min3A_355 = arith.constant dense<2147483647> : vector<256xi32>
    %reduce_min3A_356 = vector.multi_reduction <minsi>, %select_n3A_354, %reduce_min3A_355 [1] : vector<256x8192xi32> to vector<256xi32>
    %broadcast_in_dim3A_357 = vector.shape_cast %reduce_min3A_356 : vector<256xi32> to vector<256x1xi32>
    %eq3A_358 = vector.broadcast %broadcast_in_dim3A_357 : vector<256x1xi32> to vector<256x8192xi32>
    %eq3A_359 = arith.cmpi eq, %iota3A, %eq3A_358 : vector<256x8192xi32>
    %add3A_360 = vector.broadcast %mul3A_1 : i32 to vector<256xi32>
    %add3A_361 = arith.addi %reduce_min3A_356, %add3A_360 : vector<256xi32>
    %swap3A_362 = arith.constant 3 : index
    %swap3A_363 = arith.constant 0 : index
    %swap3A_364 = vector.load %arg58[%swap3A_362, %swap3A_363] : memref<16x256xi32, #tpu.memory_space<vmem>>, vector<1x256xi32>
    %swap3A_365 = vector.shape_cast %swap3A_364 : vector<1x256xi32> to vector<256xi32>
    %swap3A_366 = vector.shape_cast %add3A_361 : vector<256xi32> to vector<1x256xi32>
    tpu.vector_store %arg58[%swap3A_362, %swap3A_363], %swap3A_366 {strides = array<i32>} : memref<16x256xi32, #tpu.memory_space<vmem>>, vector<1x256xi32>,
    %convert_element_type3A_367 = arith.extui %eq3A_359 : vector<256x8192xi1> to vector<256x8192xi32>
    %convert_element_type3A_368 = arith.sitofp %convert_element_type3A_367 : vector<256x8192xi32> to vector<256x8192xf32>
    %dot_general3A_369 = arith.constant dense<0.000000e+00> : vector<256x3xf32>
    %dot_general3A_370 = tpu.matmul %convert_element_type3A_368, %concatenate3A_156, %dot_general3A_369 {dimension_numbers = #tpu.dot_dimension_numbers<[1], [0], [0], [1], [0, 0, 1, 1], [], []>, transpose_lhs_hint = false} : vector<256x8192xf32>, vector<8192x3xf32>, vector<256x3xf32> -> vector<256x3xf32>
    %jit3A_371 = arith.constant 0x7F800000 : f32
    %broadcast_in_dim3A_372 = vector.broadcast %jit3A_371 : f32 to vector<256x8192xf32>
    %select_n3A_373 = arith.select %eq3A_359, %broadcast_in_dim3A_372, %select_n3A_326 : vector<256x8192xi1>, vector<256x8192xf32>
    %sub3A_374 = arith.subf %get3A_4, %dot_general3A_370 : vector<256x3xf32>
    %dot_general3A_375 = arith.constant dense<0.000000e+00> : vector<256x128xf32>
    %dot_general3A_376 = tpu.matmul %sub3A_374, %get3A_162, %dot_general3A_375 {dimension_numbers = #tpu.dot_dimension_numbers<[1], [0], [0], [1], [0, 0, 1, 1], [], []>, transpose_lhs_hint = false} : vector<256x3xf32>, vector<3x128xf32>, vector<256x128xf32> -> vector<256x128xf32>
    %add3A_377 = arith.addf %add3A_197, %dot_general3A_376 : vector<256x128xf32>
    %max3A_378 = arith.constant 0.000000e+00 : f32
    %max3A_379 = vector.broadcast %max3A_378 : f32 to vector<256x128xf32>
    %max3A_380 = arith.maximumf %add3A_377, %max3A_379 : vector<256x128xf32>
    %dot_general3A_381 = arith.constant dense<0.000000e+00> : vector<256x256xf32>
    %dot_general3A_382 = tpu.matmul %max3A_380, %get3A_168, %dot_general3A_381 {dimension_numbers = #tpu.dot_dimension_numbers<[1], [0], [0], [1], [0, 0, 1, 1], [], []>, transpose_lhs_hint = false} : vector<256x128xf32>, vector<128x256xf32>, vector<256x256xf32> -> vector<256x256xf32>
    %add3A_383 = vector.broadcast %get3A_171 : vector<1x256xf32> to vector<256x256xf32>
    %add3A_384 = arith.addf %dot_general3A_382, %add3A_383 : vector<256x256xf32>
    %max3A_385 = arith.constant 0.000000e+00 : f32
    %max3A_386 = vector.broadcast %max3A_385 : f32 to vector<256x256xf32>
    %max3A_387 = arith.maximumf %add3A_384, %max3A_386 : vector<256x256xf32>
    %swap3A_388 = arith.constant 3 : index
    %swap3A_389 = arith.constant 0 : index
    %swap3A_390 = arith.constant 0 : index
    %swap3A_391 = vector.load %arg59[%swap3A_388, %swap3A_389, %swap3A_390] : memref<16x256x256xf32, #tpu.memory_space<vmem>>, vector<1x256x256xf32>
    %swap3A_392 = vector.shape_cast %swap3A_391 : vector<1x256x256xf32> to vector<256x256xf32>
    %swap3A_393 = vector.shape_cast %max3A_387 : vector<256x256xf32> to vector<1x256x256xf32>
    tpu.vector_store %arg59[%swap3A_388, %swap3A_389, %swap3A_390], %swap3A_393 {strides = array<i32>} : memref<16x256x256xf32, #tpu.memory_space<vmem>>, vector<1x256x256xf32>,
    %reduce_min3A_394 = arith.constant dense<0x7F800000> : vector<256xf32>
    %reduce_min3A_395 = vector.multi_reduction <minimumf>, %select_n3A_373, %reduce_min3A_394 [1] : vector<256x8192xf32> to vector<256xf32>
    %broadcast_in_dim3A_396 = vector.shape_cast %reduce_min3A_395 : vector<256xf32> to vector<256x1xf32>
    %eq3A_397 = vector.broadcast %broadcast_in_dim3A_396 : vector<256x1xf32> to vector<256x8192xf32>
    %eq3A_398 = arith.cmpf oeq, %select_n3A_373, %eq3A_397 : vector<256x8192xf32>
    %jit3A_399 = arith.constant 8192 : i32
    %broadcast_in_dim3A_400 = vector.broadcast %jit3A_399 : i32 to vector<256x8192xi32>
    %select_n3A_401 = arith.select %eq3A_398, %iota3A, %broadcast_in_dim3A_400 : vector<256x8192xi1>, vector<256x8192xi32>
    %reduce_min3A_402 = arith.constant dense<2147483647> : vector<256xi32>
    %reduce_min3A_403 = vector.multi_reduction <minsi>, %select_n3A_401, %reduce_min3A_402 [1] : vector<256x8192xi32> to vector<256xi32>
    %broadcast_in_dim3A_404 = vector.shape_cast %reduce_min3A_403 : vector<256xi32> to vector<256x1xi32>
    %eq3A_405 = vector.broadcast %broadcast_in_dim3A_404 : vector<256x1xi32> to vector<256x8192xi32>
    %eq3A_406 = arith.cmpi eq, %iota3A, %eq3A_405 : vector<256x8192xi32>
    %add3A_407 = vector.broadcast %mul3A_1 : i32 to vector<256xi32>
    %add3A_408 = arith.addi %reduce_min3A_403, %add3A_407 : vector<256xi32>
    %swap3A_409 = arith.constant 4 : index
    %swap3A_410 = arith.constant 0 : index
    %swap3A_411 = vector.load %arg58[%swap3A_409, %swap3A_410] : memref<16x256xi32, #tpu.memory_space<vmem>>, vector<1x256xi32>
    %swap3A_412 = vector.shape_cast %swap3A_411 : vector<1x256xi32> to vector<256xi32>
    %swap3A_413 = vector.shape_cast %add3A_408 : vector<256xi32> to vector<1x256xi32>
    tpu.vector_store %arg58[%swap3A_409, %swap3A_410], %swap3A_413 {strides = array<i32>} : memref<16x256xi32, #tpu.memory_space<vmem>>, vector<1x256xi32>,
    %convert_element_type3A_414 = arith.extui %eq3A_406 : vector<256x8192xi1> to vector<256x8192xi32>
    %convert_element_type3A_415 = arith.sitofp %convert_element_type3A_414 : vector<256x8192xi32> to vector<256x8192xf32>
    %dot_general3A_416 = arith.constant dense<0.000000e+00> : vector<256x3xf32>
    %dot_general3A_417 = tpu.matmul %convert_element_type3A_415, %concatenate3A_156, %dot_general3A_416 {dimension_numbers = #tpu.dot_dimension_numbers<[1], [0], [0], [1], [0, 0, 1, 1], [], []>, transpose_lhs_hint = false} : vector<256x8192xf32>, vector<8192x3xf32>, vector<256x3xf32> -> vector<256x3xf32>
    %jit3A_418 = arith.constant 0x7F800000 : f32
    %broadcast_in_dim3A_419 = vector.broadcast %jit3A_418 : f32 to vector<256x8192xf32>
    %select_n3A_420 = arith.select %eq3A_406, %broadcast_in_dim3A_419, %select_n3A_373 : vector<256x8192xi1>, vector<256x8192xf32>
    %sub3A_421 = arith.subf %get3A_4, %dot_general3A_417 : vector<256x3xf32>
    %dot_general3A_422 = arith.constant dense<0.000000e+00> : vector<256x128xf32>
    %dot_general3A_423 = tpu.matmul %sub3A_421, %get3A_162, %dot_general3A_422 {dimension_numbers = #tpu.dot_dimension_numbers<[1], [0], [0], [1], [0, 0, 1, 1], [], []>, transpose_lhs_hint = false} : vector<256x3xf32>, vector<3x128xf32>, vector<256x128xf32> -> vector<256x128xf32>
    %add3A_424 = arith.addf %add3A_197, %dot_general3A_423 : vector<256x128xf32>
    %max3A_425 = arith.constant 0.000000e+00 : f32
    %max3A_426 = vector.broadcast %max3A_425 : f32 to vector<256x128xf32>
    %max3A_427 = arith.maximumf %add3A_424, %max3A_426 : vector<256x128xf32>
    %dot_general3A_428 = arith.constant dense<0.000000e+00> : vector<256x256xf32>
    %dot_general3A_429 = tpu.matmul %max3A_427, %get3A_168, %dot_general3A_428 {dimension_numbers = #tpu.dot_dimension_numbers<[1], [0], [0], [1], [0, 0, 1, 1], [], []>, transpose_lhs_hint = false} : vector<256x128xf32>, vector<128x256xf32>, vector<256x256xf32> -> vector<256x256xf32>
    %add3A_430 = vector.broadcast %get3A_171 : vector<1x256xf32> to vector<256x256xf32>
    %add3A_431 = arith.addf %dot_general3A_429, %add3A_430 : vector<256x256xf32>
    %max3A_432 = arith.constant 0.000000e+00 : f32
    %max3A_433 = vector.broadcast %max3A_432 : f32 to vector<256x256xf32>
    %max3A_434 = arith.maximumf %add3A_431, %max3A_433 : vector<256x256xf32>
    %swap3A_435 = arith.constant 4 : index
    %swap3A_436 = arith.constant 0 : index
    %swap3A_437 = arith.constant 0 : index
    %swap3A_438 = vector.load %arg59[%swap3A_435, %swap3A_436, %swap3A_437] : memref<16x256x256xf32, #tpu.memory_space<vmem>>, vector<1x256x256xf32>
    %swap3A_439 = vector.shape_cast %swap3A_438 : vector<1x256x256xf32> to vector<256x256xf32>
    %swap3A_440 = vector.shape_cast %max3A_434 : vector<256x256xf32> to vector<1x256x256xf32>
    tpu.vector_store %arg59[%swap3A_435, %swap3A_436, %swap3A_437], %swap3A_440 {strides = array<i32>} : memref<16x256x256xf32, #tpu.memory_space<vmem>>, vector<1x256x256xf32>,
    %reduce_min3A_441 = arith.constant dense<0x7F800000> : vector<256xf32>
    %reduce_min3A_442 = vector.multi_reduction <minimumf>, %select_n3A_420, %reduce_min3A_441 [1] : vector<256x8192xf32> to vector<256xf32>
    %broadcast_in_dim3A_443 = vector.shape_cast %reduce_min3A_442 : vector<256xf32> to vector<256x1xf32>
    %eq3A_444 = vector.broadcast %broadcast_in_dim3A_443 : vector<256x1xf32> to vector<256x8192xf32>
    %eq3A_445 = arith.cmpf oeq, %select_n3A_420, %eq3A_444 : vector<256x8192xf32>
    %jit3A_446 = arith.constant 8192 : i32
    %broadcast_in_dim3A_447 = vector.broadcast %jit3A_446 : i32 to vector<256x8192xi32>
    %select_n3A_448 = arith.select %eq3A_445, %iota3A, %broadcast_in_dim3A_447 : vector<256x8192xi1>, vector<256x8192xi32>
    %reduce_min3A_449 = arith.constant dense<2147483647> : vector<256xi32>
    %reduce_min3A_450 = vector.multi_reduction <minsi>, %select_n3A_448, %reduce_min3A_449 [1] : vector<256x8192xi32> to vector<256xi32>
    %broadcast_in_dim3A_451 = vector.shape_cast %reduce_min3A_450 : vector<256xi32> to vector<256x1xi32>
    %eq3A_452 = vector.broadcast %broadcast_in_dim3A_451 : vector<256x1xi32> to vector<256x8192xi32>
    %eq3A_453 = arith.cmpi eq, %iota3A, %eq3A_452 : vector<256x8192xi32>
    %add3A_454 = vector.broadcast %mul3A_1 : i32 to vector<256xi32>
    %add3A_455 = arith.addi %reduce_min3A_450, %add3A_454 : vector<256xi32>
    %swap3A_456 = arith.constant 5 : index
    %swap3A_457 = arith.constant 0 : index
    %swap3A_458 = vector.load %arg58[%swap3A_456, %swap3A_457] : memref<16x256xi32, #tpu.memory_space<vmem>>, vector<1x256xi32>
    %swap3A_459 = vector.shape_cast %swap3A_458 : vector<1x256xi32> to vector<256xi32>
    %swap3A_460 = vector.shape_cast %add3A_455 : vector<256xi32> to vector<1x256xi32>
    tpu.vector_store %arg58[%swap3A_456, %swap3A_457], %swap3A_460 {strides = array<i32>} : memref<16x256xi32, #tpu.memory_space<vmem>>, vector<1x256xi32>,
    %convert_element_type3A_461 = arith.extui %eq3A_453 : vector<256x8192xi1> to vector<256x8192xi32>
    %convert_element_type3A_462 = arith.sitofp %convert_element_type3A_461 : vector<256x8192xi32> to vector<256x8192xf32>
    %dot_general3A_463 = arith.constant dense<0.000000e+00> : vector<256x3xf32>
    %dot_general3A_464 = tpu.matmul %convert_element_type3A_462, %concatenate3A_156, %dot_general3A_463 {dimension_numbers = #tpu.dot_dimension_numbers<[1], [0], [0], [1], [0, 0, 1, 1], [], []>, transpose_lhs_hint = false} : vector<256x8192xf32>, vector<8192x3xf32>, vector<256x3xf32> -> vector<256x3xf32>
    %jit3A_465 = arith.constant 0x7F800000 : f32
    %broadcast_in_dim3A_466 = vector.broadcast %jit3A_465 : f32 to vector<256x8192xf32>
    %select_n3A_467 = arith.select %eq3A_453, %broadcast_in_dim3A_466, %select_n3A_420 : vector<256x8192xi1>, vector<256x8192xf32>
    %sub3A_468 = arith.subf %get3A_4, %dot_general3A_464 : vector<256x3xf32>
    %dot_general3A_469 = arith.constant dense<0.000000e+00> : vector<256x128xf32>
    %dot_general3A_470 = tpu.matmul %sub3A_468, %get3A_162, %dot_general3A_469 {dimension_numbers = #tpu.dot_dimension_numbers<[1], [0], [0], [1], [0, 0, 1, 1], [], []>, transpose_lhs_hint = false} : vector<256x3xf32>, vector<3x128xf32>, vector<256x128xf32> -> vector<256x128xf32>
    %add3A_471 = arith.addf %add3A_197, %dot_general3A_470 : vector<256x128xf32>
    %max3A_472 = arith.constant 0.000000e+00 : f32
    %max3A_473 = vector.broadcast %max3A_472 : f32 to vector<256x128xf32>
    %max3A_474 = arith.maximumf %add3A_471, %max3A_473 : vector<256x128xf32>
    %dot_general3A_475 = arith.constant dense<0.000000e+00> : vector<256x256xf32>
    %dot_general3A_476 = tpu.matmul %max3A_474, %get3A_168, %dot_general3A_475 {dimension_numbers = #tpu.dot_dimension_numbers<[1], [0], [0], [1], [0, 0, 1, 1], [], []>, transpose_lhs_hint = false} : vector<256x128xf32>, vector<128x256xf32>, vector<256x256xf32> -> vector<256x256xf32>
    %add3A_477 = vector.broadcast %get3A_171 : vector<1x256xf32> to vector<256x256xf32>
    %add3A_478 = arith.addf %dot_general3A_476, %add3A_477 : vector<256x256xf32>
    %max3A_479 = arith.constant 0.000000e+00 : f32
    %max3A_480 = vector.broadcast %max3A_479 : f32 to vector<256x256xf32>
    %max3A_481 = arith.maximumf %add3A_478, %max3A_480 : vector<256x256xf32>
    %swap3A_482 = arith.constant 5 : index
    %swap3A_483 = arith.constant 0 : index
    %swap3A_484 = arith.constant 0 : index
    %swap3A_485 = vector.load %arg59[%swap3A_482, %swap3A_483, %swap3A_484] : memref<16x256x256xf32, #tpu.memory_space<vmem>>, vector<1x256x256xf32>
    %swap3A_486 = vector.shape_cast %swap3A_485 : vector<1x256x256xf32> to vector<256x256xf32>
    %swap3A_487 = vector.shape_cast %max3A_481 : vector<256x256xf32> to vector<1x256x256xf32>
    tpu.vector_store %arg59[%swap3A_482, %swap3A_483, %swap3A_484], %swap3A_487 {strides = array<i32>} : memref<16x256x256xf32, #tpu.memory_space<vmem>>, vector<1x256x256xf32>,
    %reduce_min3A_488 = arith.constant dense<0x7F800000> : vector<256xf32>
    %reduce_min3A_489 = vector.multi_reduction <minimumf>, %select_n3A_467, %reduce_min3A_488 [1] : vector<256x8192xf32> to vector<256xf32>
    %broadcast_in_dim3A_490 = vector.shape_cast %reduce_min3A_489 : vector<256xf32> to vector<256x1xf32>
    %eq3A_491 = vector.broadcast %broadcast_in_dim3A_490 : vector<256x1xf32> to vector<256x8192xf32>
    %eq3A_492 = arith.cmpf oeq, %select_n3A_467, %eq3A_491 : vector<256x8192xf32>
    %jit3A_493 = arith.constant 8192 : i32
    %broadcast_in_dim3A_494 = vector.broadcast %jit3A_493 : i32 to vector<256x8192xi32>
    %select_n3A_495 = arith.select %eq3A_492, %iota3A, %broadcast_in_dim3A_494 : vector<256x8192xi1>, vector<256x8192xi32>
    %reduce_min3A_496 = arith.constant dense<2147483647> : vector<256xi32>
    %reduce_min3A_497 = vector.multi_reduction <minsi>, %select_n3A_495, %reduce_min3A_496 [1] : vector<256x8192xi32> to vector<256xi32>
    %broadcast_in_dim3A_498 = vector.shape_cast %reduce_min3A_497 : vector<256xi32> to vector<256x1xi32>
    %eq3A_499 = vector.broadcast %broadcast_in_dim3A_498 : vector<256x1xi32> to vector<256x8192xi32>
    %eq3A_500 = arith.cmpi eq, %iota3A, %eq3A_499 : vector<256x8192xi32>
    %add3A_501 = vector.broadcast %mul3A_1 : i32 to vector<256xi32>
    %add3A_502 = arith.addi %reduce_min3A_497, %add3A_501 : vector<256xi32>
    %swap3A_503 = arith.constant 6 : index
    %swap3A_504 = arith.constant 0 : index
    %swap3A_505 = vector.load %arg58[%swap3A_503, %swap3A_504] : memref<16x256xi32, #tpu.memory_space<vmem>>, vector<1x256xi32>
    %swap3A_506 = vector.shape_cast %swap3A_505 : vector<1x256xi32> to vector<256xi32>
    %swap3A_507 = vector.shape_cast %add3A_502 : vector<256xi32> to vector<1x256xi32>
    tpu.vector_store %arg58[%swap3A_503, %swap3A_504], %swap3A_507 {strides = array<i32>} : memref<16x256xi32, #tpu.memory_space<vmem>>, vector<1x256xi32>,
    %convert_element_type3A_508 = arith.extui %eq3A_500 : vector<256x8192xi1> to vector<256x8192xi32>
    %convert_element_type3A_509 = arith.sitofp %convert_element_type3A_508 : vector<256x8192xi32> to vector<256x8192xf32>
    %dot_general3A_510 = arith.constant dense<0.000000e+00> : vector<256x3xf32>
    %dot_general3A_511 = tpu.matmul %convert_element_type3A_509, %concatenate3A_156, %dot_general3A_510 {dimension_numbers = #tpu.dot_dimension_numbers<[1], [0], [0], [1], [0, 0, 1, 1], [], []>, transpose_lhs_hint = false} : vector<256x8192xf32>, vector<8192x3xf32>, vector<256x3xf32> -> vector<256x3xf32>
    %jit3A_512 = arith.constant 0x7F800000 : f32
    %broadcast_in_dim3A_513 = vector.broadcast %jit3A_512 : f32 to vector<256x8192xf32>
    %select_n3A_514 = arith.select %eq3A_500, %broadcast_in_dim3A_513, %select_n3A_467 : vector<256x8192xi1>, vector<256x8192xf32>
    %sub3A_515 = arith.subf %get3A_4, %dot_general3A_511 : vector<256x3xf32>
    %dot_general3A_516 = arith.constant dense<0.000000e+00> : vector<256x128xf32>
    %dot_general3A_517 = tpu.matmul %sub3A_515, %get3A_162, %dot_general3A_516 {dimension_numbers = #tpu.dot_dimension_numbers<[1], [0], [0], [1], [0, 0, 1, 1], [], []>, transpose_lhs_hint = false} : vector<256x3xf32>, vector<3x128xf32>, vector<256x128xf32> -> vector<256x128xf32>
    %add3A_518 = arith.addf %add3A_197, %dot_general3A_517 : vector<256x128xf32>
    %max3A_519 = arith.constant 0.000000e+00 : f32
    %max3A_520 = vector.broadcast %max3A_519 : f32 to vector<256x128xf32>
    %max3A_521 = arith.maximumf %add3A_518, %max3A_520 : vector<256x128xf32>
    %dot_general3A_522 = arith.constant dense<0.000000e+00> : vector<256x256xf32>
    %dot_general3A_523 = tpu.matmul %max3A_521, %get3A_168, %dot_general3A_522 {dimension_numbers = #tpu.dot_dimension_numbers<[1], [0], [0], [1], [0, 0, 1, 1], [], []>, transpose_lhs_hint = false} : vector<256x128xf32>, vector<128x256xf32>, vector<256x256xf32> -> vector<256x256xf32>
    %add3A_524 = vector.broadcast %get3A_171 : vector<1x256xf32> to vector<256x256xf32>
    %add3A_525 = arith.addf %dot_general3A_523, %add3A_524 : vector<256x256xf32>
    %max3A_526 = arith.constant 0.000000e+00 : f32
    %max3A_527 = vector.broadcast %max3A_526 : f32 to vector<256x256xf32>
    %max3A_528 = arith.maximumf %add3A_525, %max3A_527 : vector<256x256xf32>
    %swap3A_529 = arith.constant 6 : index
    %swap3A_530 = arith.constant 0 : index
    %swap3A_531 = arith.constant 0 : index
    %swap3A_532 = vector.load %arg59[%swap3A_529, %swap3A_530, %swap3A_531] : memref<16x256x256xf32, #tpu.memory_space<vmem>>, vector<1x256x256xf32>
    %swap3A_533 = vector.shape_cast %swap3A_532 : vector<1x256x256xf32> to vector<256x256xf32>
    %swap3A_534 = vector.shape_cast %max3A_528 : vector<256x256xf32> to vector<1x256x256xf32>
    tpu.vector_store %arg59[%swap3A_529, %swap3A_530, %swap3A_531], %swap3A_534 {strides = array<i32>} : memref<16x256x256xf32, #tpu.memory_space<vmem>>, vector<1x256x256xf32>,
    %reduce_min3A_535 = arith.constant dense<0x7F800000> : vector<256xf32>
    %reduce_min3A_536 = vector.multi_reduction <minimumf>, %select_n3A_514, %reduce_min3A_535 [1] : vector<256x8192xf32> to vector<256xf32>
    %broadcast_in_dim3A_537 = vector.shape_cast %reduce_min3A_536 : vector<256xf32> to vector<256x1xf32>
    %eq3A_538 = vector.broadcast %broadcast_in_dim3A_537 : vector<256x1xf32> to vector<256x8192xf32>
    %eq3A_539 = arith.cmpf oeq, %select_n3A_514, %eq3A_538 : vector<256x8192xf32>
    %jit3A_540 = arith.constant 8192 : i32
    %broadcast_in_dim3A_541 = vector.broadcast %jit3A_540 : i32 to vector<256x8192xi32>
    %select_n3A_542 = arith.select %eq3A_539, %iota3A, %broadcast_in_dim3A_541 : vector<256x8192xi1>, vector<256x8192xi32>
    %reduce_min3A_543 = arith.constant dense<2147483647> : vector<256xi32>
    %reduce_min3A_544 = vector.multi_reduction <minsi>, %select_n3A_542, %reduce_min3A_543 [1] : vector<256x8192xi32> to vector<256xi32>
    %broadcast_in_dim3A_545 = vector.shape_cast %reduce_min3A_544 : vector<256xi32> to vector<256x1xi32>
    %eq3A_546 = vector.broadcast %broadcast_in_dim3A_545 : vector<256x1xi32> to vector<256x8192xi32>
    %eq3A_547 = arith.cmpi eq, %iota3A, %eq3A_546 : vector<256x8192xi32>
    %add3A_548 = vector.broadcast %mul3A_1 : i32 to vector<256xi32>
    %add3A_549 = arith.addi %reduce_min3A_544, %add3A_548 : vector<256xi32>
    %swap3A_550 = arith.constant 7 : index
    %swap3A_551 = arith.constant 0 : index
    %swap3A_552 = vector.load %arg58[%swap3A_550, %swap3A_551] : memref<16x256xi32, #tpu.memory_space<vmem>>, vector<1x256xi32>
    %swap3A_553 = vector.shape_cast %swap3A_552 : vector<1x256xi32> to vector<256xi32>
    %swap3A_554 = vector.shape_cast %add3A_549 : vector<256xi32> to vector<1x256xi32>
    tpu.vector_store %arg58[%swap3A_550, %swap3A_551], %swap3A_554 {strides = array<i32>} : memref<16x256xi32, #tpu.memory_space<vmem>>, vector<1x256xi32>,
    %convert_element_type3A_555 = arith.extui %eq3A_547 : vector<256x8192xi1> to vector<256x8192xi32>
    %convert_element_type3A_556 = arith.sitofp %convert_element_type3A_555 : vector<256x8192xi32> to vector<256x8192xf32>
    %dot_general3A_557 = arith.constant dense<0.000000e+00> : vector<256x3xf32>
    %dot_general3A_558 = tpu.matmul %convert_element_type3A_556, %concatenate3A_156, %dot_general3A_557 {dimension_numbers = #tpu.dot_dimension_numbers<[1], [0], [0], [1], [0, 0, 1, 1], [], []>, transpose_lhs_hint = false} : vector<256x8192xf32>, vector<8192x3xf32>, vector<256x3xf32> -> vector<256x3xf32>
    %jit3A_559 = arith.constant 0x7F800000 : f32
    %broadcast_in_dim3A_560 = vector.broadcast %jit3A_559 : f32 to vector<256x8192xf32>
    %select_n3A_561 = arith.select %eq3A_547, %broadcast_in_dim3A_560, %select_n3A_514 : vector<256x8192xi1>, vector<256x8192xf32>
    %sub3A_562 = arith.subf %get3A_4, %dot_general3A_558 : vector<256x3xf32>
    %dot_general3A_563 = arith.constant dense<0.000000e+00> : vector<256x128xf32>
    %dot_general3A_564 = tpu.matmul %sub3A_562, %get3A_162, %dot_general3A_563 {dimension_numbers = #tpu.dot_dimension_numbers<[1], [0], [0], [1], [0, 0, 1, 1], [], []>, transpose_lhs_hint = false} : vector<256x3xf32>, vector<3x128xf32>, vector<256x128xf32> -> vector<256x128xf32>
    %add3A_565 = arith.addf %add3A_197, %dot_general3A_564 : vector<256x128xf32>
    %max3A_566 = arith.constant 0.000000e+00 : f32
    %max3A_567 = vector.broadcast %max3A_566 : f32 to vector<256x128xf32>
    %max3A_568 = arith.maximumf %add3A_565, %max3A_567 : vector<256x128xf32>
    %dot_general3A_569 = arith.constant dense<0.000000e+00> : vector<256x256xf32>
    %dot_general3A_570 = tpu.matmul %max3A_568, %get3A_168, %dot_general3A_569 {dimension_numbers = #tpu.dot_dimension_numbers<[1], [0], [0], [1], [0, 0, 1, 1], [], []>, transpose_lhs_hint = false} : vector<256x128xf32>, vector<128x256xf32>, vector<256x256xf32> -> vector<256x256xf32>
    %add3A_571 = vector.broadcast %get3A_171 : vector<1x256xf32> to vector<256x256xf32>
    %add3A_572 = arith.addf %dot_general3A_570, %add3A_571 : vector<256x256xf32>
    %max3A_573 = arith.constant 0.000000e+00 : f32
    %max3A_574 = vector.broadcast %max3A_573 : f32 to vector<256x256xf32>
    %max3A_575 = arith.maximumf %add3A_572, %max3A_574 : vector<256x256xf32>
    %swap3A_576 = arith.constant 7 : index
    %swap3A_577 = arith.constant 0 : index
    %swap3A_578 = arith.constant 0 : index
    %swap3A_579 = vector.load %arg59[%swap3A_576, %swap3A_577, %swap3A_578] : memref<16x256x256xf32, #tpu.memory_space<vmem>>, vector<1x256x256xf32>
    %swap3A_580 = vector.shape_cast %swap3A_579 : vector<1x256x256xf32> to vector<256x256xf32>
    %swap3A_581 = vector.shape_cast %max3A_575 : vector<256x256xf32> to vector<1x256x256xf32>
    tpu.vector_store %arg59[%swap3A_576, %swap3A_577, %swap3A_578], %swap3A_581 {strides = array<i32>} : memref<16x256x256xf32, #tpu.memory_space<vmem>>, vector<1x256x256xf32>,
    %reduce_min3A_582 = arith.constant dense<0x7F800000> : vector<256xf32>
    %reduce_min3A_583 = vector.multi_reduction <minimumf>, %select_n3A_561, %reduce_min3A_582 [1] : vector<256x8192xf32> to vector<256xf32>
    %broadcast_in_dim3A_584 = vector.shape_cast %reduce_min3A_583 : vector<256xf32> to vector<256x1xf32>
    %eq3A_585 = vector.broadcast %broadcast_in_dim3A_584 : vector<256x1xf32> to vector<256x8192xf32>
    %eq3A_586 = arith.cmpf oeq, %select_n3A_561, %eq3A_585 : vector<256x8192xf32>
    %jit3A_587 = arith.constant 8192 : i32
    %broadcast_in_dim3A_588 = vector.broadcast %jit3A_587 : i32 to vector<256x8192xi32>
    %select_n3A_589 = arith.select %eq3A_586, %iota3A, %broadcast_in_dim3A_588 : vector<256x8192xi1>, vector<256x8192xi32>
    %reduce_min3A_590 = arith.constant dense<2147483647> : vector<256xi32>
    %reduce_min3A_591 = vector.multi_reduction <minsi>, %select_n3A_589, %reduce_min3A_590 [1] : vector<256x8192xi32> to vector<256xi32>
    %broadcast_in_dim3A_592 = vector.shape_cast %reduce_min3A_591 : vector<256xi32> to vector<256x1xi32>
    %eq3A_593 = vector.broadcast %broadcast_in_dim3A_592 : vector<256x1xi32> to vector<256x8192xi32>
    %eq3A_594 = arith.cmpi eq, %iota3A, %eq3A_593 : vector<256x8192xi32>
    %add3A_595 = vector.broadcast %mul3A_1 : i32 to vector<256xi32>
    %add3A_596 = arith.addi %reduce_min3A_591, %add3A_595 : vector<256xi32>
    %swap3A_597 = arith.constant 8 : index
    %swap3A_598 = arith.constant 0 : index
    %swap3A_599 = vector.load %arg58[%swap3A_597, %swap3A_598] : memref<16x256xi32, #tpu.memory_space<vmem>>, vector<1x256xi32>
    %swap3A_600 = vector.shape_cast %swap3A_599 : vector<1x256xi32> to vector<256xi32>
    %swap3A_601 = vector.shape_cast %add3A_596 : vector<256xi32> to vector<1x256xi32>
    tpu.vector_store %arg58[%swap3A_597, %swap3A_598], %swap3A_601 {strides = array<i32>} : memref<16x256xi32, #tpu.memory_space<vmem>>, vector<1x256xi32>,
    %convert_element_type3A_602 = arith.extui %eq3A_594 : vector<256x8192xi1> to vector<256x8192xi32>
    %convert_element_type3A_603 = arith.sitofp %convert_element_type3A_602 : vector<256x8192xi32> to vector<256x8192xf32>
    %dot_general3A_604 = arith.constant dense<0.000000e+00> : vector<256x3xf32>
    %dot_general3A_605 = tpu.matmul %convert_element_type3A_603, %concatenate3A_156, %dot_general3A_604 {dimension_numbers = #tpu.dot_dimension_numbers<[1], [0], [0], [1], [0, 0, 1, 1], [], []>, transpose_lhs_hint = false} : vector<256x8192xf32>, vector<8192x3xf32>, vector<256x3xf32> -> vector<256x3xf32>
    %jit3A_606 = arith.constant 0x7F800000 : f32
    %broadcast_in_dim3A_607 = vector.broadcast %jit3A_606 : f32 to vector<256x8192xf32>
    %select_n3A_608 = arith.select %eq3A_594, %broadcast_in_dim3A_607, %select_n3A_561 : vector<256x8192xi1>, vector<256x8192xf32>
    %sub3A_609 = arith.subf %get3A_4, %dot_general3A_605 : vector<256x3xf32>
    %dot_general3A_610 = arith.constant dense<0.000000e+00> : vector<256x128xf32>
    %dot_general3A_611 = tpu.matmul %sub3A_609, %get3A_162, %dot_general3A_610 {dimension_numbers = #tpu.dot_dimension_numbers<[1], [0], [0], [1], [0, 0, 1, 1], [], []>, transpose_lhs_hint = false} : vector<256x3xf32>, vector<3x128xf32>, vector<256x128xf32> -> vector<256x128xf32>
    %add3A_612 = arith.addf %add3A_197, %dot_general3A_611 : vector<256x128xf32>
    %max3A_613 = arith.constant 0.000000e+00 : f32
    %max3A_614 = vector.broadcast %max3A_613 : f32 to vector<256x128xf32>
    %max3A_615 = arith.maximumf %add3A_612, %max3A_614 : vector<256x128xf32>
    %dot_general3A_616 = arith.constant dense<0.000000e+00> : vector<256x256xf32>
    %dot_general3A_617 = tpu.matmul %max3A_615, %get3A_168, %dot_general3A_616 {dimension_numbers = #tpu.dot_dimension_numbers<[1], [0], [0], [1], [0, 0, 1, 1], [], []>, transpose_lhs_hint = false} : vector<256x128xf32>, vector<128x256xf32>, vector<256x256xf32> -> vector<256x256xf32>
    %add3A_618 = vector.broadcast %get3A_171 : vector<1x256xf32> to vector<256x256xf32>
    %add3A_619 = arith.addf %dot_general3A_617, %add3A_618 : vector<256x256xf32>
    %max3A_620 = arith.constant 0.000000e+00 : f32
    %max3A_621 = vector.broadcast %max3A_620 : f32 to vector<256x256xf32>
    %max3A_622 = arith.maximumf %add3A_619, %max3A_621 : vector<256x256xf32>
    %swap3A_623 = arith.constant 8 : index
    %swap3A_624 = arith.constant 0 : index
    %swap3A_625 = arith.constant 0 : index
    %swap3A_626 = vector.load %arg59[%swap3A_623, %swap3A_624, %swap3A_625] : memref<16x256x256xf32, #tpu.memory_space<vmem>>, vector<1x256x256xf32>
    %swap3A_627 = vector.shape_cast %swap3A_626 : vector<1x256x256xf32> to vector<256x256xf32>
    %swap3A_628 = vector.shape_cast %max3A_622 : vector<256x256xf32> to vector<1x256x256xf32>
    tpu.vector_store %arg59[%swap3A_623, %swap3A_624, %swap3A_625], %swap3A_628 {strides = array<i32>} : memref<16x256x256xf32, #tpu.memory_space<vmem>>, vector<1x256x256xf32>,
    %reduce_min3A_629 = arith.constant dense<0x7F800000> : vector<256xf32>
    %reduce_min3A_630 = vector.multi_reduction <minimumf>, %select_n3A_608, %reduce_min3A_629 [1] : vector<256x8192xf32> to vector<256xf32>
    %broadcast_in_dim3A_631 = vector.shape_cast %reduce_min3A_630 : vector<256xf32> to vector<256x1xf32>
    %eq3A_632 = vector.broadcast %broadcast_in_dim3A_631 : vector<256x1xf32> to vector<256x8192xf32>
    %eq3A_633 = arith.cmpf oeq, %select_n3A_608, %eq3A_632 : vector<256x8192xf32>
    %jit3A_634 = arith.constant 8192 : i32
    %broadcast_in_dim3A_635 = vector.broadcast %jit3A_634 : i32 to vector<256x8192xi32>
    %select_n3A_636 = arith.select %eq3A_633, %iota3A, %broadcast_in_dim3A_635 : vector<256x8192xi1>, vector<256x8192xi32>
    %reduce_min3A_637 = arith.constant dense<2147483647> : vector<256xi32>
    %reduce_min3A_638 = vector.multi_reduction <minsi>, %select_n3A_636, %reduce_min3A_637 [1] : vector<256x8192xi32> to vector<256xi32>
    %broadcast_in_dim3A_639 = vector.shape_cast %reduce_min3A_638 : vector<256xi32> to vector<256x1xi32>
    %eq3A_640 = vector.broadcast %broadcast_in_dim3A_639 : vector<256x1xi32> to vector<256x8192xi32>
    %eq3A_641 = arith.cmpi eq, %iota3A, %eq3A_640 : vector<256x8192xi32>
    %add3A_642 = vector.broadcast %mul3A_1 : i32 to vector<256xi32>
    %add3A_643 = arith.addi %reduce_min3A_638, %add3A_642 : vector<256xi32>
    %swap3A_644 = arith.constant 9 : index
    %swap3A_645 = arith.constant 0 : index
    %swap3A_646 = vector.load %arg58[%swap3A_644, %swap3A_645] : memref<16x256xi32, #tpu.memory_space<vmem>>, vector<1x256xi32>
    %swap3A_647 = vector.shape_cast %swap3A_646 : vector<1x256xi32> to vector<256xi32>
    %swap3A_648 = vector.shape_cast %add3A_643 : vector<256xi32> to vector<1x256xi32>
    tpu.vector_store %arg58[%swap3A_644, %swap3A_645], %swap3A_648 {strides = array<i32>} : memref<16x256xi32, #tpu.memory_space<vmem>>, vector<1x256xi32>,
    %convert_element_type3A_649 = arith.extui %eq3A_641 : vector<256x8192xi1> to vector<256x8192xi32>
    %convert_element_type3A_650 = arith.sitofp %convert_element_type3A_649 : vector<256x8192xi32> to vector<256x8192xf32>
    %dot_general3A_651 = arith.constant dense<0.000000e+00> : vector<256x3xf32>
    %dot_general3A_652 = tpu.matmul %convert_element_type3A_650, %concatenate3A_156, %dot_general3A_651 {dimension_numbers = #tpu.dot_dimension_numbers<[1], [0], [0], [1], [0, 0, 1, 1], [], []>, transpose_lhs_hint = false} : vector<256x8192xf32>, vector<8192x3xf32>, vector<256x3xf32> -> vector<256x3xf32>
    %jit3A_653 = arith.constant 0x7F800000 : f32
    %broadcast_in_dim3A_654 = vector.broadcast %jit3A_653 : f32 to vector<256x8192xf32>
    %select_n3A_655 = arith.select %eq3A_641, %broadcast_in_dim3A_654, %select_n3A_608 : vector<256x8192xi1>, vector<256x8192xf32>
    %sub3A_656 = arith.subf %get3A_4, %dot_general3A_652 : vector<256x3xf32>
    %dot_general3A_657 = arith.constant dense<0.000000e+00> : vector<256x128xf32>
    %dot_general3A_658 = tpu.matmul %sub3A_656, %get3A_162, %dot_general3A_657 {dimension_numbers = #tpu.dot_dimension_numbers<[1], [0], [0], [1], [0, 0, 1, 1], [], []>, transpose_lhs_hint = false} : vector<256x3xf32>, vector<3x128xf32>, vector<256x128xf32> -> vector<256x128xf32>
    %add3A_659 = arith.addf %add3A_197, %dot_general3A_658 : vector<256x128xf32>
    %max3A_660 = arith.constant 0.000000e+00 : f32
    %max3A_661 = vector.broadcast %max3A_660 : f32 to vector<256x128xf32>
    %max3A_662 = arith.maximumf %add3A_659, %max3A_661 : vector<256x128xf32>
    %dot_general3A_663 = arith.constant dense<0.000000e+00> : vector<256x256xf32>
    %dot_general3A_664 = tpu.matmul %max3A_662, %get3A_168, %dot_general3A_663 {dimension_numbers = #tpu.dot_dimension_numbers<[1], [0], [0], [1], [0, 0, 1, 1], [], []>, transpose_lhs_hint = false} : vector<256x128xf32>, vector<128x256xf32>, vector<256x256xf32> -> vector<256x256xf32>
    %add3A_665 = vector.broadcast %get3A_171 : vector<1x256xf32> to vector<256x256xf32>
    %add3A_666 = arith.addf %dot_general3A_664, %add3A_665 : vector<256x256xf32>
    %max3A_667 = arith.constant 0.000000e+00 : f32
    %max3A_668 = vector.broadcast %max3A_667 : f32 to vector<256x256xf32>
    %max3A_669 = arith.maximumf %add3A_666, %max3A_668 : vector<256x256xf32>
    %swap3A_670 = arith.constant 9 : index
    %swap3A_671 = arith.constant 0 : index
    %swap3A_672 = arith.constant 0 : index
    %swap3A_673 = vector.load %arg59[%swap3A_670, %swap3A_671, %swap3A_672] : memref<16x256x256xf32, #tpu.memory_space<vmem>>, vector<1x256x256xf32>
    %swap3A_674 = vector.shape_cast %swap3A_673 : vector<1x256x256xf32> to vector<256x256xf32>
    %swap3A_675 = vector.shape_cast %max3A_669 : vector<256x256xf32> to vector<1x256x256xf32>
    tpu.vector_store %arg59[%swap3A_670, %swap3A_671, %swap3A_672], %swap3A_675 {strides = array<i32>} : memref<16x256x256xf32, #tpu.memory_space<vmem>>, vector<1x256x256xf32>,
    %reduce_min3A_676 = arith.constant dense<0x7F800000> : vector<256xf32>
    %reduce_min3A_677 = vector.multi_reduction <minimumf>, %select_n3A_655, %reduce_min3A_676 [1] : vector<256x8192xf32> to vector<256xf32>
    %broadcast_in_dim3A_678 = vector.shape_cast %reduce_min3A_677 : vector<256xf32> to vector<256x1xf32>
    %eq3A_679 = vector.broadcast %broadcast_in_dim3A_678 : vector<256x1xf32> to vector<256x8192xf32>
    %eq3A_680 = arith.cmpf oeq, %select_n3A_655, %eq3A_679 : vector<256x8192xf32>
    %jit3A_681 = arith.constant 8192 : i32
    %broadcast_in_dim3A_682 = vector.broadcast %jit3A_681 : i32 to vector<256x8192xi32>
    %select_n3A_683 = arith.select %eq3A_680, %iota3A, %broadcast_in_dim3A_682 : vector<256x8192xi1>, vector<256x8192xi32>
    %reduce_min3A_684 = arith.constant dense<2147483647> : vector<256xi32>
    %reduce_min3A_685 = vector.multi_reduction <minsi>, %select_n3A_683, %reduce_min3A_684 [1] : vector<256x8192xi32> to vector<256xi32>
    %broadcast_in_dim3A_686 = vector.shape_cast %reduce_min3A_685 : vector<256xi32> to vector<256x1xi32>
    %eq3A_687 = vector.broadcast %broadcast_in_dim3A_686 : vector<256x1xi32> to vector<256x8192xi32>
    %eq3A_688 = arith.cmpi eq, %iota3A, %eq3A_687 : vector<256x8192xi32>
    %add3A_689 = vector.broadcast %mul3A_1 : i32 to vector<256xi32>
    %add3A_690 = arith.addi %reduce_min3A_685, %add3A_689 : vector<256xi32>
    %swap3A_691 = arith.constant 10 : index
    %swap3A_692 = arith.constant 0 : index
    %swap3A_693 = vector.load %arg58[%swap3A_691, %swap3A_692] : memref<16x256xi32, #tpu.memory_space<vmem>>, vector<1x256xi32>
    %swap3A_694 = vector.shape_cast %swap3A_693 : vector<1x256xi32> to vector<256xi32>
    %swap3A_695 = vector.shape_cast %add3A_690 : vector<256xi32> to vector<1x256xi32>
    tpu.vector_store %arg58[%swap3A_691, %swap3A_692], %swap3A_695 {strides = array<i32>} : memref<16x256xi32, #tpu.memory_space<vmem>>, vector<1x256xi32>,
    %convert_element_type3A_696 = arith.extui %eq3A_688 : vector<256x8192xi1> to vector<256x8192xi32>
    %convert_element_type3A_697 = arith.sitofp %convert_element_type3A_696 : vector<256x8192xi32> to vector<256x8192xf32>
    %dot_general3A_698 = arith.constant dense<0.000000e+00> : vector<256x3xf32>
    %dot_general3A_699 = tpu.matmul %convert_element_type3A_697, %concatenate3A_156, %dot_general3A_698 {dimension_numbers = #tpu.dot_dimension_numbers<[1], [0], [0], [1], [0, 0, 1, 1], [], []>, transpose_lhs_hint = false} : vector<256x8192xf32>, vector<8192x3xf32>, vector<256x3xf32> -> vector<256x3xf32>
    %jit3A_700 = arith.constant 0x7F800000 : f32
    %broadcast_in_dim3A_701 = vector.broadcast %jit3A_700 : f32 to vector<256x8192xf32>
    %select_n3A_702 = arith.select %eq3A_688, %broadcast_in_dim3A_701, %select_n3A_655 : vector<256x8192xi1>, vector<256x8192xf32>
    %sub3A_703 = arith.subf %get3A_4, %dot_general3A_699 : vector<256x3xf32>
    %dot_general3A_704 = arith.constant dense<0.000000e+00> : vector<256x128xf32>
    %dot_general3A_705 = tpu.matmul %sub3A_703, %get3A_162, %dot_general3A_704 {dimension_numbers = #tpu.dot_dimension_numbers<[1], [0], [0], [1], [0, 0, 1, 1], [], []>, transpose_lhs_hint = false} : vector<256x3xf32>, vector<3x128xf32>, vector<256x128xf32> -> vector<256x128xf32>
    %add3A_706 = arith.addf %add3A_197, %dot_general3A_705 : vector<256x128xf32>
    %max3A_707 = arith.constant 0.000000e+00 : f32
    %max3A_708 = vector.broadcast %max3A_707 : f32 to vector<256x128xf32>
    %max3A_709 = arith.maximumf %add3A_706, %max3A_708 : vector<256x128xf32>
    %dot_general3A_710 = arith.constant dense<0.000000e+00> : vector<256x256xf32>
    %dot_general3A_711 = tpu.matmul %max3A_709, %get3A_168, %dot_general3A_710 {dimension_numbers = #tpu.dot_dimension_numbers<[1], [0], [0], [1], [0, 0, 1, 1], [], []>, transpose_lhs_hint = false} : vector<256x128xf32>, vector<128x256xf32>, vector<256x256xf32> -> vector<256x256xf32>
    %add3A_712 = vector.broadcast %get3A_171 : vector<1x256xf32> to vector<256x256xf32>
    %add3A_713 = arith.addf %dot_general3A_711, %add3A_712 : vector<256x256xf32>
    %max3A_714 = arith.constant 0.000000e+00 : f32
    %max3A_715 = vector.broadcast %max3A_714 : f32 to vector<256x256xf32>
    %max3A_716 = arith.maximumf %add3A_713, %max3A_715 : vector<256x256xf32>
    %swap3A_717 = arith.constant 10 : index
    %swap3A_718 = arith.constant 0 : index
    %swap3A_719 = arith.constant 0 : index
    %swap3A_720 = vector.load %arg59[%swap3A_717, %swap3A_718, %swap3A_719] : memref<16x256x256xf32, #tpu.memory_space<vmem>>, vector<1x256x256xf32>
    %swap3A_721 = vector.shape_cast %swap3A_720 : vector<1x256x256xf32> to vector<256x256xf32>
    %swap3A_722 = vector.shape_cast %max3A_716 : vector<256x256xf32> to vector<1x256x256xf32>
    tpu.vector_store %arg59[%swap3A_717, %swap3A_718, %swap3A_719], %swap3A_722 {strides = array<i32>} : memref<16x256x256xf32, #tpu.memory_space<vmem>>, vector<1x256x256xf32>,
    %reduce_min3A_723 = arith.constant dense<0x7F800000> : vector<256xf32>
    %reduce_min3A_724 = vector.multi_reduction <minimumf>, %select_n3A_702, %reduce_min3A_723 [1] : vector<256x8192xf32> to vector<256xf32>
    %broadcast_in_dim3A_725 = vector.shape_cast %reduce_min3A_724 : vector<256xf32> to vector<256x1xf32>
    %eq3A_726 = vector.broadcast %broadcast_in_dim3A_725 : vector<256x1xf32> to vector<256x8192xf32>
    %eq3A_727 = arith.cmpf oeq, %select_n3A_702, %eq3A_726 : vector<256x8192xf32>
    %jit3A_728 = arith.constant 8192 : i32
    %broadcast_in_dim3A_729 = vector.broadcast %jit3A_728 : i32 to vector<256x8192xi32>
    %select_n3A_730 = arith.select %eq3A_727, %iota3A, %broadcast_in_dim3A_729 : vector<256x8192xi1>, vector<256x8192xi32>
    %reduce_min3A_731 = arith.constant dense<2147483647> : vector<256xi32>
    %reduce_min3A_732 = vector.multi_reduction <minsi>, %select_n3A_730, %reduce_min3A_731 [1] : vector<256x8192xi32> to vector<256xi32>
    %broadcast_in_dim3A_733 = vector.shape_cast %reduce_min3A_732 : vector<256xi32> to vector<256x1xi32>
    %eq3A_734 = vector.broadcast %broadcast_in_dim3A_733 : vector<256x1xi32> to vector<256x8192xi32>
    %eq3A_735 = arith.cmpi eq, %iota3A, %eq3A_734 : vector<256x8192xi32>
    %add3A_736 = vector.broadcast %mul3A_1 : i32 to vector<256xi32>
    %add3A_737 = arith.addi %reduce_min3A_732, %add3A_736 : vector<256xi32>
    %swap3A_738 = arith.constant 11 : index
    %swap3A_739 = arith.constant 0 : index
    %swap3A_740 = vector.load %arg58[%swap3A_738, %swap3A_739] : memref<16x256xi32, #tpu.memory_space<vmem>>, vector<1x256xi32>
    %swap3A_741 = vector.shape_cast %swap3A_740 : vector<1x256xi32> to vector<256xi32>
    %swap3A_742 = vector.shape_cast %add3A_737 : vector<256xi32> to vector<1x256xi32>
    tpu.vector_store %arg58[%swap3A_738, %swap3A_739], %swap3A_742 {strides = array<i32>} : memref<16x256xi32, #tpu.memory_space<vmem>>, vector<1x256xi32>,
    %convert_element_type3A_743 = arith.extui %eq3A_735 : vector<256x8192xi1> to vector<256x8192xi32>
    %convert_element_type3A_744 = arith.sitofp %convert_element_type3A_743 : vector<256x8192xi32> to vector<256x8192xf32>
    %dot_general3A_745 = arith.constant dense<0.000000e+00> : vector<256x3xf32>
    %dot_general3A_746 = tpu.matmul %convert_element_type3A_744, %concatenate3A_156, %dot_general3A_745 {dimension_numbers = #tpu.dot_dimension_numbers<[1], [0], [0], [1], [0, 0, 1, 1], [], []>, transpose_lhs_hint = false} : vector<256x8192xf32>, vector<8192x3xf32>, vector<256x3xf32> -> vector<256x3xf32>
    %jit3A_747 = arith.constant 0x7F800000 : f32
    %broadcast_in_dim3A_748 = vector.broadcast %jit3A_747 : f32 to vector<256x8192xf32>
    %select_n3A_749 = arith.select %eq3A_735, %broadcast_in_dim3A_748, %select_n3A_702 : vector<256x8192xi1>, vector<256x8192xf32>
    %sub3A_750 = arith.subf %get3A_4, %dot_general3A_746 : vector<256x3xf32>
    %dot_general3A_751 = arith.constant dense<0.000000e+00> : vector<256x128xf32>
    %dot_general3A_752 = tpu.matmul %sub3A_750, %get3A_162, %dot_general3A_751 {dimension_numbers = #tpu.dot_dimension_numbers<[1], [0], [0], [1], [0, 0, 1, 1], [], []>, transpose_lhs_hint = false} : vector<256x3xf32>, vector<3x128xf32>, vector<256x128xf32> -> vector<256x128xf32>
    %add3A_753 = arith.addf %add3A_197, %dot_general3A_752 : vector<256x128xf32>
    %max3A_754 = arith.constant 0.000000e+00 : f32
    %max3A_755 = vector.broadcast %max3A_754 : f32 to vector<256x128xf32>
    %max3A_756 = arith.maximumf %add3A_753, %max3A_755 : vector<256x128xf32>
    %dot_general3A_757 = arith.constant dense<0.000000e+00> : vector<256x256xf32>
    %dot_general3A_758 = tpu.matmul %max3A_756, %get3A_168, %dot_general3A_757 {dimension_numbers = #tpu.dot_dimension_numbers<[1], [0], [0], [1], [0, 0, 1, 1], [], []>, transpose_lhs_hint = false} : vector<256x128xf32>, vector<128x256xf32>, vector<256x256xf32> -> vector<256x256xf32>
    %add3A_759 = vector.broadcast %get3A_171 : vector<1x256xf32> to vector<256x256xf32>
    %add3A_760 = arith.addf %dot_general3A_758, %add3A_759 : vector<256x256xf32>
    %max3A_761 = arith.constant 0.000000e+00 : f32
    %max3A_762 = vector.broadcast %max3A_761 : f32 to vector<256x256xf32>
    %max3A_763 = arith.maximumf %add3A_760, %max3A_762 : vector<256x256xf32>
    %swap3A_764 = arith.constant 11 : index
    %swap3A_765 = arith.constant 0 : index
    %swap3A_766 = arith.constant 0 : index
    %swap3A_767 = vector.load %arg59[%swap3A_764, %swap3A_765, %swap3A_766] : memref<16x256x256xf32, #tpu.memory_space<vmem>>, vector<1x256x256xf32>
    %swap3A_768 = vector.shape_cast %swap3A_767 : vector<1x256x256xf32> to vector<256x256xf32>
    %swap3A_769 = vector.shape_cast %max3A_763 : vector<256x256xf32> to vector<1x256x256xf32>
    tpu.vector_store %arg59[%swap3A_764, %swap3A_765, %swap3A_766], %swap3A_769 {strides = array<i32>} : memref<16x256x256xf32, #tpu.memory_space<vmem>>, vector<1x256x256xf32>,
    %reduce_min3A_770 = arith.constant dense<0x7F800000> : vector<256xf32>
    %reduce_min3A_771 = vector.multi_reduction <minimumf>, %select_n3A_749, %reduce_min3A_770 [1] : vector<256x8192xf32> to vector<256xf32>
    %broadcast_in_dim3A_772 = vector.shape_cast %reduce_min3A_771 : vector<256xf32> to vector<256x1xf32>
    %eq3A_773 = vector.broadcast %broadcast_in_dim3A_772 : vector<256x1xf32> to vector<256x8192xf32>
    %eq3A_774 = arith.cmpf oeq, %select_n3A_749, %eq3A_773 : vector<256x8192xf32>
    %jit3A_775 = arith.constant 8192 : i32
    %broadcast_in_dim3A_776 = vector.broadcast %jit3A_775 : i32 to vector<256x8192xi32>
    %select_n3A_777 = arith.select %eq3A_774, %iota3A, %broadcast_in_dim3A_776 : vector<256x8192xi1>, vector<256x8192xi32>
    %reduce_min3A_778 = arith.constant dense<2147483647> : vector<256xi32>
    %reduce_min3A_779 = vector.multi_reduction <minsi>, %select_n3A_777, %reduce_min3A_778 [1] : vector<256x8192xi32> to vector<256xi32>
    %broadcast_in_dim3A_780 = vector.shape_cast %reduce_min3A_779 : vector<256xi32> to vector<256x1xi32>
    %eq3A_781 = vector.broadcast %broadcast_in_dim3A_780 : vector<256x1xi32> to vector<256x8192xi32>
    %eq3A_782 = arith.cmpi eq, %iota3A, %eq3A_781 : vector<256x8192xi32>
    %add3A_783 = vector.broadcast %mul3A_1 : i32 to vector<256xi32>
    %add3A_784 = arith.addi %reduce_min3A_779, %add3A_783 : vector<256xi32>
    %swap3A_785 = arith.constant 12 : index
    %swap3A_786 = arith.constant 0 : index
    %swap3A_787 = vector.load %arg58[%swap3A_785, %swap3A_786] : memref<16x256xi32, #tpu.memory_space<vmem>>, vector<1x256xi32>
    %swap3A_788 = vector.shape_cast %swap3A_787 : vector<1x256xi32> to vector<256xi32>
    %swap3A_789 = vector.shape_cast %add3A_784 : vector<256xi32> to vector<1x256xi32>
    tpu.vector_store %arg58[%swap3A_785, %swap3A_786], %swap3A_789 {strides = array<i32>} : memref<16x256xi32, #tpu.memory_space<vmem>>, vector<1x256xi32>,
    %convert_element_type3A_790 = arith.extui %eq3A_782 : vector<256x8192xi1> to vector<256x8192xi32>
    %convert_element_type3A_791 = arith.sitofp %convert_element_type3A_790 : vector<256x8192xi32> to vector<256x8192xf32>
    %dot_general3A_792 = arith.constant dense<0.000000e+00> : vector<256x3xf32>
    %dot_general3A_793 = tpu.matmul %convert_element_type3A_791, %concatenate3A_156, %dot_general3A_792 {dimension_numbers = #tpu.dot_dimension_numbers<[1], [0], [0], [1], [0, 0, 1, 1], [], []>, transpose_lhs_hint = false} : vector<256x8192xf32>, vector<8192x3xf32>, vector<256x3xf32> -> vector<256x3xf32>
    %jit3A_794 = arith.constant 0x7F800000 : f32
    %broadcast_in_dim3A_795 = vector.broadcast %jit3A_794 : f32 to vector<256x8192xf32>
    %select_n3A_796 = arith.select %eq3A_782, %broadcast_in_dim3A_795, %select_n3A_749 : vector<256x8192xi1>, vector<256x8192xf32>
    %sub3A_797 = arith.subf %get3A_4, %dot_general3A_793 : vector<256x3xf32>
    %dot_general3A_798 = arith.constant dense<0.000000e+00> : vector<256x128xf32>
    %dot_general3A_799 = tpu.matmul %sub3A_797, %get3A_162, %dot_general3A_798 {dimension_numbers = #tpu.dot_dimension_numbers<[1], [0], [0], [1], [0, 0, 1, 1], [], []>, transpose_lhs_hint = false} : vector<256x3xf32>, vector<3x128xf32>, vector<256x128xf32> -> vector<256x128xf32>
    %add3A_800 = arith.addf %add3A_197, %dot_general3A_799 : vector<256x128xf32>
    %max3A_801 = arith.constant 0.000000e+00 : f32
    %max3A_802 = vector.broadcast %max3A_801 : f32 to vector<256x128xf32>
    %max3A_803 = arith.maximumf %add3A_800, %max3A_802 : vector<256x128xf32>
    %dot_general3A_804 = arith.constant dense<0.000000e+00> : vector<256x256xf32>
    %dot_general3A_805 = tpu.matmul %max3A_803, %get3A_168, %dot_general3A_804 {dimension_numbers = #tpu.dot_dimension_numbers<[1], [0], [0], [1], [0, 0, 1, 1], [], []>, transpose_lhs_hint = false} : vector<256x128xf32>, vector<128x256xf32>, vector<256x256xf32> -> vector<256x256xf32>
    %add3A_806 = vector.broadcast %get3A_171 : vector<1x256xf32> to vector<256x256xf32>
    %add3A_807 = arith.addf %dot_general3A_805, %add3A_806 : vector<256x256xf32>
    %max3A_808 = arith.constant 0.000000e+00 : f32
    %max3A_809 = vector.broadcast %max3A_808 : f32 to vector<256x256xf32>
    %max3A_810 = arith.maximumf %add3A_807, %max3A_809 : vector<256x256xf32>
    %swap3A_811 = arith.constant 12 : index
    %swap3A_812 = arith.constant 0 : index
    %swap3A_813 = arith.constant 0 : index
    %swap3A_814 = vector.load %arg59[%swap3A_811, %swap3A_812, %swap3A_813] : memref<16x256x256xf32, #tpu.memory_space<vmem>>, vector<1x256x256xf32>
    %swap3A_815 = vector.shape_cast %swap3A_814 : vector<1x256x256xf32> to vector<256x256xf32>
    %swap3A_816 = vector.shape_cast %max3A_810 : vector<256x256xf32> to vector<1x256x256xf32>
    tpu.vector_store %arg59[%swap3A_811, %swap3A_812, %swap3A_813], %swap3A_816 {strides = array<i32>} : memref<16x256x256xf32, #tpu.memory_space<vmem>>, vector<1x256x256xf32>,
    %reduce_min3A_817 = arith.constant dense<0x7F800000> : vector<256xf32>
    %reduce_min3A_818 = vector.multi_reduction <minimumf>, %select_n3A_796, %reduce_min3A_817 [1] : vector<256x8192xf32> to vector<256xf32>
    %broadcast_in_dim3A_819 = vector.shape_cast %reduce_min3A_818 : vector<256xf32> to vector<256x1xf32>
    %eq3A_820 = vector.broadcast %broadcast_in_dim3A_819 : vector<256x1xf32> to vector<256x8192xf32>
    %eq3A_821 = arith.cmpf oeq, %select_n3A_796, %eq3A_820 : vector<256x8192xf32>
    %jit3A_822 = arith.constant 8192 : i32
    %broadcast_in_dim3A_823 = vector.broadcast %jit3A_822 : i32 to vector<256x8192xi32>
    %select_n3A_824 = arith.select %eq3A_821, %iota3A, %broadcast_in_dim3A_823 : vector<256x8192xi1>, vector<256x8192xi32>
    %reduce_min3A_825 = arith.constant dense<2147483647> : vector<256xi32>
    %reduce_min3A_826 = vector.multi_reduction <minsi>, %select_n3A_824, %reduce_min3A_825 [1] : vector<256x8192xi32> to vector<256xi32>
    %broadcast_in_dim3A_827 = vector.shape_cast %reduce_min3A_826 : vector<256xi32> to vector<256x1xi32>
    %eq3A_828 = vector.broadcast %broadcast_in_dim3A_827 : vector<256x1xi32> to vector<256x8192xi32>
    %eq3A_829 = arith.cmpi eq, %iota3A, %eq3A_828 : vector<256x8192xi32>
    %add3A_830 = vector.broadcast %mul3A_1 : i32 to vector<256xi32>
    %add3A_831 = arith.addi %reduce_min3A_826, %add3A_830 : vector<256xi32>
    %swap3A_832 = arith.constant 13 : index
    %swap3A_833 = arith.constant 0 : index
    %swap3A_834 = vector.load %arg58[%swap3A_832, %swap3A_833] : memref<16x256xi32, #tpu.memory_space<vmem>>, vector<1x256xi32>
    %swap3A_835 = vector.shape_cast %swap3A_834 : vector<1x256xi32> to vector<256xi32>
    %swap3A_836 = vector.shape_cast %add3A_831 : vector<256xi32> to vector<1x256xi32>
    tpu.vector_store %arg58[%swap3A_832, %swap3A_833], %swap3A_836 {strides = array<i32>} : memref<16x256xi32, #tpu.memory_space<vmem>>, vector<1x256xi32>,
    %convert_element_type3A_837 = arith.extui %eq3A_829 : vector<256x8192xi1> to vector<256x8192xi32>
    %convert_element_type3A_838 = arith.sitofp %convert_element_type3A_837 : vector<256x8192xi32> to vector<256x8192xf32>
    %dot_general3A_839 = arith.constant dense<0.000000e+00> : vector<256x3xf32>
    %dot_general3A_840 = tpu.matmul %convert_element_type3A_838, %concatenate3A_156, %dot_general3A_839 {dimension_numbers = #tpu.dot_dimension_numbers<[1], [0], [0], [1], [0, 0, 1, 1], [], []>, transpose_lhs_hint = false} : vector<256x8192xf32>, vector<8192x3xf32>, vector<256x3xf32> -> vector<256x3xf32>
    %jit3A_841 = arith.constant 0x7F800000 : f32
    %broadcast_in_dim3A_842 = vector.broadcast %jit3A_841 : f32 to vector<256x8192xf32>
    %select_n3A_843 = arith.select %eq3A_829, %broadcast_in_dim3A_842, %select_n3A_796 : vector<256x8192xi1>, vector<256x8192xf32>
    %sub3A_844 = arith.subf %get3A_4, %dot_general3A_840 : vector<256x3xf32>
    %dot_general3A_845 = arith.constant dense<0.000000e+00> : vector<256x128xf32>
    %dot_general3A_846 = tpu.matmul %sub3A_844, %get3A_162, %dot_general3A_845 {dimension_numbers = #tpu.dot_dimension_numbers<[1], [0], [0], [1], [0, 0, 1, 1], [], []>, transpose_lhs_hint = false} : vector<256x3xf32>, vector<3x128xf32>, vector<256x128xf32> -> vector<256x128xf32>
    %add3A_847 = arith.addf %add3A_197, %dot_general3A_846 : vector<256x128xf32>
    %max3A_848 = arith.constant 0.000000e+00 : f32
    %max3A_849 = vector.broadcast %max3A_848 : f32 to vector<256x128xf32>
    %max3A_850 = arith.maximumf %add3A_847, %max3A_849 : vector<256x128xf32>
    %dot_general3A_851 = arith.constant dense<0.000000e+00> : vector<256x256xf32>
    %dot_general3A_852 = tpu.matmul %max3A_850, %get3A_168, %dot_general3A_851 {dimension_numbers = #tpu.dot_dimension_numbers<[1], [0], [0], [1], [0, 0, 1, 1], [], []>, transpose_lhs_hint = false} : vector<256x128xf32>, vector<128x256xf32>, vector<256x256xf32> -> vector<256x256xf32>
    %add3A_853 = vector.broadcast %get3A_171 : vector<1x256xf32> to vector<256x256xf32>
    %add3A_854 = arith.addf %dot_general3A_852, %add3A_853 : vector<256x256xf32>
    %max3A_855 = arith.constant 0.000000e+00 : f32
    %max3A_856 = vector.broadcast %max3A_855 : f32 to vector<256x256xf32>
    %max3A_857 = arith.maximumf %add3A_854, %max3A_856 : vector<256x256xf32>
    %swap3A_858 = arith.constant 13 : index
    %swap3A_859 = arith.constant 0 : index
    %swap3A_860 = arith.constant 0 : index
    %swap3A_861 = vector.load %arg59[%swap3A_858, %swap3A_859, %swap3A_860] : memref<16x256x256xf32, #tpu.memory_space<vmem>>, vector<1x256x256xf32>
    %swap3A_862 = vector.shape_cast %swap3A_861 : vector<1x256x256xf32> to vector<256x256xf32>
    %swap3A_863 = vector.shape_cast %max3A_857 : vector<256x256xf32> to vector<1x256x256xf32>
    tpu.vector_store %arg59[%swap3A_858, %swap3A_859, %swap3A_860], %swap3A_863 {strides = array<i32>} : memref<16x256x256xf32, #tpu.memory_space<vmem>>, vector<1x256x256xf32>,
    %reduce_min3A_864 = arith.constant dense<0x7F800000> : vector<256xf32>
    %reduce_min3A_865 = vector.multi_reduction <minimumf>, %select_n3A_843, %reduce_min3A_864 [1] : vector<256x8192xf32> to vector<256xf32>
    %broadcast_in_dim3A_866 = vector.shape_cast %reduce_min3A_865 : vector<256xf32> to vector<256x1xf32>
    %eq3A_867 = vector.broadcast %broadcast_in_dim3A_866 : vector<256x1xf32> to vector<256x8192xf32>
    %eq3A_868 = arith.cmpf oeq, %select_n3A_843, %eq3A_867 : vector<256x8192xf32>
    %jit3A_869 = arith.constant 8192 : i32
    %broadcast_in_dim3A_870 = vector.broadcast %jit3A_869 : i32 to vector<256x8192xi32>
    %select_n3A_871 = arith.select %eq3A_868, %iota3A, %broadcast_in_dim3A_870 : vector<256x8192xi1>, vector<256x8192xi32>
    %reduce_min3A_872 = arith.constant dense<2147483647> : vector<256xi32>
    %reduce_min3A_873 = vector.multi_reduction <minsi>, %select_n3A_871, %reduce_min3A_872 [1] : vector<256x8192xi32> to vector<256xi32>
    %broadcast_in_dim3A_874 = vector.shape_cast %reduce_min3A_873 : vector<256xi32> to vector<256x1xi32>
    %eq3A_875 = vector.broadcast %broadcast_in_dim3A_874 : vector<256x1xi32> to vector<256x8192xi32>
    %eq3A_876 = arith.cmpi eq, %iota3A, %eq3A_875 : vector<256x8192xi32>
    %add3A_877 = vector.broadcast %mul3A_1 : i32 to vector<256xi32>
    %add3A_878 = arith.addi %reduce_min3A_873, %add3A_877 : vector<256xi32>
    %swap3A_879 = arith.constant 14 : index
    %swap3A_880 = arith.constant 0 : index
    %swap3A_881 = vector.load %arg58[%swap3A_879, %swap3A_880] : memref<16x256xi32, #tpu.memory_space<vmem>>, vector<1x256xi32>
    %swap3A_882 = vector.shape_cast %swap3A_881 : vector<1x256xi32> to vector<256xi32>
    %swap3A_883 = vector.shape_cast %add3A_878 : vector<256xi32> to vector<1x256xi32>
    tpu.vector_store %arg58[%swap3A_879, %swap3A_880], %swap3A_883 {strides = array<i32>} : memref<16x256xi32, #tpu.memory_space<vmem>>, vector<1x256xi32>,
    %convert_element_type3A_884 = arith.extui %eq3A_876 : vector<256x8192xi1> to vector<256x8192xi32>
    %convert_element_type3A_885 = arith.sitofp %convert_element_type3A_884 : vector<256x8192xi32> to vector<256x8192xf32>
    %dot_general3A_886 = arith.constant dense<0.000000e+00> : vector<256x3xf32>
    %dot_general3A_887 = tpu.matmul %convert_element_type3A_885, %concatenate3A_156, %dot_general3A_886 {dimension_numbers = #tpu.dot_dimension_numbers<[1], [0], [0], [1], [0, 0, 1, 1], [], []>, transpose_lhs_hint = false} : vector<256x8192xf32>, vector<8192x3xf32>, vector<256x3xf32> -> vector<256x3xf32>
    %jit3A_888 = arith.constant 0x7F800000 : f32
    %broadcast_in_dim3A_889 = vector.broadcast %jit3A_888 : f32 to vector<256x8192xf32>
    %select_n3A_890 = arith.select %eq3A_876, %broadcast_in_dim3A_889, %select_n3A_843 : vector<256x8192xi1>, vector<256x8192xf32>
    %sub3A_891 = arith.subf %get3A_4, %dot_general3A_887 : vector<256x3xf32>
    %dot_general3A_892 = arith.constant dense<0.000000e+00> : vector<256x128xf32>
    %dot_general3A_893 = tpu.matmul %sub3A_891, %get3A_162, %dot_general3A_892 {dimension_numbers = #tpu.dot_dimension_numbers<[1], [0], [0], [1], [0, 0, 1, 1], [], []>, transpose_lhs_hint = false} : vector<256x3xf32>, vector<3x128xf32>, vector<256x128xf32> -> vector<256x128xf32>
    %add3A_894 = arith.addf %add3A_197, %dot_general3A_893 : vector<256x128xf32>
    %max3A_895 = arith.constant 0.000000e+00 : f32
    %max3A_896 = vector.broadcast %max3A_895 : f32 to vector<256x128xf32>
    %max3A_897 = arith.maximumf %add3A_894, %max3A_896 : vector<256x128xf32>
    %dot_general3A_898 = arith.constant dense<0.000000e+00> : vector<256x256xf32>
    %dot_general3A_899 = tpu.matmul %max3A_897, %get3A_168, %dot_general3A_898 {dimension_numbers = #tpu.dot_dimension_numbers<[1], [0], [0], [1], [0, 0, 1, 1], [], []>, transpose_lhs_hint = false} : vector<256x128xf32>, vector<128x256xf32>, vector<256x256xf32> -> vector<256x256xf32>
    %add3A_900 = vector.broadcast %get3A_171 : vector<1x256xf32> to vector<256x256xf32>
    %add3A_901 = arith.addf %dot_general3A_899, %add3A_900 : vector<256x256xf32>
    %max3A_902 = arith.constant 0.000000e+00 : f32
    %max3A_903 = vector.broadcast %max3A_902 : f32 to vector<256x256xf32>
    %max3A_904 = arith.maximumf %add3A_901, %max3A_903 : vector<256x256xf32>
    %swap3A_905 = arith.constant 14 : index
    %swap3A_906 = arith.constant 0 : index
    %swap3A_907 = arith.constant 0 : index
    %swap3A_908 = vector.load %arg59[%swap3A_905, %swap3A_906, %swap3A_907] : memref<16x256x256xf32, #tpu.memory_space<vmem>>, vector<1x256x256xf32>
    %swap3A_909 = vector.shape_cast %swap3A_908 : vector<1x256x256xf32> to vector<256x256xf32>
    %swap3A_910 = vector.shape_cast %max3A_904 : vector<256x256xf32> to vector<1x256x256xf32>
    tpu.vector_store %arg59[%swap3A_905, %swap3A_906, %swap3A_907], %swap3A_910 {strides = array<i32>} : memref<16x256x256xf32, #tpu.memory_space<vmem>>, vector<1x256x256xf32>,
    %reduce_min3A_911 = arith.constant dense<0x7F800000> : vector<256xf32>
    %reduce_min3A_912 = vector.multi_reduction <minimumf>, %select_n3A_890, %reduce_min3A_911 [1] : vector<256x8192xf32> to vector<256xf32>
    %broadcast_in_dim3A_913 = vector.shape_cast %reduce_min3A_912 : vector<256xf32> to vector<256x1xf32>
    %eq3A_914 = vector.broadcast %broadcast_in_dim3A_913 : vector<256x1xf32> to vector<256x8192xf32>
    %eq3A_915 = arith.cmpf oeq, %select_n3A_890, %eq3A_914 : vector<256x8192xf32>
    %jit3A_916 = arith.constant 8192 : i32
    %broadcast_in_dim3A_917 = vector.broadcast %jit3A_916 : i32 to vector<256x8192xi32>
    %select_n3A_918 = arith.select %eq3A_915, %iota3A, %broadcast_in_dim3A_917 : vector<256x8192xi1>, vector<256x8192xi32>
    %reduce_min3A_919 = arith.constant dense<2147483647> : vector<256xi32>
    %reduce_min3A_920 = vector.multi_reduction <minsi>, %select_n3A_918, %reduce_min3A_919 [1] : vector<256x8192xi32> to vector<256xi32>
    %broadcast_in_dim3A_921 = vector.shape_cast %reduce_min3A_920 : vector<256xi32> to vector<256x1xi32>
    %eq3A_922 = vector.broadcast %broadcast_in_dim3A_921 : vector<256x1xi32> to vector<256x8192xi32>
    %eq3A_923 = arith.cmpi eq, %iota3A, %eq3A_922 : vector<256x8192xi32>
    %add3A_924 = vector.broadcast %mul3A_1 : i32 to vector<256xi32>
    %add3A_925 = arith.addi %reduce_min3A_920, %add3A_924 : vector<256xi32>
    %swap3A_926 = arith.constant 15 : index
    %swap3A_927 = arith.constant 0 : index
    %swap3A_928 = vector.load %arg58[%swap3A_926, %swap3A_927] : memref<16x256xi32, #tpu.memory_space<vmem>>, vector<1x256xi32>
    %swap3A_929 = vector.shape_cast %swap3A_928 : vector<1x256xi32> to vector<256xi32>
    %swap3A_930 = vector.shape_cast %add3A_925 : vector<256xi32> to vector<1x256xi32>
    tpu.vector_store %arg58[%swap3A_926, %swap3A_927], %swap3A_930 {strides = array<i32>} : memref<16x256xi32, #tpu.memory_space<vmem>>, vector<1x256xi32>,
    %convert_element_type3A_931 = arith.extui %eq3A_923 : vector<256x8192xi1> to vector<256x8192xi32>
    %convert_element_type3A_932 = arith.sitofp %convert_element_type3A_931 : vector<256x8192xi32> to vector<256x8192xf32>
    %dot_general3A_933 = arith.constant dense<0.000000e+00> : vector<256x3xf32>
    %dot_general3A_934 = tpu.matmul %convert_element_type3A_932, %concatenate3A_156, %dot_general3A_933 {dimension_numbers = #tpu.dot_dimension_numbers<[1], [0], [0], [1], [0, 0, 1, 1], [], []>, transpose_lhs_hint = false} : vector<256x8192xf32>, vector<8192x3xf32>, vector<256x3xf32> -> vector<256x3xf32>
    %sub3A_935 = arith.subf %get3A_4, %dot_general3A_934 : vector<256x3xf32>
    %dot_general3A_936 = arith.constant dense<0.000000e+00> : vector<256x128xf32>
    %dot_general3A_937 = tpu.matmul %sub3A_935, %get3A_162, %dot_general3A_936 {dimension_numbers = #tpu.dot_dimension_numbers<[1], [0], [0], [1], [0, 0, 1, 1], [], []>, transpose_lhs_hint = false} : vector<256x3xf32>, vector<3x128xf32>, vector<256x128xf32> -> vector<256x128xf32>
    %add3A_938 = arith.addf %add3A_197, %dot_general3A_937 : vector<256x128xf32>
    %max3A_939 = arith.constant 0.000000e+00 : f32
    %max3A_940 = vector.broadcast %max3A_939 : f32 to vector<256x128xf32>
    %max3A_941 = arith.maximumf %add3A_938, %max3A_940 : vector<256x128xf32>
    %dot_general3A_942 = arith.constant dense<0.000000e+00> : vector<256x256xf32>
    %dot_general3A_943 = tpu.matmul %max3A_941, %get3A_168, %dot_general3A_942 {dimension_numbers = #tpu.dot_dimension_numbers<[1], [0], [0], [1], [0, 0, 1, 1], [], []>, transpose_lhs_hint = false} : vector<256x128xf32>, vector<128x256xf32>, vector<256x256xf32> -> vector<256x256xf32>
    %add3A_944 = vector.broadcast %get3A_171 : vector<1x256xf32> to vector<256x256xf32>
    %add3A_945 = arith.addf %dot_general3A_943, %add3A_944 : vector<256x256xf32>
    %max3A_946 = arith.constant 0.000000e+00 : f32
    %max3A_947 = vector.broadcast %max3A_946 : f32 to vector<256x256xf32>
    %max3A_948 = arith.maximumf %add3A_945, %max3A_947 : vector<256x256xf32>
    %swap3A_949 = arith.constant 15 : index
    %swap3A_950 = arith.constant 0 : index
    %swap3A_951 = arith.constant 0 : index
    %swap3A_952 = vector.load %arg59[%swap3A_949, %swap3A_950, %swap3A_951] : memref<16x256x256xf32, #tpu.memory_space<vmem>>, vector<1x256x256xf32>
    %swap3A_953 = vector.shape_cast %swap3A_952 : vector<1x256x256xf32> to vector<256x256xf32>
    %swap3A_954 = vector.shape_cast %max3A_948 : vector<256x256xf32> to vector<1x256x256xf32>
    tpu.vector_store %arg59[%swap3A_949, %swap3A_950, %swap3A_951], %swap3A_954 {strides = array<i32>} : memref<16x256x256xf32, #tpu.memory_space<vmem>>, vector<1x256x256xf32>,
    return
  }
  func.func @transform_0(%arg0: i32, %arg1: memref<32xi32, #tpu.memory_space<smem>>) -> (i32, i32) {
    %c0_i32 = arith.constant 0 : i32
    %c0_i32_0 = arith.constant 0 : i32
    return %arg0, %c0_i32 : i32, i32
  }
  func.func @transform_1(%arg0: i32, %arg1: memref<32xi32, #tpu.memory_space<smem>>) -> (i32, i32) {
    %c0_i32 = arith.constant 0 : i32
    %c0_i32_0 = arith.constant 0 : i32
    return %arg0, %c0_i32 : i32, i32
  }
  func.func @transform_2(%arg0: i32, %arg1: memref<32xi32, #tpu.memory_space<smem>>) -> (i32, i32) {
    %c0_i32 = arith.constant 0 : i32
    %c0_i32_0 = arith.constant 0 : i32
    return %arg0, %c0_i32 : i32, i32
  }
  func.func @transform_3(%arg0: i32, %arg1: memref<32xi32, #tpu.memory_space<smem>>) -> (i32, i32) {
    %get3A = arith.index_cast %arg0 : i32 to index
    %get3A_0 = memref.load %arg1[%get3A] : memref<32xi32, #tpu.memory_space<smem>>
    %add3A = arith.constant 0 : i32
    %add3A_1 = arith.addi %get3A_0, %add3A : i32
    %min3A = arith.constant 15 : i32
    %min3A_2 = arith.minsi %add3A_1, %min3A : i32
    %c0_i32 = arith.constant 0 : i32
    %c0_i32_3 = arith.constant 0 : i32
    return %c0_i32, %min3A_2 : i32, i32
  }
  func.func @transform_4(%arg0: i32, %arg1: memref<32xi32, #tpu.memory_space<smem>>) -> (i32, i32) {
    %get3A = arith.index_cast %arg0 : i32 to index
    %get3A_0 = memref.load %arg1[%get3A] : memref<32xi32, #tpu.memory_space<smem>>
    %add3A = arith.constant 1 : i32
    %add3A_1 = arith.addi %get3A_0, %add3A : i32
    %min3A = arith.constant 15 : i32
    %min3A_2 = arith.minsi %add3A_1, %min3A : i32
    %c0_i32 = arith.constant 0 : i32
    %c0_i32_3 = arith.constant 0 : i32
    return %c0_i32, %min3A_2 : i32, i32
  }
  func.func @transform_5(%arg0: i32, %arg1: memref<32xi32, #tpu.memory_space<smem>>) -> (i32, i32) {
    %get3A = arith.index_cast %arg0 : i32 to index
    %get3A_0 = memref.load %arg1[%get3A] : memref<32xi32, #tpu.memory_space<smem>>
    %add3A = arith.constant 2 : i32
    %add3A_1 = arith.addi %get3A_0, %add3A : i32
    %min3A = arith.constant 15 : i32
    %min3A_2 = arith.minsi %add3A_1, %min3A : i32
    %c0_i32 = arith.constant 0 : i32
    %c0_i32_3 = arith.constant 0 : i32
    return %c0_i32, %min3A_2 : i32, i32
  }
  func.func @transform_6(%arg0: i32, %arg1: memref<32xi32, #tpu.memory_space<smem>>) -> (i32, i32) {
    %get3A = arith.index_cast %arg0 : i32 to index
    %get3A_0 = memref.load %arg1[%get3A] : memref<32xi32, #tpu.memory_space<smem>>
    %add3A = arith.constant 3 : i32
    %add3A_1 = arith.addi %get3A_0, %add3A : i32
    %min3A = arith.constant 15 : i32
    %min3A_2 = arith.minsi %add3A_1, %min3A : i32
    %c0_i32 = arith.constant 0 : i32
    %c0_i32_3 = arith.constant 0 : i32
    return %c0_i32, %min3A_2 : i32, i32
  }
  func.func @transform_7(%arg0: i32, %arg1: memref<32xi32, #tpu.memory_space<smem>>) -> (i32, i32) {
    %get3A = arith.index_cast %arg0 : i32 to index
    %get3A_0 = memref.load %arg1[%get3A] : memref<32xi32, #tpu.memory_space<smem>>
    %add3A = arith.constant 4 : i32
    %add3A_1 = arith.addi %get3A_0, %add3A : i32
    %min3A = arith.constant 15 : i32
    %min3A_2 = arith.minsi %add3A_1, %min3A : i32
    %c0_i32 = arith.constant 0 : i32
    %c0_i32_3 = arith.constant 0 : i32
    return %c0_i32, %min3A_2 : i32, i32
  }
  func.func @transform_8(%arg0: i32, %arg1: memref<32xi32, #tpu.memory_space<smem>>) -> (i32, i32) {
    %get3A = arith.index_cast %arg0 : i32 to index
    %get3A_0 = memref.load %arg1[%get3A] : memref<32xi32, #tpu.memory_space<smem>>
    %add3A = arith.constant 5 : i32
    %add3A_1 = arith.addi %get3A_0, %add3A : i32
    %min3A = arith.constant 15 : i32
    %min3A_2 = arith.minsi %add3A_1, %min3A : i32
    %c0_i32 = arith.constant 0 : i32
    %c0_i32_3 = arith.constant 0 : i32
    return %c0_i32, %min3A_2 : i32, i32
  }
  func.func @transform_9(%arg0: i32, %arg1: memref<32xi32, #tpu.memory_space<smem>>) -> (i32, i32) {
    %get3A = arith.index_cast %arg0 : i32 to index
    %get3A_0 = memref.load %arg1[%get3A] : memref<32xi32, #tpu.memory_space<smem>>
    %add3A = arith.constant 6 : i32
    %add3A_1 = arith.addi %get3A_0, %add3A : i32
    %min3A = arith.constant 15 : i32
    %min3A_2 = arith.minsi %add3A_1, %min3A : i32
    %c0_i32 = arith.constant 0 : i32
    %c0_i32_3 = arith.constant 0 : i32
    return %c0_i32, %min3A_2 : i32, i32
  }
  func.func @transform_10(%arg0: i32, %arg1: memref<32xi32, #tpu.memory_space<smem>>) -> (i32, i32) {
    %get3A = arith.index_cast %arg0 : i32 to index
    %get3A_0 = memref.load %arg1[%get3A] : memref<32xi32, #tpu.memory_space<smem>>
    %add3A = arith.constant 7 : i32
    %add3A_1 = arith.addi %get3A_0, %add3A : i32
    %min3A = arith.constant 15 : i32
    %min3A_2 = arith.minsi %add3A_1, %min3A : i32
    %c0_i32 = arith.constant 0 : i32
    %c0_i32_3 = arith.constant 0 : i32
    return %c0_i32, %min3A_2 : i32, i32
  }
  func.func @transform_11(%arg0: i32, %arg1: memref<32xi32, #tpu.memory_space<smem>>) -> (i32, i32) {
    %get3A = arith.index_cast %arg0 : i32 to index
    %get3A_0 = memref.load %arg1[%get3A] : memref<32xi32, #tpu.memory_space<smem>>
    %add3A = arith.constant 8 : i32
    %add3A_1 = arith.addi %get3A_0, %add3A : i32
    %min3A = arith.constant 15 : i32
    %min3A_2 = arith.minsi %add3A_1, %min3A : i32
    %c0_i32 = arith.constant 0 : i32
    %c0_i32_3 = arith.constant 0 : i32
    return %c0_i32, %min3A_2 : i32, i32
  }
  func.func @transform_12(%arg0: i32, %arg1: memref<32xi32, #tpu.memory_space<smem>>) -> (i32, i32) {
    %get3A = arith.index_cast %arg0 : i32 to index
    %get3A_0 = memref.load %arg1[%get3A] : memref<32xi32, #tpu.memory_space<smem>>
    %add3A = arith.constant 9 : i32
    %add3A_1 = arith.addi %get3A_0, %add3A : i32
    %min3A = arith.constant 15 : i32
    %min3A_2 = arith.minsi %add3A_1, %min3A : i32
    %c0_i32 = arith.constant 0 : i32
    %c0_i32_3 = arith.constant 0 : i32
    return %c0_i32, %min3A_2 : i32, i32
  }
  func.func @transform_13(%arg0: i32, %arg1: memref<32xi32, #tpu.memory_space<smem>>) -> (i32, i32) {
    %get3A = arith.index_cast %arg0 : i32 to index
    %get3A_0 = memref.load %arg1[%get3A] : memref<32xi32, #tpu.memory_space<smem>>
    %add3A = arith.constant 10 : i32
    %add3A_1 = arith.addi %get3A_0, %add3A : i32
    %min3A = arith.constant 15 : i32
    %min3A_2 = arith.minsi %add3A_1, %min3A : i32
    %c0_i32 = arith.constant 0 : i32
    %c0_i32_3 = arith.constant 0 : i32
    return %c0_i32, %min3A_2 : i32, i32
  }
  func.func @transform_14(%arg0: i32, %arg1: memref<32xi32, #tpu.memory_space<smem>>) -> (i32, i32) {
    %get3A = arith.index_cast %arg0 : i32 to index
    %get3A_0 = memref.load %arg1[%get3A] : memref<32xi32, #tpu.memory_space<smem>>
    %add3A = arith.constant 11 : i32
    %add3A_1 = arith.addi %get3A_0, %add3A : i32
    %min3A = arith.constant 15 : i32
    %min3A_2 = arith.minsi %add3A_1, %min3A : i32
    %c0_i32 = arith.constant 0 : i32
    %c0_i32_3 = arith.constant 0 : i32
    return %c0_i32, %min3A_2 : i32, i32
  }
  func.func @transform_15(%arg0: i32, %arg1: memref<32xi32, #tpu.memory_space<smem>>) -> (i32, i32) {
    %get3A = arith.index_cast %arg0 : i32 to index
    %get3A_0 = memref.load %arg1[%get3A] : memref<32xi32, #tpu.memory_space<smem>>
    %add3A = arith.constant 12 : i32
    %add3A_1 = arith.addi %get3A_0, %add3A : i32
    %min3A = arith.constant 15 : i32
    %min3A_2 = arith.minsi %add3A_1, %min3A : i32
    %c0_i32 = arith.constant 0 : i32
    %c0_i32_3 = arith.constant 0 : i32
    return %c0_i32, %min3A_2 : i32, i32
  }
  func.func @transform_16(%arg0: i32, %arg1: memref<32xi32, #tpu.memory_space<smem>>) -> (i32, i32) {
    %get3A = arith.index_cast %arg0 : i32 to index
    %get3A_0 = memref.load %arg1[%get3A] : memref<32xi32, #tpu.memory_space<smem>>
    %add3A = arith.constant 13 : i32
    %add3A_1 = arith.addi %get3A_0, %add3A : i32
    %min3A = arith.constant 15 : i32
    %min3A_2 = arith.minsi %add3A_1, %min3A : i32
    %c0_i32 = arith.constant 0 : i32
    %c0_i32_3 = arith.constant 0 : i32
    return %c0_i32, %min3A_2 : i32, i32
  }
  func.func @transform_17(%arg0: i32, %arg1: memref<32xi32, #tpu.memory_space<smem>>) -> (i32, i32) {
    %get3A = arith.index_cast %arg0 : i32 to index
    %get3A_0 = memref.load %arg1[%get3A] : memref<32xi32, #tpu.memory_space<smem>>
    %add3A = arith.constant 14 : i32
    %add3A_1 = arith.addi %get3A_0, %add3A : i32
    %min3A = arith.constant 15 : i32
    %min3A_2 = arith.minsi %add3A_1, %min3A : i32
    %c0_i32 = arith.constant 0 : i32
    %c0_i32_3 = arith.constant 0 : i32
    return %c0_i32, %min3A_2 : i32, i32
  }
  func.func @transform_18(%arg0: i32, %arg1: memref<32xi32, #tpu.memory_space<smem>>) -> (i32, i32) {
    %get3A = arith.index_cast %arg0 : i32 to index
    %get3A_0 = memref.load %arg1[%get3A] : memref<32xi32, #tpu.memory_space<smem>>
    %add3A = arith.constant 15 : i32
    %add3A_1 = arith.addi %get3A_0, %add3A : i32
    %min3A = arith.constant 15 : i32
    %min3A_2 = arith.minsi %add3A_1, %min3A : i32
    %c0_i32 = arith.constant 0 : i32
    %c0_i32_3 = arith.constant 0 : i32
    return %c0_i32, %min3A_2 : i32, i32
  }
  func.func @transform_19(%arg0: i32, %arg1: memref<32xi32, #tpu.memory_space<smem>>) -> (i32, i32) {
    %get3A = arith.index_cast %arg0 : i32 to index
    %get3A_0 = memref.load %arg1[%get3A] : memref<32xi32, #tpu.memory_space<smem>>
    %add3A = arith.constant 0 : i32
    %add3A_1 = arith.addi %get3A_0, %add3A : i32
    %min3A = arith.constant 15 : i32
    %min3A_2 = arith.minsi %add3A_1, %min3A : i32
    %c0_i32 = arith.constant 0 : i32
    %c0_i32_3 = arith.constant 0 : i32
    return %c0_i32, %min3A_2 : i32, i32
  }
  func.func @transform_20(%arg0: i32, %arg1: memref<32xi32, #tpu.memory_space<smem>>) -> (i32, i32) {
    %get3A = arith.index_cast %arg0 : i32 to index
    %get3A_0 = memref.load %arg1[%get3A] : memref<32xi32, #tpu.memory_space<smem>>
    %add3A = arith.constant 1 : i32
    %add3A_1 = arith.addi %get3A_0, %add3A : i32
    %min3A = arith.constant 15 : i32
    %min3A_2 = arith.minsi %add3A_1, %min3A : i32
    %c0_i32 = arith.constant 0 : i32
    %c0_i32_3 = arith.constant 0 : i32
    return %c0_i32, %min3A_2 : i32, i32
  }
  func.func @transform_21(%arg0: i32, %arg1: memref<32xi32, #tpu.memory_space<smem>>) -> (i32, i32) {
    %get3A = arith.index_cast %arg0 : i32 to index
    %get3A_0 = memref.load %arg1[%get3A] : memref<32xi32, #tpu.memory_space<smem>>
    %add3A = arith.constant 2 : i32
    %add3A_1 = arith.addi %get3A_0, %add3A : i32
    %min3A = arith.constant 15 : i32
    %min3A_2 = arith.minsi %add3A_1, %min3A : i32
    %c0_i32 = arith.constant 0 : i32
    %c0_i32_3 = arith.constant 0 : i32
    return %c0_i32, %min3A_2 : i32, i32
  }
  func.func @transform_22(%arg0: i32, %arg1: memref<32xi32, #tpu.memory_space<smem>>) -> (i32, i32) {
    %get3A = arith.index_cast %arg0 : i32 to index
    %get3A_0 = memref.load %arg1[%get3A] : memref<32xi32, #tpu.memory_space<smem>>
    %add3A = arith.constant 3 : i32
    %add3A_1 = arith.addi %get3A_0, %add3A : i32
    %min3A = arith.constant 15 : i32
    %min3A_2 = arith.minsi %add3A_1, %min3A : i32
    %c0_i32 = arith.constant 0 : i32
    %c0_i32_3 = arith.constant 0 : i32
    return %c0_i32, %min3A_2 : i32, i32
  }
  func.func @transform_23(%arg0: i32, %arg1: memref<32xi32, #tpu.memory_space<smem>>) -> (i32, i32) {
    %get3A = arith.index_cast %arg0 : i32 to index
    %get3A_0 = memref.load %arg1[%get3A] : memref<32xi32, #tpu.memory_space<smem>>
    %add3A = arith.constant 4 : i32
    %add3A_1 = arith.addi %get3A_0, %add3A : i32
    %min3A = arith.constant 15 : i32
    %min3A_2 = arith.minsi %add3A_1, %min3A : i32
    %c0_i32 = arith.constant 0 : i32
    %c0_i32_3 = arith.constant 0 : i32
    return %c0_i32, %min3A_2 : i32, i32
  }
  func.func @transform_24(%arg0: i32, %arg1: memref<32xi32, #tpu.memory_space<smem>>) -> (i32, i32) {
    %get3A = arith.index_cast %arg0 : i32 to index
    %get3A_0 = memref.load %arg1[%get3A] : memref<32xi32, #tpu.memory_space<smem>>
    %add3A = arith.constant 5 : i32
    %add3A_1 = arith.addi %get3A_0, %add3A : i32
    %min3A = arith.constant 15 : i32
    %min3A_2 = arith.minsi %add3A_1, %min3A : i32
    %c0_i32 = arith.constant 0 : i32
    %c0_i32_3 = arith.constant 0 : i32
    return %c0_i32, %min3A_2 : i32, i32
  }
  func.func @transform_25(%arg0: i32, %arg1: memref<32xi32, #tpu.memory_space<smem>>) -> (i32, i32) {
    %get3A = arith.index_cast %arg0 : i32 to index
    %get3A_0 = memref.load %arg1[%get3A] : memref<32xi32, #tpu.memory_space<smem>>
    %add3A = arith.constant 6 : i32
    %add3A_1 = arith.addi %get3A_0, %add3A : i32
    %min3A = arith.constant 15 : i32
    %min3A_2 = arith.minsi %add3A_1, %min3A : i32
    %c0_i32 = arith.constant 0 : i32
    %c0_i32_3 = arith.constant 0 : i32
    return %c0_i32, %min3A_2 : i32, i32
  }
  func.func @transform_26(%arg0: i32, %arg1: memref<32xi32, #tpu.memory_space<smem>>) -> (i32, i32) {
    %get3A = arith.index_cast %arg0 : i32 to index
    %get3A_0 = memref.load %arg1[%get3A] : memref<32xi32, #tpu.memory_space<smem>>
    %add3A = arith.constant 7 : i32
    %add3A_1 = arith.addi %get3A_0, %add3A : i32
    %min3A = arith.constant 15 : i32
    %min3A_2 = arith.minsi %add3A_1, %min3A : i32
    %c0_i32 = arith.constant 0 : i32
    %c0_i32_3 = arith.constant 0 : i32
    return %c0_i32, %min3A_2 : i32, i32
  }
  func.func @transform_27(%arg0: i32, %arg1: memref<32xi32, #tpu.memory_space<smem>>) -> (i32, i32) {
    %get3A = arith.index_cast %arg0 : i32 to index
    %get3A_0 = memref.load %arg1[%get3A] : memref<32xi32, #tpu.memory_space<smem>>
    %add3A = arith.constant 8 : i32
    %add3A_1 = arith.addi %get3A_0, %add3A : i32
    %min3A = arith.constant 15 : i32
    %min3A_2 = arith.minsi %add3A_1, %min3A : i32
    %c0_i32 = arith.constant 0 : i32
    %c0_i32_3 = arith.constant 0 : i32
    return %c0_i32, %min3A_2 : i32, i32
  }
  func.func @transform_28(%arg0: i32, %arg1: memref<32xi32, #tpu.memory_space<smem>>) -> (i32, i32) {
    %get3A = arith.index_cast %arg0 : i32 to index
    %get3A_0 = memref.load %arg1[%get3A] : memref<32xi32, #tpu.memory_space<smem>>
    %add3A = arith.constant 9 : i32
    %add3A_1 = arith.addi %get3A_0, %add3A : i32
    %min3A = arith.constant 15 : i32
    %min3A_2 = arith.minsi %add3A_1, %min3A : i32
    %c0_i32 = arith.constant 0 : i32
    %c0_i32_3 = arith.constant 0 : i32
    return %c0_i32, %min3A_2 : i32, i32
  }
  func.func @transform_29(%arg0: i32, %arg1: memref<32xi32, #tpu.memory_space<smem>>) -> (i32, i32) {
    %get3A = arith.index_cast %arg0 : i32 to index
    %get3A_0 = memref.load %arg1[%get3A] : memref<32xi32, #tpu.memory_space<smem>>
    %add3A = arith.constant 10 : i32
    %add3A_1 = arith.addi %get3A_0, %add3A : i32
    %min3A = arith.constant 15 : i32
    %min3A_2 = arith.minsi %add3A_1, %min3A : i32
    %c0_i32 = arith.constant 0 : i32
    %c0_i32_3 = arith.constant 0 : i32
    return %c0_i32, %min3A_2 : i32, i32
  }
  func.func @transform_30(%arg0: i32, %arg1: memref<32xi32, #tpu.memory_space<smem>>) -> (i32, i32) {
    %get3A = arith.index_cast %arg0 : i32 to index
    %get3A_0 = memref.load %arg1[%get3A] : memref<32xi32, #tpu.memory_space<smem>>
    %add3A = arith.constant 11 : i32
    %add3A_1 = arith.addi %get3A_0, %add3A : i32
    %min3A = arith.constant 15 : i32
    %min3A_2 = arith.minsi %add3A_1, %min3A : i32
    %c0_i32 = arith.constant 0 : i32
    %c0_i32_3 = arith.constant 0 : i32
    return %c0_i32, %min3A_2 : i32, i32
  }
  func.func @transform_31(%arg0: i32, %arg1: memref<32xi32, #tpu.memory_space<smem>>) -> (i32, i32) {
    %get3A = arith.index_cast %arg0 : i32 to index
    %get3A_0 = memref.load %arg1[%get3A] : memref<32xi32, #tpu.memory_space<smem>>
    %add3A = arith.constant 12 : i32
    %add3A_1 = arith.addi %get3A_0, %add3A : i32
    %min3A = arith.constant 15 : i32
    %min3A_2 = arith.minsi %add3A_1, %min3A : i32
    %c0_i32 = arith.constant 0 : i32
    %c0_i32_3 = arith.constant 0 : i32
    return %c0_i32, %min3A_2 : i32, i32
  }
  func.func @transform_32(%arg0: i32, %arg1: memref<32xi32, #tpu.memory_space<smem>>) -> (i32, i32) {
    %get3A = arith.index_cast %arg0 : i32 to index
    %get3A_0 = memref.load %arg1[%get3A] : memref<32xi32, #tpu.memory_space<smem>>
    %add3A = arith.constant 13 : i32
    %add3A_1 = arith.addi %get3A_0, %add3A : i32
    %min3A = arith.constant 15 : i32
    %min3A_2 = arith.minsi %add3A_1, %min3A : i32
    %c0_i32 = arith.constant 0 : i32
    %c0_i32_3 = arith.constant 0 : i32
    return %c0_i32, %min3A_2 : i32, i32
  }
  func.func @transform_33(%arg0: i32, %arg1: memref<32xi32, #tpu.memory_space<smem>>) -> (i32, i32) {
    %get3A = arith.index_cast %arg0 : i32 to index
    %get3A_0 = memref.load %arg1[%get3A] : memref<32xi32, #tpu.memory_space<smem>>
    %add3A = arith.constant 14 : i32
    %add3A_1 = arith.addi %get3A_0, %add3A : i32
    %min3A = arith.constant 15 : i32
    %min3A_2 = arith.minsi %add3A_1, %min3A : i32
    %c0_i32 = arith.constant 0 : i32
    %c0_i32_3 = arith.constant 0 : i32
    return %c0_i32, %min3A_2 : i32, i32
  }
  func.func @transform_34(%arg0: i32, %arg1: memref<32xi32, #tpu.memory_space<smem>>) -> (i32, i32) {
    %get3A = arith.index_cast %arg0 : i32 to index
    %get3A_0 = memref.load %arg1[%get3A] : memref<32xi32, #tpu.memory_space<smem>>
    %add3A = arith.constant 15 : i32
    %add3A_1 = arith.addi %get3A_0, %add3A : i32
    %min3A = arith.constant 15 : i32
    %min3A_2 = arith.minsi %add3A_1, %min3A : i32
    %c0_i32 = arith.constant 0 : i32
    %c0_i32_3 = arith.constant 0 : i32
    return %c0_i32, %min3A_2 : i32, i32
  }
  func.func @transform_35(%arg0: i32, %arg1: memref<32xi32, #tpu.memory_space<smem>>) -> (i32, i32) {
    %get3A = arith.index_cast %arg0 : i32 to index
    %get3A_0 = memref.load %arg1[%get3A] : memref<32xi32, #tpu.memory_space<smem>>
    %add3A = arith.constant 0 : i32
    %add3A_1 = arith.addi %get3A_0, %add3A : i32
    %min3A = arith.constant 15 : i32
    %min3A_2 = arith.minsi %add3A_1, %min3A : i32
    %c0_i32 = arith.constant 0 : i32
    %c0_i32_3 = arith.constant 0 : i32
    return %min3A_2, %c0_i32 : i32, i32
  }
  func.func @transform_36(%arg0: i32, %arg1: memref<32xi32, #tpu.memory_space<smem>>) -> (i32, i32) {
    %get3A = arith.index_cast %arg0 : i32 to index
    %get3A_0 = memref.load %arg1[%get3A] : memref<32xi32, #tpu.memory_space<smem>>
    %add3A = arith.constant 1 : i32
    %add3A_1 = arith.addi %get3A_0, %add3A : i32
    %min3A = arith.constant 15 : i32
    %min3A_2 = arith.minsi %add3A_1, %min3A : i32
    %c0_i32 = arith.constant 0 : i32
    %c0_i32_3 = arith.constant 0 : i32
    return %min3A_2, %c0_i32 : i32, i32
  }
  func.func @transform_37(%arg0: i32, %arg1: memref<32xi32, #tpu.memory_space<smem>>) -> (i32, i32) {
    %get3A = arith.index_cast %arg0 : i32 to index
    %get3A_0 = memref.load %arg1[%get3A] : memref<32xi32, #tpu.memory_space<smem>>
    %add3A = arith.constant 2 : i32
    %add3A_1 = arith.addi %get3A_0, %add3A : i32
    %min3A = arith.constant 15 : i32
    %min3A_2 = arith.minsi %add3A_1, %min3A : i32
    %c0_i32 = arith.constant 0 : i32
    %c0_i32_3 = arith.constant 0 : i32
    return %min3A_2, %c0_i32 : i32, i32
  }
  func.func @transform_38(%arg0: i32, %arg1: memref<32xi32, #tpu.memory_space<smem>>) -> (i32, i32) {
    %get3A = arith.index_cast %arg0 : i32 to index
    %get3A_0 = memref.load %arg1[%get3A] : memref<32xi32, #tpu.memory_space<smem>>
    %add3A = arith.constant 3 : i32
    %add3A_1 = arith.addi %get3A_0, %add3A : i32
    %min3A = arith.constant 15 : i32
    %min3A_2 = arith.minsi %add3A_1, %min3A : i32
    %c0_i32 = arith.constant 0 : i32
    %c0_i32_3 = arith.constant 0 : i32
    return %min3A_2, %c0_i32 : i32, i32
  }
  func.func @transform_39(%arg0: i32, %arg1: memref<32xi32, #tpu.memory_space<smem>>) -> (i32, i32) {
    %get3A = arith.index_cast %arg0 : i32 to index
    %get3A_0 = memref.load %arg1[%get3A] : memref<32xi32, #tpu.memory_space<smem>>
    %add3A = arith.constant 4 : i32
    %add3A_1 = arith.addi %get3A_0, %add3A : i32
    %min3A = arith.constant 15 : i32
    %min3A_2 = arith.minsi %add3A_1, %min3A : i32
    %c0_i32 = arith.constant 0 : i32
    %c0_i32_3 = arith.constant 0 : i32
    return %min3A_2, %c0_i32 : i32, i32
  }
  func.func @transform_40(%arg0: i32, %arg1: memref<32xi32, #tpu.memory_space<smem>>) -> (i32, i32) {
    %get3A = arith.index_cast %arg0 : i32 to index
    %get3A_0 = memref.load %arg1[%get3A] : memref<32xi32, #tpu.memory_space<smem>>
    %add3A = arith.constant 5 : i32
    %add3A_1 = arith.addi %get3A_0, %add3A : i32
    %min3A = arith.constant 15 : i32
    %min3A_2 = arith.minsi %add3A_1, %min3A : i32
    %c0_i32 = arith.constant 0 : i32
    %c0_i32_3 = arith.constant 0 : i32
    return %min3A_2, %c0_i32 : i32, i32
  }
  func.func @transform_41(%arg0: i32, %arg1: memref<32xi32, #tpu.memory_space<smem>>) -> (i32, i32) {
    %get3A = arith.index_cast %arg0 : i32 to index
    %get3A_0 = memref.load %arg1[%get3A] : memref<32xi32, #tpu.memory_space<smem>>
    %add3A = arith.constant 6 : i32
    %add3A_1 = arith.addi %get3A_0, %add3A : i32
    %min3A = arith.constant 15 : i32
    %min3A_2 = arith.minsi %add3A_1, %min3A : i32
    %c0_i32 = arith.constant 0 : i32
    %c0_i32_3 = arith.constant 0 : i32
    return %min3A_2, %c0_i32 : i32, i32
  }
  func.func @transform_42(%arg0: i32, %arg1: memref<32xi32, #tpu.memory_space<smem>>) -> (i32, i32) {
    %get3A = arith.index_cast %arg0 : i32 to index
    %get3A_0 = memref.load %arg1[%get3A] : memref<32xi32, #tpu.memory_space<smem>>
    %add3A = arith.constant 7 : i32
    %add3A_1 = arith.addi %get3A_0, %add3A : i32
    %min3A = arith.constant 15 : i32
    %min3A_2 = arith.minsi %add3A_1, %min3A : i32
    %c0_i32 = arith.constant 0 : i32
    %c0_i32_3 = arith.constant 0 : i32
    return %min3A_2, %c0_i32 : i32, i32
  }
  func.func @transform_43(%arg0: i32, %arg1: memref<32xi32, #tpu.memory_space<smem>>) -> (i32, i32) {
    %get3A = arith.index_cast %arg0 : i32 to index
    %get3A_0 = memref.load %arg1[%get3A] : memref<32xi32, #tpu.memory_space<smem>>
    %add3A = arith.constant 8 : i32
    %add3A_1 = arith.addi %get3A_0, %add3A : i32
    %min3A = arith.constant 15 : i32
    %min3A_2 = arith.minsi %add3A_1, %min3A : i32
    %c0_i32 = arith.constant 0 : i32
    %c0_i32_3 = arith.constant 0 : i32
    return %min3A_2, %c0_i32 : i32, i32
  }
  func.func @transform_44(%arg0: i32, %arg1: memref<32xi32, #tpu.memory_space<smem>>) -> (i32, i32) {
    %get3A = arith.index_cast %arg0 : i32 to index
    %get3A_0 = memref.load %arg1[%get3A] : memref<32xi32, #tpu.memory_space<smem>>
    %add3A = arith.constant 9 : i32
    %add3A_1 = arith.addi %get3A_0, %add3A : i32
    %min3A = arith.constant 15 : i32
    %min3A_2 = arith.minsi %add3A_1, %min3A : i32
    %c0_i32 = arith.constant 0 : i32
    %c0_i32_3 = arith.constant 0 : i32
    return %min3A_2, %c0_i32 : i32, i32
  }
  func.func @transform_45(%arg0: i32, %arg1: memref<32xi32, #tpu.memory_space<smem>>) -> (i32, i32) {
    %get3A = arith.index_cast %arg0 : i32 to index
    %get3A_0 = memref.load %arg1[%get3A] : memref<32xi32, #tpu.memory_space<smem>>
    %add3A = arith.constant 10 : i32
    %add3A_1 = arith.addi %get3A_0, %add3A : i32
    %min3A = arith.constant 15 : i32
    %min3A_2 = arith.minsi %add3A_1, %min3A : i32
    %c0_i32 = arith.constant 0 : i32
    %c0_i32_3 = arith.constant 0 : i32
    return %min3A_2, %c0_i32 : i32, i32
  }
  func.func @transform_46(%arg0: i32, %arg1: memref<32xi32, #tpu.memory_space<smem>>) -> (i32, i32) {
    %get3A = arith.index_cast %arg0 : i32 to index
    %get3A_0 = memref.load %arg1[%get3A] : memref<32xi32, #tpu.memory_space<smem>>
    %add3A = arith.constant 11 : i32
    %add3A_1 = arith.addi %get3A_0, %add3A : i32
    %min3A = arith.constant 15 : i32
    %min3A_2 = arith.minsi %add3A_1, %min3A : i32
    %c0_i32 = arith.constant 0 : i32
    %c0_i32_3 = arith.constant 0 : i32
    return %min3A_2, %c0_i32 : i32, i32
  }
  func.func @transform_47(%arg0: i32, %arg1: memref<32xi32, #tpu.memory_space<smem>>) -> (i32, i32) {
    %get3A = arith.index_cast %arg0 : i32 to index
    %get3A_0 = memref.load %arg1[%get3A] : memref<32xi32, #tpu.memory_space<smem>>
    %add3A = arith.constant 12 : i32
    %add3A_1 = arith.addi %get3A_0, %add3A : i32
    %min3A = arith.constant 15 : i32
    %min3A_2 = arith.minsi %add3A_1, %min3A : i32
    %c0_i32 = arith.constant 0 : i32
    %c0_i32_3 = arith.constant 0 : i32
    return %min3A_2, %c0_i32 : i32, i32
  }
  func.func @transform_48(%arg0: i32, %arg1: memref<32xi32, #tpu.memory_space<smem>>) -> (i32, i32) {
    %get3A = arith.index_cast %arg0 : i32 to index
    %get3A_0 = memref.load %arg1[%get3A] : memref<32xi32, #tpu.memory_space<smem>>
    %add3A = arith.constant 13 : i32
    %add3A_1 = arith.addi %get3A_0, %add3A : i32
    %min3A = arith.constant 15 : i32
    %min3A_2 = arith.minsi %add3A_1, %min3A : i32
    %c0_i32 = arith.constant 0 : i32
    %c0_i32_3 = arith.constant 0 : i32
    return %min3A_2, %c0_i32 : i32, i32
  }
  func.func @transform_49(%arg0: i32, %arg1: memref<32xi32, #tpu.memory_space<smem>>) -> (i32, i32) {
    %get3A = arith.index_cast %arg0 : i32 to index
    %get3A_0 = memref.load %arg1[%get3A] : memref<32xi32, #tpu.memory_space<smem>>
    %add3A = arith.constant 14 : i32
    %add3A_1 = arith.addi %get3A_0, %add3A : i32
    %min3A = arith.constant 15 : i32
    %min3A_2 = arith.minsi %add3A_1, %min3A : i32
    %c0_i32 = arith.constant 0 : i32
    %c0_i32_3 = arith.constant 0 : i32
    return %min3A_2, %c0_i32 : i32, i32
  }
  func.func @transform_50(%arg0: i32, %arg1: memref<32xi32, #tpu.memory_space<smem>>) -> (i32, i32) {
    %get3A = arith.index_cast %arg0 : i32 to index
    %get3A_0 = memref.load %arg1[%get3A] : memref<32xi32, #tpu.memory_space<smem>>
    %add3A = arith.constant 15 : i32
    %add3A_1 = arith.addi %get3A_0, %add3A : i32
    %min3A = arith.constant 15 : i32
    %min3A_2 = arith.minsi %add3A_1, %min3A : i32
    %c0_i32 = arith.constant 0 : i32
    %c0_i32_3 = arith.constant 0 : i32
    return %min3A_2, %c0_i32 : i32, i32
  }
  func.func @transform_51(%arg0: i32, %arg1: memref<32xi32, #tpu.memory_space<smem>>) -> (i32, i32) {
    %c0_i32 = arith.constant 0 : i32
    %c0_i32_0 = arith.constant 0 : i32
    %c0_i32_1 = arith.constant 0 : i32
    return %c0_i32, %c0_i32_0 : i32, i32
  }
  func.func @transform_52(%arg0: i32, %arg1: memref<32xi32, #tpu.memory_space<smem>>) -> (i32, i32) {
    %c0_i32 = arith.constant 0 : i32
    %c0_i32_0 = arith.constant 0 : i32
    %c0_i32_1 = arith.constant 0 : i32
    return %c0_i32, %c0_i32_0 : i32, i32
  }
  func.func @transform_53(%arg0: i32, %arg1: memref<32xi32, #tpu.memory_space<smem>>) -> (i32, i32) {
    %c0_i32 = arith.constant 0 : i32
    %c0_i32_0 = arith.constant 0 : i32
    %c0_i32_1 = arith.constant 0 : i32
    return %c0_i32, %c0_i32_0 : i32, i32
  }
  func.func @transform_54(%arg0: i32, %arg1: memref<32xi32, #tpu.memory_space<smem>>) -> (i32, i32) {
    %c0_i32 = arith.constant 0 : i32
    %c0_i32_0 = arith.constant 0 : i32
    %c0_i32_1 = arith.constant 0 : i32
    return %c0_i32, %c0_i32_0 : i32, i32
  }
  func.func @transform_55(%arg0: i32, %arg1: memref<32xi32, #tpu.memory_space<smem>>) -> (i32, i32) {
    %c0_i32 = arith.constant 0 : i32
    %c0_i32_0 = arith.constant 0 : i32
    %c0_i32_1 = arith.constant 0 : i32
    return %c0_i32, %c0_i32_0 : i32, i32
  }
  func.func @transform_56(%arg0: i32, %arg1: memref<32xi32, #tpu.memory_space<smem>>) -> (i32, i32) {
    %c0_i32 = arith.constant 0 : i32
    %c0_i32_0 = arith.constant 0 : i32
    return %c0_i32, %arg0 : i32, i32
  }
  func.func @transform_57(%arg0: i32, %arg1: memref<32xi32, #tpu.memory_space<smem>>) -> (i32, i32, i32) {
    %c0_i32 = arith.constant 0 : i32
    %c0_i32_0 = arith.constant 0 : i32
    %c0_i32_1 = arith.constant 0 : i32
    return %c0_i32, %arg0, %c0_i32_0 : i32, i32, i32
  }
  func.func @transform_58(%arg0: i32, %arg1: memref<32xi32, #tpu.memory_space<smem>>) -> (i32, i32) {
    %c0_i32 = arith.constant 0 : i32
    %c0_i32_0 = arith.constant 0 : i32
    return %arg0, %c0_i32 : i32, i32
  }
}

module attributes {stable_mosaic.version = 14 : i64} {
  func.func @body(%arg0: i32, %arg1: memref<32xi32, #tpu.memory_space<smem>>, %arg2: memref<256x3xf32, #tpu.memory_space<vmem>>, %arg3: memref<256x128xf32, #tpu.memory_space<vmem>>, %arg4: memref<256x1xf32, #tpu.memory_space<vmem>>, %arg5: memref<3x512xf32, #tpu.memory_space<vmem>>, %arg6: memref<3x512xf32, #tpu.memory_space<vmem>>, %arg7: memref<3x512xf32, #tpu.memory_space<vmem>>, %arg8: memref<3x512xf32, #tpu.memory_space<vmem>>, %arg9: memref<3x512xf32, #tpu.memory_space<vmem>>, %arg10: memref<3x512xf32, #tpu.memory_space<vmem>>, %arg11: memref<1x512xf32, #tpu.memory_space<vmem>>, %arg12: memref<1x512xf32, #tpu.memory_space<vmem>>, %arg13: memref<1x512xf32, #tpu.memory_space<vmem>>, %arg14: memref<1x512xf32, #tpu.memory_space<vmem>>, %arg15: memref<1x512xf32, #tpu.memory_space<vmem>>, %arg16: memref<1x512xf32, #tpu.memory_space<vmem>>, %arg17: memref<512x3xf32, #tpu.memory_space<vmem>>, %arg18: memref<512x3xf32, #tpu.memory_space<vmem>>, %arg19: memref<512x3xf32, #tpu.memory_space<vmem>>, %arg20: memref<512x3xf32, #tpu.memory_space<vmem>>, %arg21: memref<512x3xf32, #tpu.memory_space<vmem>>, %arg22: memref<512x3xf32, #tpu.memory_space<vmem>>, %arg23: memref<128x128xf32, #tpu.memory_space<vmem>>, %arg24: memref<3x128xf32, #tpu.memory_space<vmem>>, %arg25: memref<1x128xf32, #tpu.memory_space<vmem>>, %arg26: memref<128x256xf32, #tpu.memory_space<vmem>>, %arg27: memref<1x256xf32, #tpu.memory_space<vmem>>, %arg28: memref<16x256xi32, #tpu.memory_space<vmem>>, %arg29: memref<16x256x256xf32, #tpu.memory_space<vmem>>, %arg30: memref<256x256xf32, #tpu.memory_space<vmem>>) attributes {dimension_semantics = [#tpu.dimension_semantics<arbitrary>], iteration_bounds = array<i64: 32>, scalar_prefetch = 1 : i64, scratch_operands = 0 : i64, tpu.core_type = #tpu.core_type<tc>, window_params = [{transform_indices = @transform_0, window_bounds = array<i64: 256, 3>}, {transform_indices = @transform_1, window_bounds = array<i64: 256, 128>}, {transform_indices = @transform_2, window_bounds = array<i64: 256, 1>}, {transform_indices = @transform_3, window_bounds = array<i64: 3, 512>}, {transform_indices = @transform_4, window_bounds = array<i64: 3, 512>}, {transform_indices = @transform_5, window_bounds = array<i64: 3, 512>}, {transform_indices = @transform_6, window_bounds = array<i64: 3, 512>}, {transform_indices = @transform_7, window_bounds = array<i64: 3, 512>}, {transform_indices = @transform_8, window_bounds = array<i64: 3, 512>}, {transform_indices = @transform_9, window_bounds = array<i64: 1, 512>}, {transform_indices = @transform_10, window_bounds = array<i64: 1, 512>}, {transform_indices = @transform_11, window_bounds = array<i64: 1, 512>}, {transform_indices = @transform_12, window_bounds = array<i64: 1, 512>}, {transform_indices = @transform_13, window_bounds = array<i64: 1, 512>}, {transform_indices = @transform_14, window_bounds = array<i64: 1, 512>}, {transform_indices = @transform_15, window_bounds = array<i64: 512, 3>}, {transform_indices = @transform_16, window_bounds = array<i64: 512, 3>}, {transform_indices = @transform_17, window_bounds = array<i64: 512, 3>}, {transform_indices = @transform_18, window_bounds = array<i64: 512, 3>}, {transform_indices = @transform_19, window_bounds = array<i64: 512, 3>}, {transform_indices = @transform_20, window_bounds = array<i64: 512, 3>}, {pipeline_mode = #tpu.pipeline_mode<synchronous>, transform_indices = @transform_21, window_bounds = array<i64: 128, 128>}, {pipeline_mode = #tpu.pipeline_mode<synchronous>, transform_indices = @transform_22, window_bounds = array<i64: 3, 128>}, {pipeline_mode = #tpu.pipeline_mode<synchronous>, transform_indices = @transform_23, window_bounds = array<i64: 1, 128>}, {pipeline_mode = #tpu.pipeline_mode<synchronous>, transform_indices = @transform_24, window_bounds = array<i64: 128, 256>}, {pipeline_mode = #tpu.pipeline_mode<synchronous>, transform_indices = @transform_25, window_bounds = array<i64: 1, 256>}, {transform_indices = @transform_26, window_bounds = array<i64: 16, 256>}, {transform_indices = @transform_27, window_bounds = array<i64: 16, 256, 256>}, {transform_indices = @transform_28, window_bounds = array<i64: 256, 256>}]} {
    %get3A = arith.index_cast %arg0 : i32 to index
    %get3A_0 = memref.load %arg1[%get3A] : memref<32xi32, #tpu.memory_space<smem>>
    %mul3A = arith.constant 512 : i32
    %mul3A_1 = arith.muli %get3A_0, %mul3A : i32
    %get3A_2 = arith.constant 0 : index
    %get3A_3 = arith.constant 0 : index
    %get3A_4 = vector.load %arg2[%get3A_2, %get3A_3] : memref<256x3xf32, #tpu.memory_space<vmem>>, vector<256x3xf32>
    %get3A_5 = arith.constant 0 : index
    %get3A_6 = arith.constant 0 : index
    %get3A_7 = vector.load %arg3[%get3A_5, %get3A_6] : memref<256x128xf32, #tpu.memory_space<vmem>>, vector<256x128xf32>
    %get3A_8 = arith.constant 0 : index
    %get3A_9 = arith.constant 0 : index
    %get3A_10 = vector.load %arg4[%get3A_8, %get3A_9] : memref<256x1xf32, #tpu.memory_space<vmem>>, vector<256x1xf32>
    %get3A_11 = arith.constant 0 : index
    %get3A_12 = arith.constant 0 : index
    %get3A_13 = vector.load %arg5[%get3A_11, %get3A_12] : memref<3x512xf32, #tpu.memory_space<vmem>>, vector<3x512xf32>
    %get3A_14 = arith.constant 0 : index
    %get3A_15 = arith.constant 0 : index
    %get3A_16 = vector.load %arg6[%get3A_14, %get3A_15] : memref<3x512xf32, #tpu.memory_space<vmem>>, vector<3x512xf32>
    %get3A_17 = arith.constant 0 : index
    %get3A_18 = arith.constant 0 : index
    %get3A_19 = vector.load %arg7[%get3A_17, %get3A_18] : memref<3x512xf32, #tpu.memory_space<vmem>>, vector<3x512xf32>
    %get3A_20 = arith.constant 0 : index
    %get3A_21 = arith.constant 0 : index
    %get3A_22 = vector.load %arg8[%get3A_20, %get3A_21] : memref<3x512xf32, #tpu.memory_space<vmem>>, vector<3x512xf32>
    %get3A_23 = arith.constant 0 : index
    %get3A_24 = arith.constant 0 : index
    %get3A_25 = vector.load %arg9[%get3A_23, %get3A_24] : memref<3x512xf32, #tpu.memory_space<vmem>>, vector<3x512xf32>
    %get3A_26 = arith.constant 0 : index
    %get3A_27 = arith.constant 0 : index
    %get3A_28 = vector.load %arg10[%get3A_26, %get3A_27] : memref<3x512xf32, #tpu.memory_space<vmem>>, vector<3x512xf32>
    %concatenate3A = tpu.concatenate %get3A_13, %get3A_16, %get3A_19, %get3A_22, %get3A_25, %get3A_28 in 1 : vector<3x512xf32>, vector<3x512xf32>, vector<3x512xf32>, vector<3x512xf32>, vector<3x512xf32>, vector<3x512xf32> -> vector<3x3072xf32>
    %get3A_29 = arith.constant 0 : index
    %get3A_30 = arith.constant 0 : index
    %get3A_31 = vector.load %arg11[%get3A_29, %get3A_30] : memref<1x512xf32, #tpu.memory_space<vmem>>, vector<1x512xf32>
    %get3A_32 = arith.constant 0 : index
    %get3A_33 = arith.constant 0 : index
    %get3A_34 = vector.load %arg12[%get3A_32, %get3A_33] : memref<1x512xf32, #tpu.memory_space<vmem>>, vector<1x512xf32>
    %get3A_35 = arith.constant 0 : index
    %get3A_36 = arith.constant 0 : index
    %get3A_37 = vector.load %arg13[%get3A_35, %get3A_36] : memref<1x512xf32, #tpu.memory_space<vmem>>, vector<1x512xf32>
    %get3A_38 = arith.constant 0 : index
    %get3A_39 = arith.constant 0 : index
    %get3A_40 = vector.load %arg14[%get3A_38, %get3A_39] : memref<1x512xf32, #tpu.memory_space<vmem>>, vector<1x512xf32>
    %get3A_41 = arith.constant 0 : index
    %get3A_42 = arith.constant 0 : index
    %get3A_43 = vector.load %arg15[%get3A_41, %get3A_42] : memref<1x512xf32, #tpu.memory_space<vmem>>, vector<1x512xf32>
    %get3A_44 = arith.constant 0 : index
    %get3A_45 = arith.constant 0 : index
    %get3A_46 = vector.load %arg16[%get3A_44, %get3A_45] : memref<1x512xf32, #tpu.memory_space<vmem>>, vector<1x512xf32>
    %concatenate3A_47 = tpu.concatenate %get3A_31, %get3A_34, %get3A_37, %get3A_40, %get3A_43, %get3A_46 in 1 : vector<1x512xf32>, vector<1x512xf32>, vector<1x512xf32>, vector<1x512xf32>, vector<1x512xf32>, vector<1x512xf32> -> vector<1x3072xf32>
    %get3A_48 = arith.constant 0 : index
    %get3A_49 = arith.constant 0 : index
    %get3A_50 = vector.load %arg17[%get3A_48, %get3A_49] : memref<512x3xf32, #tpu.memory_space<vmem>>, vector<512x3xf32>
    %get3A_51 = arith.constant 0 : index
    %get3A_52 = arith.constant 0 : index
    %get3A_53 = vector.load %arg18[%get3A_51, %get3A_52] : memref<512x3xf32, #tpu.memory_space<vmem>>, vector<512x3xf32>
    %get3A_54 = arith.constant 0 : index
    %get3A_55 = arith.constant 0 : index
    %get3A_56 = vector.load %arg19[%get3A_54, %get3A_55] : memref<512x3xf32, #tpu.memory_space<vmem>>, vector<512x3xf32>
    %get3A_57 = arith.constant 0 : index
    %get3A_58 = arith.constant 0 : index
    %get3A_59 = vector.load %arg20[%get3A_57, %get3A_58] : memref<512x3xf32, #tpu.memory_space<vmem>>, vector<512x3xf32>
    %get3A_60 = arith.constant 0 : index
    %get3A_61 = arith.constant 0 : index
    %get3A_62 = vector.load %arg21[%get3A_60, %get3A_61] : memref<512x3xf32, #tpu.memory_space<vmem>>, vector<512x3xf32>
    %get3A_63 = arith.constant 0 : index
    %get3A_64 = arith.constant 0 : index
    %get3A_65 = vector.load %arg22[%get3A_63, %get3A_64] : memref<512x3xf32, #tpu.memory_space<vmem>>, vector<512x3xf32>
    %concatenate3A_66 = tpu.concatenate %get3A_50, %get3A_53, %get3A_56, %get3A_59, %get3A_62, %get3A_65 in 0 : vector<512x3xf32>, vector<512x3xf32>, vector<512x3xf32>, vector<512x3xf32>, vector<512x3xf32>, vector<512x3xf32> -> vector<3072x3xf32>
    %get3A_67 = arith.constant 0 : index
    %get3A_68 = arith.constant 0 : index
    %get3A_69 = vector.load %arg23[%get3A_67, %get3A_68] : memref<128x128xf32, #tpu.memory_space<vmem>>, vector<128x128xf32>
    %get3A_70 = arith.constant 0 : index
    %get3A_71 = arith.constant 0 : index
    %get3A_72 = vector.load %arg24[%get3A_70, %get3A_71] : memref<3x128xf32, #tpu.memory_space<vmem>>, vector<3x128xf32>
    %get3A_73 = arith.constant 0 : index
    %get3A_74 = arith.constant 0 : index
    %get3A_75 = vector.load %arg25[%get3A_73, %get3A_74] : memref<1x128xf32, #tpu.memory_space<vmem>>, vector<1x128xf32>
    %get3A_76 = arith.constant 0 : index
    %get3A_77 = arith.constant 0 : index
    %get3A_78 = vector.load %arg26[%get3A_76, %get3A_77] : memref<128x256xf32, #tpu.memory_space<vmem>>, vector<128x256xf32>
    %get3A_79 = arith.constant 0 : index
    %get3A_80 = arith.constant 0 : index
    %get3A_81 = vector.load %arg27[%get3A_79, %get3A_80] : memref<1x256xf32, #tpu.memory_space<vmem>>, vector<1x256xf32>
    %iota3A = tpu.iota {dimensions = array<i32: 1>} : vector<256x3072xi32>
    %slice3A = vector.extract_strided_slice %get3A_4 {offsets = [0, 0], sizes = [256, 1], strides = [1, 1]} : vector<256x3xf32> to vector<256x1xf32>
    %slice3A_82 = vector.extract_strided_slice %concatenate3A {offsets = [0, 0], sizes = [1, 3072], strides = [1, 1]} : vector<3x3072xf32> to vector<1x3072xf32>
    %sub3A = vector.broadcast %slice3A : vector<256x1xf32> to vector<256x3072xf32>
    %sub3A_83 = vector.broadcast %slice3A_82 : vector<1x3072xf32> to vector<256x3072xf32>
    %sub3A_84 = arith.subf %sub3A, %sub3A_83 : vector<256x3072xf32>
    %slice3A_85 = vector.extract_strided_slice %get3A_4 {offsets = [0, 1], sizes = [256, 1], strides = [1, 1]} : vector<256x3xf32> to vector<256x1xf32>
    %slice3A_86 = vector.extract_strided_slice %concatenate3A {offsets = [1, 0], sizes = [1, 3072], strides = [1, 1]} : vector<3x3072xf32> to vector<1x3072xf32>
    %sub3A_87 = vector.broadcast %slice3A_85 : vector<256x1xf32> to vector<256x3072xf32>
    %sub3A_88 = vector.broadcast %slice3A_86 : vector<1x3072xf32> to vector<256x3072xf32>
    %sub3A_89 = arith.subf %sub3A_87, %sub3A_88 : vector<256x3072xf32>
    %slice3A_90 = vector.extract_strided_slice %get3A_4 {offsets = [0, 2], sizes = [256, 1], strides = [1, 1]} : vector<256x3xf32> to vector<256x1xf32>
    %slice3A_91 = vector.extract_strided_slice %concatenate3A {offsets = [2, 0], sizes = [1, 3072], strides = [1, 1]} : vector<3x3072xf32> to vector<1x3072xf32>
    %sub3A_92 = vector.broadcast %slice3A_90 : vector<256x1xf32> to vector<256x3072xf32>
    %sub3A_93 = vector.broadcast %slice3A_91 : vector<1x3072xf32> to vector<256x3072xf32>
    %sub3A_94 = arith.subf %sub3A_92, %sub3A_93 : vector<256x3072xf32>
    %mul3A_95 = arith.mulf %sub3A_84, %sub3A_84 : vector<256x3072xf32>
    %mul3A_96 = arith.mulf %sub3A_89, %sub3A_89 : vector<256x3072xf32>
    %add3A = arith.addf %mul3A_95, %mul3A_96 : vector<256x3072xf32>
    %mul3A_97 = arith.mulf %sub3A_94, %sub3A_94 : vector<256x3072xf32>
    %add3A_98 = arith.addf %add3A, %mul3A_97 : vector<256x3072xf32>
    %ne3A = vector.broadcast %get3A_10 : vector<256x1xf32> to vector<256x3072xf32>
    %ne3A_99 = vector.broadcast %concatenate3A_47 : vector<1x3072xf32> to vector<256x3072xf32>
    %ne3A_100 = arith.cmpf one, %ne3A, %ne3A_99 : vector<256x3072xf32>
    %add3A_101 = vector.broadcast %mul3A_1 : i32 to vector<256x3072xi32>
    %add3A_102 = arith.addi %iota3A, %add3A_101 : vector<256x3072xi32>
    %ge3A = arith.constant 8192 : i32
    %ge3A_103 = vector.broadcast %ge3A : i32 to vector<256x3072xi32>
    %ge3A_104 = arith.cmpi sge, %add3A_102, %ge3A_103 : vector<256x3072xi32>
    %or3A = arith.ori %ne3A_100, %ge3A_104 : vector<256x3072xi1>
    %jit3A = arith.constant 0x7F800000 : f32
    %broadcast_in_dim3A = vector.broadcast %jit3A : f32 to vector<256x3072xf32>
    %select_n3A = arith.select %or3A, %broadcast_in_dim3A, %add3A_98 : vector<256x3072xi1>, vector<256x3072xf32>
    %dot_general3A = arith.constant dense<0.000000e+00> : vector<256x128xf32>
    %dot_general3A_105 = tpu.matmul %get3A_7, %get3A_69, %dot_general3A {dimension_numbers = #tpu.dot_dimension_numbers<[1], [0], [0], [1], [0, 0, 1, 1], [], []>, transpose_lhs_hint = false} : vector<256x128xf32>, vector<128x128xf32>, vector<256x128xf32> -> vector<256x128xf32>
    %add3A_106 = vector.broadcast %get3A_75 : vector<1x128xf32> to vector<256x128xf32>
    %add3A_107 = arith.addf %dot_general3A_105, %add3A_106 : vector<256x128xf32>
    %max3A = arith.constant 0.000000e+00 : f32
    %max3A_108 = vector.broadcast %max3A : f32 to vector<256x128xf32>
    %max3A_109 = arith.maximumf %add3A_107, %max3A_108 : vector<256x128xf32>
    %dot_general3A_110 = arith.constant dense<0.000000e+00> : vector<256x256xf32>
    %dot_general3A_111 = tpu.matmul %max3A_109, %get3A_78, %dot_general3A_110 {dimension_numbers = #tpu.dot_dimension_numbers<[1], [0], [0], [1], [0, 0, 1, 1], [], []>, transpose_lhs_hint = false} : vector<256x128xf32>, vector<128x256xf32>, vector<256x256xf32> -> vector<256x256xf32>
    %add3A_112 = vector.broadcast %get3A_81 : vector<1x256xf32> to vector<256x256xf32>
    %add3A_113 = arith.addf %dot_general3A_111, %add3A_112 : vector<256x256xf32>
    %max3A_114 = arith.constant 0.000000e+00 : f32
    %max3A_115 = vector.broadcast %max3A_114 : f32 to vector<256x256xf32>
    %max3A_116 = arith.maximumf %add3A_113, %max3A_115 : vector<256x256xf32>
    %swap3A = arith.constant 0 : index
    %swap3A_117 = arith.constant 0 : index
    %swap3A_118 = vector.load %arg30[%swap3A, %swap3A_117] : memref<256x256xf32, #tpu.memory_space<vmem>>, vector<256x256xf32>
    tpu.vector_store %arg30[%swap3A, %swap3A_117], %max3A_116 {strides = array<i32>} : memref<256x256xf32, #tpu.memory_space<vmem>>, vector<256x256xf32>,
    %reduce_min3A = arith.constant dense<0x7F800000> : vector<256xf32>
    %reduce_min3A_119 = vector.multi_reduction <minimumf>, %select_n3A, %reduce_min3A [1] : vector<256x3072xf32> to vector<256xf32>
    %broadcast_in_dim3A_120 = vector.shape_cast %reduce_min3A_119 : vector<256xf32> to vector<256x1xf32>
    %eq3A = vector.broadcast %broadcast_in_dim3A_120 : vector<256x1xf32> to vector<256x3072xf32>
    %eq3A_121 = arith.cmpf oeq, %select_n3A, %eq3A : vector<256x3072xf32>
    %jit3A_122 = arith.constant 3072 : i32
    %broadcast_in_dim3A_123 = vector.broadcast %jit3A_122 : i32 to vector<256x3072xi32>
    %select_n3A_124 = arith.select %eq3A_121, %iota3A, %broadcast_in_dim3A_123 : vector<256x3072xi1>, vector<256x3072xi32>
    %reduce_min3A_125 = arith.constant dense<2147483647> : vector<256xi32>
    %reduce_min3A_126 = vector.multi_reduction <minsi>, %select_n3A_124, %reduce_min3A_125 [1] : vector<256x3072xi32> to vector<256xi32>
    %broadcast_in_dim3A_127 = vector.shape_cast %reduce_min3A_126 : vector<256xi32> to vector<256x1xi32>
    %eq3A_128 = vector.broadcast %broadcast_in_dim3A_127 : vector<256x1xi32> to vector<256x3072xi32>
    %eq3A_129 = arith.cmpi eq, %iota3A, %eq3A_128 : vector<256x3072xi32>
    %add3A_130 = vector.broadcast %mul3A_1 : i32 to vector<256xi32>
    %add3A_131 = arith.addi %reduce_min3A_126, %add3A_130 : vector<256xi32>
    %swap3A_132 = arith.constant 0 : index
    %swap3A_133 = arith.constant 0 : index
    %swap3A_134 = vector.load %arg28[%swap3A_132, %swap3A_133] : memref<16x256xi32, #tpu.memory_space<vmem>>, vector<1x256xi32>
    %swap3A_135 = vector.shape_cast %swap3A_134 : vector<1x256xi32> to vector<256xi32>
    %swap3A_136 = vector.shape_cast %add3A_131 : vector<256xi32> to vector<1x256xi32>
    tpu.vector_store %arg28[%swap3A_132, %swap3A_133], %swap3A_136 {strides = array<i32>} : memref<16x256xi32, #tpu.memory_space<vmem>>, vector<1x256xi32>,
    %convert_element_type3A = arith.extui %eq3A_129 : vector<256x3072xi1> to vector<256x3072xi32>
    %convert_element_type3A_137 = arith.sitofp %convert_element_type3A : vector<256x3072xi32> to vector<256x3072xf32>
    %dot_general3A_138 = arith.constant dense<0.000000e+00> : vector<256x3xf32>
    %dot_general3A_139 = tpu.matmul %convert_element_type3A_137, %concatenate3A_66, %dot_general3A_138 {dimension_numbers = #tpu.dot_dimension_numbers<[1], [0], [0], [1], [0, 0, 1, 1], [], []>, transpose_lhs_hint = false} : vector<256x3072xf32>, vector<3072x3xf32>, vector<256x3xf32> -> vector<256x3xf32>
    %jit3A_140 = arith.constant 0x7F800000 : f32
    %broadcast_in_dim3A_141 = vector.broadcast %jit3A_140 : f32 to vector<256x3072xf32>
    %select_n3A_142 = arith.select %eq3A_129, %broadcast_in_dim3A_141, %select_n3A : vector<256x3072xi1>, vector<256x3072xf32>
    %sub3A_143 = arith.subf %get3A_4, %dot_general3A_139 : vector<256x3xf32>
    %dot_general3A_144 = arith.constant dense<0.000000e+00> : vector<256x128xf32>
    %dot_general3A_145 = tpu.matmul %sub3A_143, %get3A_72, %dot_general3A_144 {dimension_numbers = #tpu.dot_dimension_numbers<[1], [0], [0], [1], [0, 0, 1, 1], [], []>, transpose_lhs_hint = false} : vector<256x3xf32>, vector<3x128xf32>, vector<256x128xf32> -> vector<256x128xf32>
    %add3A_146 = arith.addf %add3A_107, %dot_general3A_145 : vector<256x128xf32>
    %max3A_147 = arith.constant 0.000000e+00 : f32
    %max3A_148 = vector.broadcast %max3A_147 : f32 to vector<256x128xf32>
    %max3A_149 = arith.maximumf %add3A_146, %max3A_148 : vector<256x128xf32>
    %dot_general3A_150 = arith.constant dense<0.000000e+00> : vector<256x256xf32>
    %dot_general3A_151 = tpu.matmul %max3A_149, %get3A_78, %dot_general3A_150 {dimension_numbers = #tpu.dot_dimension_numbers<[1], [0], [0], [1], [0, 0, 1, 1], [], []>, transpose_lhs_hint = false} : vector<256x128xf32>, vector<128x256xf32>, vector<256x256xf32> -> vector<256x256xf32>
    %add3A_152 = vector.broadcast %get3A_81 : vector<1x256xf32> to vector<256x256xf32>
    %add3A_153 = arith.addf %dot_general3A_151, %add3A_152 : vector<256x256xf32>
    %max3A_154 = arith.constant 0.000000e+00 : f32
    %max3A_155 = vector.broadcast %max3A_154 : f32 to vector<256x256xf32>
    %max3A_156 = arith.maximumf %add3A_153, %max3A_155 : vector<256x256xf32>
    %swap3A_157 = arith.constant 0 : index
    %swap3A_158 = arith.constant 0 : index
    %swap3A_159 = arith.constant 0 : index
    %swap3A_160 = vector.load %arg29[%swap3A_157, %swap3A_158, %swap3A_159] : memref<16x256x256xf32, #tpu.memory_space<vmem>>, vector<1x256x256xf32>
    %swap3A_161 = vector.shape_cast %swap3A_160 : vector<1x256x256xf32> to vector<256x256xf32>
    %swap3A_162 = vector.shape_cast %max3A_156 : vector<256x256xf32> to vector<1x256x256xf32>
    tpu.vector_store %arg29[%swap3A_157, %swap3A_158, %swap3A_159], %swap3A_162 {strides = array<i32>} : memref<16x256x256xf32, #tpu.memory_space<vmem>>, vector<1x256x256xf32>,
    %reduce_min3A_163 = arith.constant dense<0x7F800000> : vector<256xf32>
    %reduce_min3A_164 = vector.multi_reduction <minimumf>, %select_n3A_142, %reduce_min3A_163 [1] : vector<256x3072xf32> to vector<256xf32>
    %broadcast_in_dim3A_165 = vector.shape_cast %reduce_min3A_164 : vector<256xf32> to vector<256x1xf32>
    %eq3A_166 = vector.broadcast %broadcast_in_dim3A_165 : vector<256x1xf32> to vector<256x3072xf32>
    %eq3A_167 = arith.cmpf oeq, %select_n3A_142, %eq3A_166 : vector<256x3072xf32>
    %jit3A_168 = arith.constant 3072 : i32
    %broadcast_in_dim3A_169 = vector.broadcast %jit3A_168 : i32 to vector<256x3072xi32>
    %select_n3A_170 = arith.select %eq3A_167, %iota3A, %broadcast_in_dim3A_169 : vector<256x3072xi1>, vector<256x3072xi32>
    %reduce_min3A_171 = arith.constant dense<2147483647> : vector<256xi32>
    %reduce_min3A_172 = vector.multi_reduction <minsi>, %select_n3A_170, %reduce_min3A_171 [1] : vector<256x3072xi32> to vector<256xi32>
    %broadcast_in_dim3A_173 = vector.shape_cast %reduce_min3A_172 : vector<256xi32> to vector<256x1xi32>
    %eq3A_174 = vector.broadcast %broadcast_in_dim3A_173 : vector<256x1xi32> to vector<256x3072xi32>
    %eq3A_175 = arith.cmpi eq, %iota3A, %eq3A_174 : vector<256x3072xi32>
    %add3A_176 = vector.broadcast %mul3A_1 : i32 to vector<256xi32>
    %add3A_177 = arith.addi %reduce_min3A_172, %add3A_176 : vector<256xi32>
    %swap3A_178 = arith.constant 1 : index
    %swap3A_179 = arith.constant 0 : index
    %swap3A_180 = vector.load %arg28[%swap3A_178, %swap3A_179] : memref<16x256xi32, #tpu.memory_space<vmem>>, vector<1x256xi32>
    %swap3A_181 = vector.shape_cast %swap3A_180 : vector<1x256xi32> to vector<256xi32>
    %swap3A_182 = vector.shape_cast %add3A_177 : vector<256xi32> to vector<1x256xi32>
    tpu.vector_store %arg28[%swap3A_178, %swap3A_179], %swap3A_182 {strides = array<i32>} : memref<16x256xi32, #tpu.memory_space<vmem>>, vector<1x256xi32>,
    %convert_element_type3A_183 = arith.extui %eq3A_175 : vector<256x3072xi1> to vector<256x3072xi32>
    %convert_element_type3A_184 = arith.sitofp %convert_element_type3A_183 : vector<256x3072xi32> to vector<256x3072xf32>
    %dot_general3A_185 = arith.constant dense<0.000000e+00> : vector<256x3xf32>
    %dot_general3A_186 = tpu.matmul %convert_element_type3A_184, %concatenate3A_66, %dot_general3A_185 {dimension_numbers = #tpu.dot_dimension_numbers<[1], [0], [0], [1], [0, 0, 1, 1], [], []>, transpose_lhs_hint = false} : vector<256x3072xf32>, vector<3072x3xf32>, vector<256x3xf32> -> vector<256x3xf32>
    %jit3A_187 = arith.constant 0x7F800000 : f32
    %broadcast_in_dim3A_188 = vector.broadcast %jit3A_187 : f32 to vector<256x3072xf32>
    %select_n3A_189 = arith.select %eq3A_175, %broadcast_in_dim3A_188, %select_n3A_142 : vector<256x3072xi1>, vector<256x3072xf32>
    %sub3A_190 = arith.subf %get3A_4, %dot_general3A_186 : vector<256x3xf32>
    %dot_general3A_191 = arith.constant dense<0.000000e+00> : vector<256x128xf32>
    %dot_general3A_192 = tpu.matmul %sub3A_190, %get3A_72, %dot_general3A_191 {dimension_numbers = #tpu.dot_dimension_numbers<[1], [0], [0], [1], [0, 0, 1, 1], [], []>, transpose_lhs_hint = false} : vector<256x3xf32>, vector<3x128xf32>, vector<256x128xf32> -> vector<256x128xf32>
    %add3A_193 = arith.addf %add3A_107, %dot_general3A_192 : vector<256x128xf32>
    %max3A_194 = arith.constant 0.000000e+00 : f32
    %max3A_195 = vector.broadcast %max3A_194 : f32 to vector<256x128xf32>
    %max3A_196 = arith.maximumf %add3A_193, %max3A_195 : vector<256x128xf32>
    %dot_general3A_197 = arith.constant dense<0.000000e+00> : vector<256x256xf32>
    %dot_general3A_198 = tpu.matmul %max3A_196, %get3A_78, %dot_general3A_197 {dimension_numbers = #tpu.dot_dimension_numbers<[1], [0], [0], [1], [0, 0, 1, 1], [], []>, transpose_lhs_hint = false} : vector<256x128xf32>, vector<128x256xf32>, vector<256x256xf32> -> vector<256x256xf32>
    %add3A_199 = vector.broadcast %get3A_81 : vector<1x256xf32> to vector<256x256xf32>
    %add3A_200 = arith.addf %dot_general3A_198, %add3A_199 : vector<256x256xf32>
    %max3A_201 = arith.constant 0.000000e+00 : f32
    %max3A_202 = vector.broadcast %max3A_201 : f32 to vector<256x256xf32>
    %max3A_203 = arith.maximumf %add3A_200, %max3A_202 : vector<256x256xf32>
    %swap3A_204 = arith.constant 1 : index
    %swap3A_205 = arith.constant 0 : index
    %swap3A_206 = arith.constant 0 : index
    %swap3A_207 = vector.load %arg29[%swap3A_204, %swap3A_205, %swap3A_206] : memref<16x256x256xf32, #tpu.memory_space<vmem>>, vector<1x256x256xf32>
    %swap3A_208 = vector.shape_cast %swap3A_207 : vector<1x256x256xf32> to vector<256x256xf32>
    %swap3A_209 = vector.shape_cast %max3A_203 : vector<256x256xf32> to vector<1x256x256xf32>
    tpu.vector_store %arg29[%swap3A_204, %swap3A_205, %swap3A_206], %swap3A_209 {strides = array<i32>} : memref<16x256x256xf32, #tpu.memory_space<vmem>>, vector<1x256x256xf32>,
    %reduce_min3A_210 = arith.constant dense<0x7F800000> : vector<256xf32>
    %reduce_min3A_211 = vector.multi_reduction <minimumf>, %select_n3A_189, %reduce_min3A_210 [1] : vector<256x3072xf32> to vector<256xf32>
    %broadcast_in_dim3A_212 = vector.shape_cast %reduce_min3A_211 : vector<256xf32> to vector<256x1xf32>
    %eq3A_213 = vector.broadcast %broadcast_in_dim3A_212 : vector<256x1xf32> to vector<256x3072xf32>
    %eq3A_214 = arith.cmpf oeq, %select_n3A_189, %eq3A_213 : vector<256x3072xf32>
    %jit3A_215 = arith.constant 3072 : i32
    %broadcast_in_dim3A_216 = vector.broadcast %jit3A_215 : i32 to vector<256x3072xi32>
    %select_n3A_217 = arith.select %eq3A_214, %iota3A, %broadcast_in_dim3A_216 : vector<256x3072xi1>, vector<256x3072xi32>
    %reduce_min3A_218 = arith.constant dense<2147483647> : vector<256xi32>
    %reduce_min3A_219 = vector.multi_reduction <minsi>, %select_n3A_217, %reduce_min3A_218 [1] : vector<256x3072xi32> to vector<256xi32>
    %broadcast_in_dim3A_220 = vector.shape_cast %reduce_min3A_219 : vector<256xi32> to vector<256x1xi32>
    %eq3A_221 = vector.broadcast %broadcast_in_dim3A_220 : vector<256x1xi32> to vector<256x3072xi32>
    %eq3A_222 = arith.cmpi eq, %iota3A, %eq3A_221 : vector<256x3072xi32>
    %add3A_223 = vector.broadcast %mul3A_1 : i32 to vector<256xi32>
    %add3A_224 = arith.addi %reduce_min3A_219, %add3A_223 : vector<256xi32>
    %swap3A_225 = arith.constant 2 : index
    %swap3A_226 = arith.constant 0 : index
    %swap3A_227 = vector.load %arg28[%swap3A_225, %swap3A_226] : memref<16x256xi32, #tpu.memory_space<vmem>>, vector<1x256xi32>
    %swap3A_228 = vector.shape_cast %swap3A_227 : vector<1x256xi32> to vector<256xi32>
    %swap3A_229 = vector.shape_cast %add3A_224 : vector<256xi32> to vector<1x256xi32>
    tpu.vector_store %arg28[%swap3A_225, %swap3A_226], %swap3A_229 {strides = array<i32>} : memref<16x256xi32, #tpu.memory_space<vmem>>, vector<1x256xi32>,
    %convert_element_type3A_230 = arith.extui %eq3A_222 : vector<256x3072xi1> to vector<256x3072xi32>
    %convert_element_type3A_231 = arith.sitofp %convert_element_type3A_230 : vector<256x3072xi32> to vector<256x3072xf32>
    %dot_general3A_232 = arith.constant dense<0.000000e+00> : vector<256x3xf32>
    %dot_general3A_233 = tpu.matmul %convert_element_type3A_231, %concatenate3A_66, %dot_general3A_232 {dimension_numbers = #tpu.dot_dimension_numbers<[1], [0], [0], [1], [0, 0, 1, 1], [], []>, transpose_lhs_hint = false} : vector<256x3072xf32>, vector<3072x3xf32>, vector<256x3xf32> -> vector<256x3xf32>
    %jit3A_234 = arith.constant 0x7F800000 : f32
    %broadcast_in_dim3A_235 = vector.broadcast %jit3A_234 : f32 to vector<256x3072xf32>
    %select_n3A_236 = arith.select %eq3A_222, %broadcast_in_dim3A_235, %select_n3A_189 : vector<256x3072xi1>, vector<256x3072xf32>
    %sub3A_237 = arith.subf %get3A_4, %dot_general3A_233 : vector<256x3xf32>
    %dot_general3A_238 = arith.constant dense<0.000000e+00> : vector<256x128xf32>
    %dot_general3A_239 = tpu.matmul %sub3A_237, %get3A_72, %dot_general3A_238 {dimension_numbers = #tpu.dot_dimension_numbers<[1], [0], [0], [1], [0, 0, 1, 1], [], []>, transpose_lhs_hint = false} : vector<256x3xf32>, vector<3x128xf32>, vector<256x128xf32> -> vector<256x128xf32>
    %add3A_240 = arith.addf %add3A_107, %dot_general3A_239 : vector<256x128xf32>
    %max3A_241 = arith.constant 0.000000e+00 : f32
    %max3A_242 = vector.broadcast %max3A_241 : f32 to vector<256x128xf32>
    %max3A_243 = arith.maximumf %add3A_240, %max3A_242 : vector<256x128xf32>
    %dot_general3A_244 = arith.constant dense<0.000000e+00> : vector<256x256xf32>
    %dot_general3A_245 = tpu.matmul %max3A_243, %get3A_78, %dot_general3A_244 {dimension_numbers = #tpu.dot_dimension_numbers<[1], [0], [0], [1], [0, 0, 1, 1], [], []>, transpose_lhs_hint = false} : vector<256x128xf32>, vector<128x256xf32>, vector<256x256xf32> -> vector<256x256xf32>
    %add3A_246 = vector.broadcast %get3A_81 : vector<1x256xf32> to vector<256x256xf32>
    %add3A_247 = arith.addf %dot_general3A_245, %add3A_246 : vector<256x256xf32>
    %max3A_248 = arith.constant 0.000000e+00 : f32
    %max3A_249 = vector.broadcast %max3A_248 : f32 to vector<256x256xf32>
    %max3A_250 = arith.maximumf %add3A_247, %max3A_249 : vector<256x256xf32>
    %swap3A_251 = arith.constant 2 : index
    %swap3A_252 = arith.constant 0 : index
    %swap3A_253 = arith.constant 0 : index
    %swap3A_254 = vector.load %arg29[%swap3A_251, %swap3A_252, %swap3A_253] : memref<16x256x256xf32, #tpu.memory_space<vmem>>, vector<1x256x256xf32>
    %swap3A_255 = vector.shape_cast %swap3A_254 : vector<1x256x256xf32> to vector<256x256xf32>
    %swap3A_256 = vector.shape_cast %max3A_250 : vector<256x256xf32> to vector<1x256x256xf32>
    tpu.vector_store %arg29[%swap3A_251, %swap3A_252, %swap3A_253], %swap3A_256 {strides = array<i32>} : memref<16x256x256xf32, #tpu.memory_space<vmem>>, vector<1x256x256xf32>,
    %reduce_min3A_257 = arith.constant dense<0x7F800000> : vector<256xf32>
    %reduce_min3A_258 = vector.multi_reduction <minimumf>, %select_n3A_236, %reduce_min3A_257 [1] : vector<256x3072xf32> to vector<256xf32>
    %broadcast_in_dim3A_259 = vector.shape_cast %reduce_min3A_258 : vector<256xf32> to vector<256x1xf32>
    %eq3A_260 = vector.broadcast %broadcast_in_dim3A_259 : vector<256x1xf32> to vector<256x3072xf32>
    %eq3A_261 = arith.cmpf oeq, %select_n3A_236, %eq3A_260 : vector<256x3072xf32>
    %jit3A_262 = arith.constant 3072 : i32
    %broadcast_in_dim3A_263 = vector.broadcast %jit3A_262 : i32 to vector<256x3072xi32>
    %select_n3A_264 = arith.select %eq3A_261, %iota3A, %broadcast_in_dim3A_263 : vector<256x3072xi1>, vector<256x3072xi32>
    %reduce_min3A_265 = arith.constant dense<2147483647> : vector<256xi32>
    %reduce_min3A_266 = vector.multi_reduction <minsi>, %select_n3A_264, %reduce_min3A_265 [1] : vector<256x3072xi32> to vector<256xi32>
    %broadcast_in_dim3A_267 = vector.shape_cast %reduce_min3A_266 : vector<256xi32> to vector<256x1xi32>
    %eq3A_268 = vector.broadcast %broadcast_in_dim3A_267 : vector<256x1xi32> to vector<256x3072xi32>
    %eq3A_269 = arith.cmpi eq, %iota3A, %eq3A_268 : vector<256x3072xi32>
    %add3A_270 = vector.broadcast %mul3A_1 : i32 to vector<256xi32>
    %add3A_271 = arith.addi %reduce_min3A_266, %add3A_270 : vector<256xi32>
    %swap3A_272 = arith.constant 3 : index
    %swap3A_273 = arith.constant 0 : index
    %swap3A_274 = vector.load %arg28[%swap3A_272, %swap3A_273] : memref<16x256xi32, #tpu.memory_space<vmem>>, vector<1x256xi32>
    %swap3A_275 = vector.shape_cast %swap3A_274 : vector<1x256xi32> to vector<256xi32>
    %swap3A_276 = vector.shape_cast %add3A_271 : vector<256xi32> to vector<1x256xi32>
    tpu.vector_store %arg28[%swap3A_272, %swap3A_273], %swap3A_276 {strides = array<i32>} : memref<16x256xi32, #tpu.memory_space<vmem>>, vector<1x256xi32>,
    %convert_element_type3A_277 = arith.extui %eq3A_269 : vector<256x3072xi1> to vector<256x3072xi32>
    %convert_element_type3A_278 = arith.sitofp %convert_element_type3A_277 : vector<256x3072xi32> to vector<256x3072xf32>
    %dot_general3A_279 = arith.constant dense<0.000000e+00> : vector<256x3xf32>
    %dot_general3A_280 = tpu.matmul %convert_element_type3A_278, %concatenate3A_66, %dot_general3A_279 {dimension_numbers = #tpu.dot_dimension_numbers<[1], [0], [0], [1], [0, 0, 1, 1], [], []>, transpose_lhs_hint = false} : vector<256x3072xf32>, vector<3072x3xf32>, vector<256x3xf32> -> vector<256x3xf32>
    %jit3A_281 = arith.constant 0x7F800000 : f32
    %broadcast_in_dim3A_282 = vector.broadcast %jit3A_281 : f32 to vector<256x3072xf32>
    %select_n3A_283 = arith.select %eq3A_269, %broadcast_in_dim3A_282, %select_n3A_236 : vector<256x3072xi1>, vector<256x3072xf32>
    %sub3A_284 = arith.subf %get3A_4, %dot_general3A_280 : vector<256x3xf32>
    %dot_general3A_285 = arith.constant dense<0.000000e+00> : vector<256x128xf32>
    %dot_general3A_286 = tpu.matmul %sub3A_284, %get3A_72, %dot_general3A_285 {dimension_numbers = #tpu.dot_dimension_numbers<[1], [0], [0], [1], [0, 0, 1, 1], [], []>, transpose_lhs_hint = false} : vector<256x3xf32>, vector<3x128xf32>, vector<256x128xf32> -> vector<256x128xf32>
    %add3A_287 = arith.addf %add3A_107, %dot_general3A_286 : vector<256x128xf32>
    %max3A_288 = arith.constant 0.000000e+00 : f32
    %max3A_289 = vector.broadcast %max3A_288 : f32 to vector<256x128xf32>
    %max3A_290 = arith.maximumf %add3A_287, %max3A_289 : vector<256x128xf32>
    %dot_general3A_291 = arith.constant dense<0.000000e+00> : vector<256x256xf32>
    %dot_general3A_292 = tpu.matmul %max3A_290, %get3A_78, %dot_general3A_291 {dimension_numbers = #tpu.dot_dimension_numbers<[1], [0], [0], [1], [0, 0, 1, 1], [], []>, transpose_lhs_hint = false} : vector<256x128xf32>, vector<128x256xf32>, vector<256x256xf32> -> vector<256x256xf32>
    %add3A_293 = vector.broadcast %get3A_81 : vector<1x256xf32> to vector<256x256xf32>
    %add3A_294 = arith.addf %dot_general3A_292, %add3A_293 : vector<256x256xf32>
    %max3A_295 = arith.constant 0.000000e+00 : f32
    %max3A_296 = vector.broadcast %max3A_295 : f32 to vector<256x256xf32>
    %max3A_297 = arith.maximumf %add3A_294, %max3A_296 : vector<256x256xf32>
    %swap3A_298 = arith.constant 3 : index
    %swap3A_299 = arith.constant 0 : index
    %swap3A_300 = arith.constant 0 : index
    %swap3A_301 = vector.load %arg29[%swap3A_298, %swap3A_299, %swap3A_300] : memref<16x256x256xf32, #tpu.memory_space<vmem>>, vector<1x256x256xf32>
    %swap3A_302 = vector.shape_cast %swap3A_301 : vector<1x256x256xf32> to vector<256x256xf32>
    %swap3A_303 = vector.shape_cast %max3A_297 : vector<256x256xf32> to vector<1x256x256xf32>
    tpu.vector_store %arg29[%swap3A_298, %swap3A_299, %swap3A_300], %swap3A_303 {strides = array<i32>} : memref<16x256x256xf32, #tpu.memory_space<vmem>>, vector<1x256x256xf32>,
    %reduce_min3A_304 = arith.constant dense<0x7F800000> : vector<256xf32>
    %reduce_min3A_305 = vector.multi_reduction <minimumf>, %select_n3A_283, %reduce_min3A_304 [1] : vector<256x3072xf32> to vector<256xf32>
    %broadcast_in_dim3A_306 = vector.shape_cast %reduce_min3A_305 : vector<256xf32> to vector<256x1xf32>
    %eq3A_307 = vector.broadcast %broadcast_in_dim3A_306 : vector<256x1xf32> to vector<256x3072xf32>
    %eq3A_308 = arith.cmpf oeq, %select_n3A_283, %eq3A_307 : vector<256x3072xf32>
    %jit3A_309 = arith.constant 3072 : i32
    %broadcast_in_dim3A_310 = vector.broadcast %jit3A_309 : i32 to vector<256x3072xi32>
    %select_n3A_311 = arith.select %eq3A_308, %iota3A, %broadcast_in_dim3A_310 : vector<256x3072xi1>, vector<256x3072xi32>
    %reduce_min3A_312 = arith.constant dense<2147483647> : vector<256xi32>
    %reduce_min3A_313 = vector.multi_reduction <minsi>, %select_n3A_311, %reduce_min3A_312 [1] : vector<256x3072xi32> to vector<256xi32>
    %broadcast_in_dim3A_314 = vector.shape_cast %reduce_min3A_313 : vector<256xi32> to vector<256x1xi32>
    %eq3A_315 = vector.broadcast %broadcast_in_dim3A_314 : vector<256x1xi32> to vector<256x3072xi32>
    %eq3A_316 = arith.cmpi eq, %iota3A, %eq3A_315 : vector<256x3072xi32>
    %add3A_317 = vector.broadcast %mul3A_1 : i32 to vector<256xi32>
    %add3A_318 = arith.addi %reduce_min3A_313, %add3A_317 : vector<256xi32>
    %swap3A_319 = arith.constant 4 : index
    %swap3A_320 = arith.constant 0 : index
    %swap3A_321 = vector.load %arg28[%swap3A_319, %swap3A_320] : memref<16x256xi32, #tpu.memory_space<vmem>>, vector<1x256xi32>
    %swap3A_322 = vector.shape_cast %swap3A_321 : vector<1x256xi32> to vector<256xi32>
    %swap3A_323 = vector.shape_cast %add3A_318 : vector<256xi32> to vector<1x256xi32>
    tpu.vector_store %arg28[%swap3A_319, %swap3A_320], %swap3A_323 {strides = array<i32>} : memref<16x256xi32, #tpu.memory_space<vmem>>, vector<1x256xi32>,
    %convert_element_type3A_324 = arith.extui %eq3A_316 : vector<256x3072xi1> to vector<256x3072xi32>
    %convert_element_type3A_325 = arith.sitofp %convert_element_type3A_324 : vector<256x3072xi32> to vector<256x3072xf32>
    %dot_general3A_326 = arith.constant dense<0.000000e+00> : vector<256x3xf32>
    %dot_general3A_327 = tpu.matmul %convert_element_type3A_325, %concatenate3A_66, %dot_general3A_326 {dimension_numbers = #tpu.dot_dimension_numbers<[1], [0], [0], [1], [0, 0, 1, 1], [], []>, transpose_lhs_hint = false} : vector<256x3072xf32>, vector<3072x3xf32>, vector<256x3xf32> -> vector<256x3xf32>
    %jit3A_328 = arith.constant 0x7F800000 : f32
    %broadcast_in_dim3A_329 = vector.broadcast %jit3A_328 : f32 to vector<256x3072xf32>
    %select_n3A_330 = arith.select %eq3A_316, %broadcast_in_dim3A_329, %select_n3A_283 : vector<256x3072xi1>, vector<256x3072xf32>
    %sub3A_331 = arith.subf %get3A_4, %dot_general3A_327 : vector<256x3xf32>
    %dot_general3A_332 = arith.constant dense<0.000000e+00> : vector<256x128xf32>
    %dot_general3A_333 = tpu.matmul %sub3A_331, %get3A_72, %dot_general3A_332 {dimension_numbers = #tpu.dot_dimension_numbers<[1], [0], [0], [1], [0, 0, 1, 1], [], []>, transpose_lhs_hint = false} : vector<256x3xf32>, vector<3x128xf32>, vector<256x128xf32> -> vector<256x128xf32>
    %add3A_334 = arith.addf %add3A_107, %dot_general3A_333 : vector<256x128xf32>
    %max3A_335 = arith.constant 0.000000e+00 : f32
    %max3A_336 = vector.broadcast %max3A_335 : f32 to vector<256x128xf32>
    %max3A_337 = arith.maximumf %add3A_334, %max3A_336 : vector<256x128xf32>
    %dot_general3A_338 = arith.constant dense<0.000000e+00> : vector<256x256xf32>
    %dot_general3A_339 = tpu.matmul %max3A_337, %get3A_78, %dot_general3A_338 {dimension_numbers = #tpu.dot_dimension_numbers<[1], [0], [0], [1], [0, 0, 1, 1], [], []>, transpose_lhs_hint = false} : vector<256x128xf32>, vector<128x256xf32>, vector<256x256xf32> -> vector<256x256xf32>
    %add3A_340 = vector.broadcast %get3A_81 : vector<1x256xf32> to vector<256x256xf32>
    %add3A_341 = arith.addf %dot_general3A_339, %add3A_340 : vector<256x256xf32>
    %max3A_342 = arith.constant 0.000000e+00 : f32
    %max3A_343 = vector.broadcast %max3A_342 : f32 to vector<256x256xf32>
    %max3A_344 = arith.maximumf %add3A_341, %max3A_343 : vector<256x256xf32>
    %swap3A_345 = arith.constant 4 : index
    %swap3A_346 = arith.constant 0 : index
    %swap3A_347 = arith.constant 0 : index
    %swap3A_348 = vector.load %arg29[%swap3A_345, %swap3A_346, %swap3A_347] : memref<16x256x256xf32, #tpu.memory_space<vmem>>, vector<1x256x256xf32>
    %swap3A_349 = vector.shape_cast %swap3A_348 : vector<1x256x256xf32> to vector<256x256xf32>
    %swap3A_350 = vector.shape_cast %max3A_344 : vector<256x256xf32> to vector<1x256x256xf32>
    tpu.vector_store %arg29[%swap3A_345, %swap3A_346, %swap3A_347], %swap3A_350 {strides = array<i32>} : memref<16x256x256xf32, #tpu.memory_space<vmem>>, vector<1x256x256xf32>,
    %reduce_min3A_351 = arith.constant dense<0x7F800000> : vector<256xf32>
    %reduce_min3A_352 = vector.multi_reduction <minimumf>, %select_n3A_330, %reduce_min3A_351 [1] : vector<256x3072xf32> to vector<256xf32>
    %broadcast_in_dim3A_353 = vector.shape_cast %reduce_min3A_352 : vector<256xf32> to vector<256x1xf32>
    %eq3A_354 = vector.broadcast %broadcast_in_dim3A_353 : vector<256x1xf32> to vector<256x3072xf32>
    %eq3A_355 = arith.cmpf oeq, %select_n3A_330, %eq3A_354 : vector<256x3072xf32>
    %jit3A_356 = arith.constant 3072 : i32
    %broadcast_in_dim3A_357 = vector.broadcast %jit3A_356 : i32 to vector<256x3072xi32>
    %select_n3A_358 = arith.select %eq3A_355, %iota3A, %broadcast_in_dim3A_357 : vector<256x3072xi1>, vector<256x3072xi32>
    %reduce_min3A_359 = arith.constant dense<2147483647> : vector<256xi32>
    %reduce_min3A_360 = vector.multi_reduction <minsi>, %select_n3A_358, %reduce_min3A_359 [1] : vector<256x3072xi32> to vector<256xi32>
    %broadcast_in_dim3A_361 = vector.shape_cast %reduce_min3A_360 : vector<256xi32> to vector<256x1xi32>
    %eq3A_362 = vector.broadcast %broadcast_in_dim3A_361 : vector<256x1xi32> to vector<256x3072xi32>
    %eq3A_363 = arith.cmpi eq, %iota3A, %eq3A_362 : vector<256x3072xi32>
    %add3A_364 = vector.broadcast %mul3A_1 : i32 to vector<256xi32>
    %add3A_365 = arith.addi %reduce_min3A_360, %add3A_364 : vector<256xi32>
    %swap3A_366 = arith.constant 5 : index
    %swap3A_367 = arith.constant 0 : index
    %swap3A_368 = vector.load %arg28[%swap3A_366, %swap3A_367] : memref<16x256xi32, #tpu.memory_space<vmem>>, vector<1x256xi32>
    %swap3A_369 = vector.shape_cast %swap3A_368 : vector<1x256xi32> to vector<256xi32>
    %swap3A_370 = vector.shape_cast %add3A_365 : vector<256xi32> to vector<1x256xi32>
    tpu.vector_store %arg28[%swap3A_366, %swap3A_367], %swap3A_370 {strides = array<i32>} : memref<16x256xi32, #tpu.memory_space<vmem>>, vector<1x256xi32>,
    %convert_element_type3A_371 = arith.extui %eq3A_363 : vector<256x3072xi1> to vector<256x3072xi32>
    %convert_element_type3A_372 = arith.sitofp %convert_element_type3A_371 : vector<256x3072xi32> to vector<256x3072xf32>
    %dot_general3A_373 = arith.constant dense<0.000000e+00> : vector<256x3xf32>
    %dot_general3A_374 = tpu.matmul %convert_element_type3A_372, %concatenate3A_66, %dot_general3A_373 {dimension_numbers = #tpu.dot_dimension_numbers<[1], [0], [0], [1], [0, 0, 1, 1], [], []>, transpose_lhs_hint = false} : vector<256x3072xf32>, vector<3072x3xf32>, vector<256x3xf32> -> vector<256x3xf32>
    %jit3A_375 = arith.constant 0x7F800000 : f32
    %broadcast_in_dim3A_376 = vector.broadcast %jit3A_375 : f32 to vector<256x3072xf32>
    %select_n3A_377 = arith.select %eq3A_363, %broadcast_in_dim3A_376, %select_n3A_330 : vector<256x3072xi1>, vector<256x3072xf32>
    %sub3A_378 = arith.subf %get3A_4, %dot_general3A_374 : vector<256x3xf32>
    %dot_general3A_379 = arith.constant dense<0.000000e+00> : vector<256x128xf32>
    %dot_general3A_380 = tpu.matmul %sub3A_378, %get3A_72, %dot_general3A_379 {dimension_numbers = #tpu.dot_dimension_numbers<[1], [0], [0], [1], [0, 0, 1, 1], [], []>, transpose_lhs_hint = false} : vector<256x3xf32>, vector<3x128xf32>, vector<256x128xf32> -> vector<256x128xf32>
    %add3A_381 = arith.addf %add3A_107, %dot_general3A_380 : vector<256x128xf32>
    %max3A_382 = arith.constant 0.000000e+00 : f32
    %max3A_383 = vector.broadcast %max3A_382 : f32 to vector<256x128xf32>
    %max3A_384 = arith.maximumf %add3A_381, %max3A_383 : vector<256x128xf32>
    %dot_general3A_385 = arith.constant dense<0.000000e+00> : vector<256x256xf32>
    %dot_general3A_386 = tpu.matmul %max3A_384, %get3A_78, %dot_general3A_385 {dimension_numbers = #tpu.dot_dimension_numbers<[1], [0], [0], [1], [0, 0, 1, 1], [], []>, transpose_lhs_hint = false} : vector<256x128xf32>, vector<128x256xf32>, vector<256x256xf32> -> vector<256x256xf32>
    %add3A_387 = vector.broadcast %get3A_81 : vector<1x256xf32> to vector<256x256xf32>
    %add3A_388 = arith.addf %dot_general3A_386, %add3A_387 : vector<256x256xf32>
    %max3A_389 = arith.constant 0.000000e+00 : f32
    %max3A_390 = vector.broadcast %max3A_389 : f32 to vector<256x256xf32>
    %max3A_391 = arith.maximumf %add3A_388, %max3A_390 : vector<256x256xf32>
    %swap3A_392 = arith.constant 5 : index
    %swap3A_393 = arith.constant 0 : index
    %swap3A_394 = arith.constant 0 : index
    %swap3A_395 = vector.load %arg29[%swap3A_392, %swap3A_393, %swap3A_394] : memref<16x256x256xf32, #tpu.memory_space<vmem>>, vector<1x256x256xf32>
    %swap3A_396 = vector.shape_cast %swap3A_395 : vector<1x256x256xf32> to vector<256x256xf32>
    %swap3A_397 = vector.shape_cast %max3A_391 : vector<256x256xf32> to vector<1x256x256xf32>
    tpu.vector_store %arg29[%swap3A_392, %swap3A_393, %swap3A_394], %swap3A_397 {strides = array<i32>} : memref<16x256x256xf32, #tpu.memory_space<vmem>>, vector<1x256x256xf32>,
    %reduce_min3A_398 = arith.constant dense<0x7F800000> : vector<256xf32>
    %reduce_min3A_399 = vector.multi_reduction <minimumf>, %select_n3A_377, %reduce_min3A_398 [1] : vector<256x3072xf32> to vector<256xf32>
    %broadcast_in_dim3A_400 = vector.shape_cast %reduce_min3A_399 : vector<256xf32> to vector<256x1xf32>
    %eq3A_401 = vector.broadcast %broadcast_in_dim3A_400 : vector<256x1xf32> to vector<256x3072xf32>
    %eq3A_402 = arith.cmpf oeq, %select_n3A_377, %eq3A_401 : vector<256x3072xf32>
    %jit3A_403 = arith.constant 3072 : i32
    %broadcast_in_dim3A_404 = vector.broadcast %jit3A_403 : i32 to vector<256x3072xi32>
    %select_n3A_405 = arith.select %eq3A_402, %iota3A, %broadcast_in_dim3A_404 : vector<256x3072xi1>, vector<256x3072xi32>
    %reduce_min3A_406 = arith.constant dense<2147483647> : vector<256xi32>
    %reduce_min3A_407 = vector.multi_reduction <minsi>, %select_n3A_405, %reduce_min3A_406 [1] : vector<256x3072xi32> to vector<256xi32>
    %broadcast_in_dim3A_408 = vector.shape_cast %reduce_min3A_407 : vector<256xi32> to vector<256x1xi32>
    %eq3A_409 = vector.broadcast %broadcast_in_dim3A_408 : vector<256x1xi32> to vector<256x3072xi32>
    %eq3A_410 = arith.cmpi eq, %iota3A, %eq3A_409 : vector<256x3072xi32>
    %add3A_411 = vector.broadcast %mul3A_1 : i32 to vector<256xi32>
    %add3A_412 = arith.addi %reduce_min3A_407, %add3A_411 : vector<256xi32>
    %swap3A_413 = arith.constant 6 : index
    %swap3A_414 = arith.constant 0 : index
    %swap3A_415 = vector.load %arg28[%swap3A_413, %swap3A_414] : memref<16x256xi32, #tpu.memory_space<vmem>>, vector<1x256xi32>
    %swap3A_416 = vector.shape_cast %swap3A_415 : vector<1x256xi32> to vector<256xi32>
    %swap3A_417 = vector.shape_cast %add3A_412 : vector<256xi32> to vector<1x256xi32>
    tpu.vector_store %arg28[%swap3A_413, %swap3A_414], %swap3A_417 {strides = array<i32>} : memref<16x256xi32, #tpu.memory_space<vmem>>, vector<1x256xi32>,
    %convert_element_type3A_418 = arith.extui %eq3A_410 : vector<256x3072xi1> to vector<256x3072xi32>
    %convert_element_type3A_419 = arith.sitofp %convert_element_type3A_418 : vector<256x3072xi32> to vector<256x3072xf32>
    %dot_general3A_420 = arith.constant dense<0.000000e+00> : vector<256x3xf32>
    %dot_general3A_421 = tpu.matmul %convert_element_type3A_419, %concatenate3A_66, %dot_general3A_420 {dimension_numbers = #tpu.dot_dimension_numbers<[1], [0], [0], [1], [0, 0, 1, 1], [], []>, transpose_lhs_hint = false} : vector<256x3072xf32>, vector<3072x3xf32>, vector<256x3xf32> -> vector<256x3xf32>
    %jit3A_422 = arith.constant 0x7F800000 : f32
    %broadcast_in_dim3A_423 = vector.broadcast %jit3A_422 : f32 to vector<256x3072xf32>
    %select_n3A_424 = arith.select %eq3A_410, %broadcast_in_dim3A_423, %select_n3A_377 : vector<256x3072xi1>, vector<256x3072xf32>
    %sub3A_425 = arith.subf %get3A_4, %dot_general3A_421 : vector<256x3xf32>
    %dot_general3A_426 = arith.constant dense<0.000000e+00> : vector<256x128xf32>
    %dot_general3A_427 = tpu.matmul %sub3A_425, %get3A_72, %dot_general3A_426 {dimension_numbers = #tpu.dot_dimension_numbers<[1], [0], [0], [1], [0, 0, 1, 1], [], []>, transpose_lhs_hint = false} : vector<256x3xf32>, vector<3x128xf32>, vector<256x128xf32> -> vector<256x128xf32>
    %add3A_428 = arith.addf %add3A_107, %dot_general3A_427 : vector<256x128xf32>
    %max3A_429 = arith.constant 0.000000e+00 : f32
    %max3A_430 = vector.broadcast %max3A_429 : f32 to vector<256x128xf32>
    %max3A_431 = arith.maximumf %add3A_428, %max3A_430 : vector<256x128xf32>
    %dot_general3A_432 = arith.constant dense<0.000000e+00> : vector<256x256xf32>
    %dot_general3A_433 = tpu.matmul %max3A_431, %get3A_78, %dot_general3A_432 {dimension_numbers = #tpu.dot_dimension_numbers<[1], [0], [0], [1], [0, 0, 1, 1], [], []>, transpose_lhs_hint = false} : vector<256x128xf32>, vector<128x256xf32>, vector<256x256xf32> -> vector<256x256xf32>
    %add3A_434 = vector.broadcast %get3A_81 : vector<1x256xf32> to vector<256x256xf32>
    %add3A_435 = arith.addf %dot_general3A_433, %add3A_434 : vector<256x256xf32>
    %max3A_436 = arith.constant 0.000000e+00 : f32
    %max3A_437 = vector.broadcast %max3A_436 : f32 to vector<256x256xf32>
    %max3A_438 = arith.maximumf %add3A_435, %max3A_437 : vector<256x256xf32>
    %swap3A_439 = arith.constant 6 : index
    %swap3A_440 = arith.constant 0 : index
    %swap3A_441 = arith.constant 0 : index
    %swap3A_442 = vector.load %arg29[%swap3A_439, %swap3A_440, %swap3A_441] : memref<16x256x256xf32, #tpu.memory_space<vmem>>, vector<1x256x256xf32>
    %swap3A_443 = vector.shape_cast %swap3A_442 : vector<1x256x256xf32> to vector<256x256xf32>
    %swap3A_444 = vector.shape_cast %max3A_438 : vector<256x256xf32> to vector<1x256x256xf32>
    tpu.vector_store %arg29[%swap3A_439, %swap3A_440, %swap3A_441], %swap3A_444 {strides = array<i32>} : memref<16x256x256xf32, #tpu.memory_space<vmem>>, vector<1x256x256xf32>,
    %reduce_min3A_445 = arith.constant dense<0x7F800000> : vector<256xf32>
    %reduce_min3A_446 = vector.multi_reduction <minimumf>, %select_n3A_424, %reduce_min3A_445 [1] : vector<256x3072xf32> to vector<256xf32>
    %broadcast_in_dim3A_447 = vector.shape_cast %reduce_min3A_446 : vector<256xf32> to vector<256x1xf32>
    %eq3A_448 = vector.broadcast %broadcast_in_dim3A_447 : vector<256x1xf32> to vector<256x3072xf32>
    %eq3A_449 = arith.cmpf oeq, %select_n3A_424, %eq3A_448 : vector<256x3072xf32>
    %jit3A_450 = arith.constant 3072 : i32
    %broadcast_in_dim3A_451 = vector.broadcast %jit3A_450 : i32 to vector<256x3072xi32>
    %select_n3A_452 = arith.select %eq3A_449, %iota3A, %broadcast_in_dim3A_451 : vector<256x3072xi1>, vector<256x3072xi32>
    %reduce_min3A_453 = arith.constant dense<2147483647> : vector<256xi32>
    %reduce_min3A_454 = vector.multi_reduction <minsi>, %select_n3A_452, %reduce_min3A_453 [1] : vector<256x3072xi32> to vector<256xi32>
    %broadcast_in_dim3A_455 = vector.shape_cast %reduce_min3A_454 : vector<256xi32> to vector<256x1xi32>
    %eq3A_456 = vector.broadcast %broadcast_in_dim3A_455 : vector<256x1xi32> to vector<256x3072xi32>
    %eq3A_457 = arith.cmpi eq, %iota3A, %eq3A_456 : vector<256x3072xi32>
    %add3A_458 = vector.broadcast %mul3A_1 : i32 to vector<256xi32>
    %add3A_459 = arith.addi %reduce_min3A_454, %add3A_458 : vector<256xi32>
    %swap3A_460 = arith.constant 7 : index
    %swap3A_461 = arith.constant 0 : index
    %swap3A_462 = vector.load %arg28[%swap3A_460, %swap3A_461] : memref<16x256xi32, #tpu.memory_space<vmem>>, vector<1x256xi32>
    %swap3A_463 = vector.shape_cast %swap3A_462 : vector<1x256xi32> to vector<256xi32>
    %swap3A_464 = vector.shape_cast %add3A_459 : vector<256xi32> to vector<1x256xi32>
    tpu.vector_store %arg28[%swap3A_460, %swap3A_461], %swap3A_464 {strides = array<i32>} : memref<16x256xi32, #tpu.memory_space<vmem>>, vector<1x256xi32>,
    %convert_element_type3A_465 = arith.extui %eq3A_457 : vector<256x3072xi1> to vector<256x3072xi32>
    %convert_element_type3A_466 = arith.sitofp %convert_element_type3A_465 : vector<256x3072xi32> to vector<256x3072xf32>
    %dot_general3A_467 = arith.constant dense<0.000000e+00> : vector<256x3xf32>
    %dot_general3A_468 = tpu.matmul %convert_element_type3A_466, %concatenate3A_66, %dot_general3A_467 {dimension_numbers = #tpu.dot_dimension_numbers<[1], [0], [0], [1], [0, 0, 1, 1], [], []>, transpose_lhs_hint = false} : vector<256x3072xf32>, vector<3072x3xf32>, vector<256x3xf32> -> vector<256x3xf32>
    %jit3A_469 = arith.constant 0x7F800000 : f32
    %broadcast_in_dim3A_470 = vector.broadcast %jit3A_469 : f32 to vector<256x3072xf32>
    %select_n3A_471 = arith.select %eq3A_457, %broadcast_in_dim3A_470, %select_n3A_424 : vector<256x3072xi1>, vector<256x3072xf32>
    %sub3A_472 = arith.subf %get3A_4, %dot_general3A_468 : vector<256x3xf32>
    %dot_general3A_473 = arith.constant dense<0.000000e+00> : vector<256x128xf32>
    %dot_general3A_474 = tpu.matmul %sub3A_472, %get3A_72, %dot_general3A_473 {dimension_numbers = #tpu.dot_dimension_numbers<[1], [0], [0], [1], [0, 0, 1, 1], [], []>, transpose_lhs_hint = false} : vector<256x3xf32>, vector<3x128xf32>, vector<256x128xf32> -> vector<256x128xf32>
    %add3A_475 = arith.addf %add3A_107, %dot_general3A_474 : vector<256x128xf32>
    %max3A_476 = arith.constant 0.000000e+00 : f32
    %max3A_477 = vector.broadcast %max3A_476 : f32 to vector<256x128xf32>
    %max3A_478 = arith.maximumf %add3A_475, %max3A_477 : vector<256x128xf32>
    %dot_general3A_479 = arith.constant dense<0.000000e+00> : vector<256x256xf32>
    %dot_general3A_480 = tpu.matmul %max3A_478, %get3A_78, %dot_general3A_479 {dimension_numbers = #tpu.dot_dimension_numbers<[1], [0], [0], [1], [0, 0, 1, 1], [], []>, transpose_lhs_hint = false} : vector<256x128xf32>, vector<128x256xf32>, vector<256x256xf32> -> vector<256x256xf32>
    %add3A_481 = vector.broadcast %get3A_81 : vector<1x256xf32> to vector<256x256xf32>
    %add3A_482 = arith.addf %dot_general3A_480, %add3A_481 : vector<256x256xf32>
    %max3A_483 = arith.constant 0.000000e+00 : f32
    %max3A_484 = vector.broadcast %max3A_483 : f32 to vector<256x256xf32>
    %max3A_485 = arith.maximumf %add3A_482, %max3A_484 : vector<256x256xf32>
    %swap3A_486 = arith.constant 7 : index
    %swap3A_487 = arith.constant 0 : index
    %swap3A_488 = arith.constant 0 : index
    %swap3A_489 = vector.load %arg29[%swap3A_486, %swap3A_487, %swap3A_488] : memref<16x256x256xf32, #tpu.memory_space<vmem>>, vector<1x256x256xf32>
    %swap3A_490 = vector.shape_cast %swap3A_489 : vector<1x256x256xf32> to vector<256x256xf32>
    %swap3A_491 = vector.shape_cast %max3A_485 : vector<256x256xf32> to vector<1x256x256xf32>
    tpu.vector_store %arg29[%swap3A_486, %swap3A_487, %swap3A_488], %swap3A_491 {strides = array<i32>} : memref<16x256x256xf32, #tpu.memory_space<vmem>>, vector<1x256x256xf32>,
    %reduce_min3A_492 = arith.constant dense<0x7F800000> : vector<256xf32>
    %reduce_min3A_493 = vector.multi_reduction <minimumf>, %select_n3A_471, %reduce_min3A_492 [1] : vector<256x3072xf32> to vector<256xf32>
    %broadcast_in_dim3A_494 = vector.shape_cast %reduce_min3A_493 : vector<256xf32> to vector<256x1xf32>
    %eq3A_495 = vector.broadcast %broadcast_in_dim3A_494 : vector<256x1xf32> to vector<256x3072xf32>
    %eq3A_496 = arith.cmpf oeq, %select_n3A_471, %eq3A_495 : vector<256x3072xf32>
    %jit3A_497 = arith.constant 3072 : i32
    %broadcast_in_dim3A_498 = vector.broadcast %jit3A_497 : i32 to vector<256x3072xi32>
    %select_n3A_499 = arith.select %eq3A_496, %iota3A, %broadcast_in_dim3A_498 : vector<256x3072xi1>, vector<256x3072xi32>
    %reduce_min3A_500 = arith.constant dense<2147483647> : vector<256xi32>
    %reduce_min3A_501 = vector.multi_reduction <minsi>, %select_n3A_499, %reduce_min3A_500 [1] : vector<256x3072xi32> to vector<256xi32>
    %broadcast_in_dim3A_502 = vector.shape_cast %reduce_min3A_501 : vector<256xi32> to vector<256x1xi32>
    %eq3A_503 = vector.broadcast %broadcast_in_dim3A_502 : vector<256x1xi32> to vector<256x3072xi32>
    %eq3A_504 = arith.cmpi eq, %iota3A, %eq3A_503 : vector<256x3072xi32>
    %add3A_505 = vector.broadcast %mul3A_1 : i32 to vector<256xi32>
    %add3A_506 = arith.addi %reduce_min3A_501, %add3A_505 : vector<256xi32>
    %swap3A_507 = arith.constant 8 : index
    %swap3A_508 = arith.constant 0 : index
    %swap3A_509 = vector.load %arg28[%swap3A_507, %swap3A_508] : memref<16x256xi32, #tpu.memory_space<vmem>>, vector<1x256xi32>
    %swap3A_510 = vector.shape_cast %swap3A_509 : vector<1x256xi32> to vector<256xi32>
    %swap3A_511 = vector.shape_cast %add3A_506 : vector<256xi32> to vector<1x256xi32>
    tpu.vector_store %arg28[%swap3A_507, %swap3A_508], %swap3A_511 {strides = array<i32>} : memref<16x256xi32, #tpu.memory_space<vmem>>, vector<1x256xi32>,
    %convert_element_type3A_512 = arith.extui %eq3A_504 : vector<256x3072xi1> to vector<256x3072xi32>
    %convert_element_type3A_513 = arith.sitofp %convert_element_type3A_512 : vector<256x3072xi32> to vector<256x3072xf32>
    %dot_general3A_514 = arith.constant dense<0.000000e+00> : vector<256x3xf32>
    %dot_general3A_515 = tpu.matmul %convert_element_type3A_513, %concatenate3A_66, %dot_general3A_514 {dimension_numbers = #tpu.dot_dimension_numbers<[1], [0], [0], [1], [0, 0, 1, 1], [], []>, transpose_lhs_hint = false} : vector<256x3072xf32>, vector<3072x3xf32>, vector<256x3xf32> -> vector<256x3xf32>
    %jit3A_516 = arith.constant 0x7F800000 : f32
    %broadcast_in_dim3A_517 = vector.broadcast %jit3A_516 : f32 to vector<256x3072xf32>
    %select_n3A_518 = arith.select %eq3A_504, %broadcast_in_dim3A_517, %select_n3A_471 : vector<256x3072xi1>, vector<256x3072xf32>
    %sub3A_519 = arith.subf %get3A_4, %dot_general3A_515 : vector<256x3xf32>
    %dot_general3A_520 = arith.constant dense<0.000000e+00> : vector<256x128xf32>
    %dot_general3A_521 = tpu.matmul %sub3A_519, %get3A_72, %dot_general3A_520 {dimension_numbers = #tpu.dot_dimension_numbers<[1], [0], [0], [1], [0, 0, 1, 1], [], []>, transpose_lhs_hint = false} : vector<256x3xf32>, vector<3x128xf32>, vector<256x128xf32> -> vector<256x128xf32>
    %add3A_522 = arith.addf %add3A_107, %dot_general3A_521 : vector<256x128xf32>
    %max3A_523 = arith.constant 0.000000e+00 : f32
    %max3A_524 = vector.broadcast %max3A_523 : f32 to vector<256x128xf32>
    %max3A_525 = arith.maximumf %add3A_522, %max3A_524 : vector<256x128xf32>
    %dot_general3A_526 = arith.constant dense<0.000000e+00> : vector<256x256xf32>
    %dot_general3A_527 = tpu.matmul %max3A_525, %get3A_78, %dot_general3A_526 {dimension_numbers = #tpu.dot_dimension_numbers<[1], [0], [0], [1], [0, 0, 1, 1], [], []>, transpose_lhs_hint = false} : vector<256x128xf32>, vector<128x256xf32>, vector<256x256xf32> -> vector<256x256xf32>
    %add3A_528 = vector.broadcast %get3A_81 : vector<1x256xf32> to vector<256x256xf32>
    %add3A_529 = arith.addf %dot_general3A_527, %add3A_528 : vector<256x256xf32>
    %max3A_530 = arith.constant 0.000000e+00 : f32
    %max3A_531 = vector.broadcast %max3A_530 : f32 to vector<256x256xf32>
    %max3A_532 = arith.maximumf %add3A_529, %max3A_531 : vector<256x256xf32>
    %swap3A_533 = arith.constant 8 : index
    %swap3A_534 = arith.constant 0 : index
    %swap3A_535 = arith.constant 0 : index
    %swap3A_536 = vector.load %arg29[%swap3A_533, %swap3A_534, %swap3A_535] : memref<16x256x256xf32, #tpu.memory_space<vmem>>, vector<1x256x256xf32>
    %swap3A_537 = vector.shape_cast %swap3A_536 : vector<1x256x256xf32> to vector<256x256xf32>
    %swap3A_538 = vector.shape_cast %max3A_532 : vector<256x256xf32> to vector<1x256x256xf32>
    tpu.vector_store %arg29[%swap3A_533, %swap3A_534, %swap3A_535], %swap3A_538 {strides = array<i32>} : memref<16x256x256xf32, #tpu.memory_space<vmem>>, vector<1x256x256xf32>,
    %reduce_min3A_539 = arith.constant dense<0x7F800000> : vector<256xf32>
    %reduce_min3A_540 = vector.multi_reduction <minimumf>, %select_n3A_518, %reduce_min3A_539 [1] : vector<256x3072xf32> to vector<256xf32>
    %broadcast_in_dim3A_541 = vector.shape_cast %reduce_min3A_540 : vector<256xf32> to vector<256x1xf32>
    %eq3A_542 = vector.broadcast %broadcast_in_dim3A_541 : vector<256x1xf32> to vector<256x3072xf32>
    %eq3A_543 = arith.cmpf oeq, %select_n3A_518, %eq3A_542 : vector<256x3072xf32>
    %jit3A_544 = arith.constant 3072 : i32
    %broadcast_in_dim3A_545 = vector.broadcast %jit3A_544 : i32 to vector<256x3072xi32>
    %select_n3A_546 = arith.select %eq3A_543, %iota3A, %broadcast_in_dim3A_545 : vector<256x3072xi1>, vector<256x3072xi32>
    %reduce_min3A_547 = arith.constant dense<2147483647> : vector<256xi32>
    %reduce_min3A_548 = vector.multi_reduction <minsi>, %select_n3A_546, %reduce_min3A_547 [1] : vector<256x3072xi32> to vector<256xi32>
    %broadcast_in_dim3A_549 = vector.shape_cast %reduce_min3A_548 : vector<256xi32> to vector<256x1xi32>
    %eq3A_550 = vector.broadcast %broadcast_in_dim3A_549 : vector<256x1xi32> to vector<256x3072xi32>
    %eq3A_551 = arith.cmpi eq, %iota3A, %eq3A_550 : vector<256x3072xi32>
    %add3A_552 = vector.broadcast %mul3A_1 : i32 to vector<256xi32>
    %add3A_553 = arith.addi %reduce_min3A_548, %add3A_552 : vector<256xi32>
    %swap3A_554 = arith.constant 9 : index
    %swap3A_555 = arith.constant 0 : index
    %swap3A_556 = vector.load %arg28[%swap3A_554, %swap3A_555] : memref<16x256xi32, #tpu.memory_space<vmem>>, vector<1x256xi32>
    %swap3A_557 = vector.shape_cast %swap3A_556 : vector<1x256xi32> to vector<256xi32>
    %swap3A_558 = vector.shape_cast %add3A_553 : vector<256xi32> to vector<1x256xi32>
    tpu.vector_store %arg28[%swap3A_554, %swap3A_555], %swap3A_558 {strides = array<i32>} : memref<16x256xi32, #tpu.memory_space<vmem>>, vector<1x256xi32>,
    %convert_element_type3A_559 = arith.extui %eq3A_551 : vector<256x3072xi1> to vector<256x3072xi32>
    %convert_element_type3A_560 = arith.sitofp %convert_element_type3A_559 : vector<256x3072xi32> to vector<256x3072xf32>
    %dot_general3A_561 = arith.constant dense<0.000000e+00> : vector<256x3xf32>
    %dot_general3A_562 = tpu.matmul %convert_element_type3A_560, %concatenate3A_66, %dot_general3A_561 {dimension_numbers = #tpu.dot_dimension_numbers<[1], [0], [0], [1], [0, 0, 1, 1], [], []>, transpose_lhs_hint = false} : vector<256x3072xf32>, vector<3072x3xf32>, vector<256x3xf32> -> vector<256x3xf32>
    %jit3A_563 = arith.constant 0x7F800000 : f32
    %broadcast_in_dim3A_564 = vector.broadcast %jit3A_563 : f32 to vector<256x3072xf32>
    %select_n3A_565 = arith.select %eq3A_551, %broadcast_in_dim3A_564, %select_n3A_518 : vector<256x3072xi1>, vector<256x3072xf32>
    %sub3A_566 = arith.subf %get3A_4, %dot_general3A_562 : vector<256x3xf32>
    %dot_general3A_567 = arith.constant dense<0.000000e+00> : vector<256x128xf32>
    %dot_general3A_568 = tpu.matmul %sub3A_566, %get3A_72, %dot_general3A_567 {dimension_numbers = #tpu.dot_dimension_numbers<[1], [0], [0], [1], [0, 0, 1, 1], [], []>, transpose_lhs_hint = false} : vector<256x3xf32>, vector<3x128xf32>, vector<256x128xf32> -> vector<256x128xf32>
    %add3A_569 = arith.addf %add3A_107, %dot_general3A_568 : vector<256x128xf32>
    %max3A_570 = arith.constant 0.000000e+00 : f32
    %max3A_571 = vector.broadcast %max3A_570 : f32 to vector<256x128xf32>
    %max3A_572 = arith.maximumf %add3A_569, %max3A_571 : vector<256x128xf32>
    %dot_general3A_573 = arith.constant dense<0.000000e+00> : vector<256x256xf32>
    %dot_general3A_574 = tpu.matmul %max3A_572, %get3A_78, %dot_general3A_573 {dimension_numbers = #tpu.dot_dimension_numbers<[1], [0], [0], [1], [0, 0, 1, 1], [], []>, transpose_lhs_hint = false} : vector<256x128xf32>, vector<128x256xf32>, vector<256x256xf32> -> vector<256x256xf32>
    %add3A_575 = vector.broadcast %get3A_81 : vector<1x256xf32> to vector<256x256xf32>
    %add3A_576 = arith.addf %dot_general3A_574, %add3A_575 : vector<256x256xf32>
    %max3A_577 = arith.constant 0.000000e+00 : f32
    %max3A_578 = vector.broadcast %max3A_577 : f32 to vector<256x256xf32>
    %max3A_579 = arith.maximumf %add3A_576, %max3A_578 : vector<256x256xf32>
    %swap3A_580 = arith.constant 9 : index
    %swap3A_581 = arith.constant 0 : index
    %swap3A_582 = arith.constant 0 : index
    %swap3A_583 = vector.load %arg29[%swap3A_580, %swap3A_581, %swap3A_582] : memref<16x256x256xf32, #tpu.memory_space<vmem>>, vector<1x256x256xf32>
    %swap3A_584 = vector.shape_cast %swap3A_583 : vector<1x256x256xf32> to vector<256x256xf32>
    %swap3A_585 = vector.shape_cast %max3A_579 : vector<256x256xf32> to vector<1x256x256xf32>
    tpu.vector_store %arg29[%swap3A_580, %swap3A_581, %swap3A_582], %swap3A_585 {strides = array<i32>} : memref<16x256x256xf32, #tpu.memory_space<vmem>>, vector<1x256x256xf32>,
    %reduce_min3A_586 = arith.constant dense<0x7F800000> : vector<256xf32>
    %reduce_min3A_587 = vector.multi_reduction <minimumf>, %select_n3A_565, %reduce_min3A_586 [1] : vector<256x3072xf32> to vector<256xf32>
    %broadcast_in_dim3A_588 = vector.shape_cast %reduce_min3A_587 : vector<256xf32> to vector<256x1xf32>
    %eq3A_589 = vector.broadcast %broadcast_in_dim3A_588 : vector<256x1xf32> to vector<256x3072xf32>
    %eq3A_590 = arith.cmpf oeq, %select_n3A_565, %eq3A_589 : vector<256x3072xf32>
    %jit3A_591 = arith.constant 3072 : i32
    %broadcast_in_dim3A_592 = vector.broadcast %jit3A_591 : i32 to vector<256x3072xi32>
    %select_n3A_593 = arith.select %eq3A_590, %iota3A, %broadcast_in_dim3A_592 : vector<256x3072xi1>, vector<256x3072xi32>
    %reduce_min3A_594 = arith.constant dense<2147483647> : vector<256xi32>
    %reduce_min3A_595 = vector.multi_reduction <minsi>, %select_n3A_593, %reduce_min3A_594 [1] : vector<256x3072xi32> to vector<256xi32>
    %broadcast_in_dim3A_596 = vector.shape_cast %reduce_min3A_595 : vector<256xi32> to vector<256x1xi32>
    %eq3A_597 = vector.broadcast %broadcast_in_dim3A_596 : vector<256x1xi32> to vector<256x3072xi32>
    %eq3A_598 = arith.cmpi eq, %iota3A, %eq3A_597 : vector<256x3072xi32>
    %add3A_599 = vector.broadcast %mul3A_1 : i32 to vector<256xi32>
    %add3A_600 = arith.addi %reduce_min3A_595, %add3A_599 : vector<256xi32>
    %swap3A_601 = arith.constant 10 : index
    %swap3A_602 = arith.constant 0 : index
    %swap3A_603 = vector.load %arg28[%swap3A_601, %swap3A_602] : memref<16x256xi32, #tpu.memory_space<vmem>>, vector<1x256xi32>
    %swap3A_604 = vector.shape_cast %swap3A_603 : vector<1x256xi32> to vector<256xi32>
    %swap3A_605 = vector.shape_cast %add3A_600 : vector<256xi32> to vector<1x256xi32>
    tpu.vector_store %arg28[%swap3A_601, %swap3A_602], %swap3A_605 {strides = array<i32>} : memref<16x256xi32, #tpu.memory_space<vmem>>, vector<1x256xi32>,
    %convert_element_type3A_606 = arith.extui %eq3A_598 : vector<256x3072xi1> to vector<256x3072xi32>
    %convert_element_type3A_607 = arith.sitofp %convert_element_type3A_606 : vector<256x3072xi32> to vector<256x3072xf32>
    %dot_general3A_608 = arith.constant dense<0.000000e+00> : vector<256x3xf32>
    %dot_general3A_609 = tpu.matmul %convert_element_type3A_607, %concatenate3A_66, %dot_general3A_608 {dimension_numbers = #tpu.dot_dimension_numbers<[1], [0], [0], [1], [0, 0, 1, 1], [], []>, transpose_lhs_hint = false} : vector<256x3072xf32>, vector<3072x3xf32>, vector<256x3xf32> -> vector<256x3xf32>
    %jit3A_610 = arith.constant 0x7F800000 : f32
    %broadcast_in_dim3A_611 = vector.broadcast %jit3A_610 : f32 to vector<256x3072xf32>
    %select_n3A_612 = arith.select %eq3A_598, %broadcast_in_dim3A_611, %select_n3A_565 : vector<256x3072xi1>, vector<256x3072xf32>
    %sub3A_613 = arith.subf %get3A_4, %dot_general3A_609 : vector<256x3xf32>
    %dot_general3A_614 = arith.constant dense<0.000000e+00> : vector<256x128xf32>
    %dot_general3A_615 = tpu.matmul %sub3A_613, %get3A_72, %dot_general3A_614 {dimension_numbers = #tpu.dot_dimension_numbers<[1], [0], [0], [1], [0, 0, 1, 1], [], []>, transpose_lhs_hint = false} : vector<256x3xf32>, vector<3x128xf32>, vector<256x128xf32> -> vector<256x128xf32>
    %add3A_616 = arith.addf %add3A_107, %dot_general3A_615 : vector<256x128xf32>
    %max3A_617 = arith.constant 0.000000e+00 : f32
    %max3A_618 = vector.broadcast %max3A_617 : f32 to vector<256x128xf32>
    %max3A_619 = arith.maximumf %add3A_616, %max3A_618 : vector<256x128xf32>
    %dot_general3A_620 = arith.constant dense<0.000000e+00> : vector<256x256xf32>
    %dot_general3A_621 = tpu.matmul %max3A_619, %get3A_78, %dot_general3A_620 {dimension_numbers = #tpu.dot_dimension_numbers<[1], [0], [0], [1], [0, 0, 1, 1], [], []>, transpose_lhs_hint = false} : vector<256x128xf32>, vector<128x256xf32>, vector<256x256xf32> -> vector<256x256xf32>
    %add3A_622 = vector.broadcast %get3A_81 : vector<1x256xf32> to vector<256x256xf32>
    %add3A_623 = arith.addf %dot_general3A_621, %add3A_622 : vector<256x256xf32>
    %max3A_624 = arith.constant 0.000000e+00 : f32
    %max3A_625 = vector.broadcast %max3A_624 : f32 to vector<256x256xf32>
    %max3A_626 = arith.maximumf %add3A_623, %max3A_625 : vector<256x256xf32>
    %swap3A_627 = arith.constant 10 : index
    %swap3A_628 = arith.constant 0 : index
    %swap3A_629 = arith.constant 0 : index
    %swap3A_630 = vector.load %arg29[%swap3A_627, %swap3A_628, %swap3A_629] : memref<16x256x256xf32, #tpu.memory_space<vmem>>, vector<1x256x256xf32>
    %swap3A_631 = vector.shape_cast %swap3A_630 : vector<1x256x256xf32> to vector<256x256xf32>
    %swap3A_632 = vector.shape_cast %max3A_626 : vector<256x256xf32> to vector<1x256x256xf32>
    tpu.vector_store %arg29[%swap3A_627, %swap3A_628, %swap3A_629], %swap3A_632 {strides = array<i32>} : memref<16x256x256xf32, #tpu.memory_space<vmem>>, vector<1x256x256xf32>,
    %reduce_min3A_633 = arith.constant dense<0x7F800000> : vector<256xf32>
    %reduce_min3A_634 = vector.multi_reduction <minimumf>, %select_n3A_612, %reduce_min3A_633 [1] : vector<256x3072xf32> to vector<256xf32>
    %broadcast_in_dim3A_635 = vector.shape_cast %reduce_min3A_634 : vector<256xf32> to vector<256x1xf32>
    %eq3A_636 = vector.broadcast %broadcast_in_dim3A_635 : vector<256x1xf32> to vector<256x3072xf32>
    %eq3A_637 = arith.cmpf oeq, %select_n3A_612, %eq3A_636 : vector<256x3072xf32>
    %jit3A_638 = arith.constant 3072 : i32
    %broadcast_in_dim3A_639 = vector.broadcast %jit3A_638 : i32 to vector<256x3072xi32>
    %select_n3A_640 = arith.select %eq3A_637, %iota3A, %broadcast_in_dim3A_639 : vector<256x3072xi1>, vector<256x3072xi32>
    %reduce_min3A_641 = arith.constant dense<2147483647> : vector<256xi32>
    %reduce_min3A_642 = vector.multi_reduction <minsi>, %select_n3A_640, %reduce_min3A_641 [1] : vector<256x3072xi32> to vector<256xi32>
    %broadcast_in_dim3A_643 = vector.shape_cast %reduce_min3A_642 : vector<256xi32> to vector<256x1xi32>
    %eq3A_644 = vector.broadcast %broadcast_in_dim3A_643 : vector<256x1xi32> to vector<256x3072xi32>
    %eq3A_645 = arith.cmpi eq, %iota3A, %eq3A_644 : vector<256x3072xi32>
    %add3A_646 = vector.broadcast %mul3A_1 : i32 to vector<256xi32>
    %add3A_647 = arith.addi %reduce_min3A_642, %add3A_646 : vector<256xi32>
    %swap3A_648 = arith.constant 11 : index
    %swap3A_649 = arith.constant 0 : index
    %swap3A_650 = vector.load %arg28[%swap3A_648, %swap3A_649] : memref<16x256xi32, #tpu.memory_space<vmem>>, vector<1x256xi32>
    %swap3A_651 = vector.shape_cast %swap3A_650 : vector<1x256xi32> to vector<256xi32>
    %swap3A_652 = vector.shape_cast %add3A_647 : vector<256xi32> to vector<1x256xi32>
    tpu.vector_store %arg28[%swap3A_648, %swap3A_649], %swap3A_652 {strides = array<i32>} : memref<16x256xi32, #tpu.memory_space<vmem>>, vector<1x256xi32>,
    %convert_element_type3A_653 = arith.extui %eq3A_645 : vector<256x3072xi1> to vector<256x3072xi32>
    %convert_element_type3A_654 = arith.sitofp %convert_element_type3A_653 : vector<256x3072xi32> to vector<256x3072xf32>
    %dot_general3A_655 = arith.constant dense<0.000000e+00> : vector<256x3xf32>
    %dot_general3A_656 = tpu.matmul %convert_element_type3A_654, %concatenate3A_66, %dot_general3A_655 {dimension_numbers = #tpu.dot_dimension_numbers<[1], [0], [0], [1], [0, 0, 1, 1], [], []>, transpose_lhs_hint = false} : vector<256x3072xf32>, vector<3072x3xf32>, vector<256x3xf32> -> vector<256x3xf32>
    %jit3A_657 = arith.constant 0x7F800000 : f32
    %broadcast_in_dim3A_658 = vector.broadcast %jit3A_657 : f32 to vector<256x3072xf32>
    %select_n3A_659 = arith.select %eq3A_645, %broadcast_in_dim3A_658, %select_n3A_612 : vector<256x3072xi1>, vector<256x3072xf32>
    %sub3A_660 = arith.subf %get3A_4, %dot_general3A_656 : vector<256x3xf32>
    %dot_general3A_661 = arith.constant dense<0.000000e+00> : vector<256x128xf32>
    %dot_general3A_662 = tpu.matmul %sub3A_660, %get3A_72, %dot_general3A_661 {dimension_numbers = #tpu.dot_dimension_numbers<[1], [0], [0], [1], [0, 0, 1, 1], [], []>, transpose_lhs_hint = false} : vector<256x3xf32>, vector<3x128xf32>, vector<256x128xf32> -> vector<256x128xf32>
    %add3A_663 = arith.addf %add3A_107, %dot_general3A_662 : vector<256x128xf32>
    %max3A_664 = arith.constant 0.000000e+00 : f32
    %max3A_665 = vector.broadcast %max3A_664 : f32 to vector<256x128xf32>
    %max3A_666 = arith.maximumf %add3A_663, %max3A_665 : vector<256x128xf32>
    %dot_general3A_667 = arith.constant dense<0.000000e+00> : vector<256x256xf32>
    %dot_general3A_668 = tpu.matmul %max3A_666, %get3A_78, %dot_general3A_667 {dimension_numbers = #tpu.dot_dimension_numbers<[1], [0], [0], [1], [0, 0, 1, 1], [], []>, transpose_lhs_hint = false} : vector<256x128xf32>, vector<128x256xf32>, vector<256x256xf32> -> vector<256x256xf32>
    %add3A_669 = vector.broadcast %get3A_81 : vector<1x256xf32> to vector<256x256xf32>
    %add3A_670 = arith.addf %dot_general3A_668, %add3A_669 : vector<256x256xf32>
    %max3A_671 = arith.constant 0.000000e+00 : f32
    %max3A_672 = vector.broadcast %max3A_671 : f32 to vector<256x256xf32>
    %max3A_673 = arith.maximumf %add3A_670, %max3A_672 : vector<256x256xf32>
    %swap3A_674 = arith.constant 11 : index
    %swap3A_675 = arith.constant 0 : index
    %swap3A_676 = arith.constant 0 : index
    %swap3A_677 = vector.load %arg29[%swap3A_674, %swap3A_675, %swap3A_676] : memref<16x256x256xf32, #tpu.memory_space<vmem>>, vector<1x256x256xf32>
    %swap3A_678 = vector.shape_cast %swap3A_677 : vector<1x256x256xf32> to vector<256x256xf32>
    %swap3A_679 = vector.shape_cast %max3A_673 : vector<256x256xf32> to vector<1x256x256xf32>
    tpu.vector_store %arg29[%swap3A_674, %swap3A_675, %swap3A_676], %swap3A_679 {strides = array<i32>} : memref<16x256x256xf32, #tpu.memory_space<vmem>>, vector<1x256x256xf32>,
    %reduce_min3A_680 = arith.constant dense<0x7F800000> : vector<256xf32>
    %reduce_min3A_681 = vector.multi_reduction <minimumf>, %select_n3A_659, %reduce_min3A_680 [1] : vector<256x3072xf32> to vector<256xf32>
    %broadcast_in_dim3A_682 = vector.shape_cast %reduce_min3A_681 : vector<256xf32> to vector<256x1xf32>
    %eq3A_683 = vector.broadcast %broadcast_in_dim3A_682 : vector<256x1xf32> to vector<256x3072xf32>
    %eq3A_684 = arith.cmpf oeq, %select_n3A_659, %eq3A_683 : vector<256x3072xf32>
    %jit3A_685 = arith.constant 3072 : i32
    %broadcast_in_dim3A_686 = vector.broadcast %jit3A_685 : i32 to vector<256x3072xi32>
    %select_n3A_687 = arith.select %eq3A_684, %iota3A, %broadcast_in_dim3A_686 : vector<256x3072xi1>, vector<256x3072xi32>
    %reduce_min3A_688 = arith.constant dense<2147483647> : vector<256xi32>
    %reduce_min3A_689 = vector.multi_reduction <minsi>, %select_n3A_687, %reduce_min3A_688 [1] : vector<256x3072xi32> to vector<256xi32>
    %broadcast_in_dim3A_690 = vector.shape_cast %reduce_min3A_689 : vector<256xi32> to vector<256x1xi32>
    %eq3A_691 = vector.broadcast %broadcast_in_dim3A_690 : vector<256x1xi32> to vector<256x3072xi32>
    %eq3A_692 = arith.cmpi eq, %iota3A, %eq3A_691 : vector<256x3072xi32>
    %add3A_693 = vector.broadcast %mul3A_1 : i32 to vector<256xi32>
    %add3A_694 = arith.addi %reduce_min3A_689, %add3A_693 : vector<256xi32>
    %swap3A_695 = arith.constant 12 : index
    %swap3A_696 = arith.constant 0 : index
    %swap3A_697 = vector.load %arg28[%swap3A_695, %swap3A_696] : memref<16x256xi32, #tpu.memory_space<vmem>>, vector<1x256xi32>
    %swap3A_698 = vector.shape_cast %swap3A_697 : vector<1x256xi32> to vector<256xi32>
    %swap3A_699 = vector.shape_cast %add3A_694 : vector<256xi32> to vector<1x256xi32>
    tpu.vector_store %arg28[%swap3A_695, %swap3A_696], %swap3A_699 {strides = array<i32>} : memref<16x256xi32, #tpu.memory_space<vmem>>, vector<1x256xi32>,
    %convert_element_type3A_700 = arith.extui %eq3A_692 : vector<256x3072xi1> to vector<256x3072xi32>
    %convert_element_type3A_701 = arith.sitofp %convert_element_type3A_700 : vector<256x3072xi32> to vector<256x3072xf32>
    %dot_general3A_702 = arith.constant dense<0.000000e+00> : vector<256x3xf32>
    %dot_general3A_703 = tpu.matmul %convert_element_type3A_701, %concatenate3A_66, %dot_general3A_702 {dimension_numbers = #tpu.dot_dimension_numbers<[1], [0], [0], [1], [0, 0, 1, 1], [], []>, transpose_lhs_hint = false} : vector<256x3072xf32>, vector<3072x3xf32>, vector<256x3xf32> -> vector<256x3xf32>
    %jit3A_704 = arith.constant 0x7F800000 : f32
    %broadcast_in_dim3A_705 = vector.broadcast %jit3A_704 : f32 to vector<256x3072xf32>
    %select_n3A_706 = arith.select %eq3A_692, %broadcast_in_dim3A_705, %select_n3A_659 : vector<256x3072xi1>, vector<256x3072xf32>
    %sub3A_707 = arith.subf %get3A_4, %dot_general3A_703 : vector<256x3xf32>
    %dot_general3A_708 = arith.constant dense<0.000000e+00> : vector<256x128xf32>
    %dot_general3A_709 = tpu.matmul %sub3A_707, %get3A_72, %dot_general3A_708 {dimension_numbers = #tpu.dot_dimension_numbers<[1], [0], [0], [1], [0, 0, 1, 1], [], []>, transpose_lhs_hint = false} : vector<256x3xf32>, vector<3x128xf32>, vector<256x128xf32> -> vector<256x128xf32>
    %add3A_710 = arith.addf %add3A_107, %dot_general3A_709 : vector<256x128xf32>
    %max3A_711 = arith.constant 0.000000e+00 : f32
    %max3A_712 = vector.broadcast %max3A_711 : f32 to vector<256x128xf32>
    %max3A_713 = arith.maximumf %add3A_710, %max3A_712 : vector<256x128xf32>
    %dot_general3A_714 = arith.constant dense<0.000000e+00> : vector<256x256xf32>
    %dot_general3A_715 = tpu.matmul %max3A_713, %get3A_78, %dot_general3A_714 {dimension_numbers = #tpu.dot_dimension_numbers<[1], [0], [0], [1], [0, 0, 1, 1], [], []>, transpose_lhs_hint = false} : vector<256x128xf32>, vector<128x256xf32>, vector<256x256xf32> -> vector<256x256xf32>
    %add3A_716 = vector.broadcast %get3A_81 : vector<1x256xf32> to vector<256x256xf32>
    %add3A_717 = arith.addf %dot_general3A_715, %add3A_716 : vector<256x256xf32>
    %max3A_718 = arith.constant 0.000000e+00 : f32
    %max3A_719 = vector.broadcast %max3A_718 : f32 to vector<256x256xf32>
    %max3A_720 = arith.maximumf %add3A_717, %max3A_719 : vector<256x256xf32>
    %swap3A_721 = arith.constant 12 : index
    %swap3A_722 = arith.constant 0 : index
    %swap3A_723 = arith.constant 0 : index
    %swap3A_724 = vector.load %arg29[%swap3A_721, %swap3A_722, %swap3A_723] : memref<16x256x256xf32, #tpu.memory_space<vmem>>, vector<1x256x256xf32>
    %swap3A_725 = vector.shape_cast %swap3A_724 : vector<1x256x256xf32> to vector<256x256xf32>
    %swap3A_726 = vector.shape_cast %max3A_720 : vector<256x256xf32> to vector<1x256x256xf32>
    tpu.vector_store %arg29[%swap3A_721, %swap3A_722, %swap3A_723], %swap3A_726 {strides = array<i32>} : memref<16x256x256xf32, #tpu.memory_space<vmem>>, vector<1x256x256xf32>,
    %reduce_min3A_727 = arith.constant dense<0x7F800000> : vector<256xf32>
    %reduce_min3A_728 = vector.multi_reduction <minimumf>, %select_n3A_706, %reduce_min3A_727 [1] : vector<256x3072xf32> to vector<256xf32>
    %broadcast_in_dim3A_729 = vector.shape_cast %reduce_min3A_728 : vector<256xf32> to vector<256x1xf32>
    %eq3A_730 = vector.broadcast %broadcast_in_dim3A_729 : vector<256x1xf32> to vector<256x3072xf32>
    %eq3A_731 = arith.cmpf oeq, %select_n3A_706, %eq3A_730 : vector<256x3072xf32>
    %jit3A_732 = arith.constant 3072 : i32
    %broadcast_in_dim3A_733 = vector.broadcast %jit3A_732 : i32 to vector<256x3072xi32>
    %select_n3A_734 = arith.select %eq3A_731, %iota3A, %broadcast_in_dim3A_733 : vector<256x3072xi1>, vector<256x3072xi32>
    %reduce_min3A_735 = arith.constant dense<2147483647> : vector<256xi32>
    %reduce_min3A_736 = vector.multi_reduction <minsi>, %select_n3A_734, %reduce_min3A_735 [1] : vector<256x3072xi32> to vector<256xi32>
    %broadcast_in_dim3A_737 = vector.shape_cast %reduce_min3A_736 : vector<256xi32> to vector<256x1xi32>
    %eq3A_738 = vector.broadcast %broadcast_in_dim3A_737 : vector<256x1xi32> to vector<256x3072xi32>
    %eq3A_739 = arith.cmpi eq, %iota3A, %eq3A_738 : vector<256x3072xi32>
    %add3A_740 = vector.broadcast %mul3A_1 : i32 to vector<256xi32>
    %add3A_741 = arith.addi %reduce_min3A_736, %add3A_740 : vector<256xi32>
    %swap3A_742 = arith.constant 13 : index
    %swap3A_743 = arith.constant 0 : index
    %swap3A_744 = vector.load %arg28[%swap3A_742, %swap3A_743] : memref<16x256xi32, #tpu.memory_space<vmem>>, vector<1x256xi32>
    %swap3A_745 = vector.shape_cast %swap3A_744 : vector<1x256xi32> to vector<256xi32>
    %swap3A_746 = vector.shape_cast %add3A_741 : vector<256xi32> to vector<1x256xi32>
    tpu.vector_store %arg28[%swap3A_742, %swap3A_743], %swap3A_746 {strides = array<i32>} : memref<16x256xi32, #tpu.memory_space<vmem>>, vector<1x256xi32>,
    %convert_element_type3A_747 = arith.extui %eq3A_739 : vector<256x3072xi1> to vector<256x3072xi32>
    %convert_element_type3A_748 = arith.sitofp %convert_element_type3A_747 : vector<256x3072xi32> to vector<256x3072xf32>
    %dot_general3A_749 = arith.constant dense<0.000000e+00> : vector<256x3xf32>
    %dot_general3A_750 = tpu.matmul %convert_element_type3A_748, %concatenate3A_66, %dot_general3A_749 {dimension_numbers = #tpu.dot_dimension_numbers<[1], [0], [0], [1], [0, 0, 1, 1], [], []>, transpose_lhs_hint = false} : vector<256x3072xf32>, vector<3072x3xf32>, vector<256x3xf32> -> vector<256x3xf32>
    %jit3A_751 = arith.constant 0x7F800000 : f32
    %broadcast_in_dim3A_752 = vector.broadcast %jit3A_751 : f32 to vector<256x3072xf32>
    %select_n3A_753 = arith.select %eq3A_739, %broadcast_in_dim3A_752, %select_n3A_706 : vector<256x3072xi1>, vector<256x3072xf32>
    %sub3A_754 = arith.subf %get3A_4, %dot_general3A_750 : vector<256x3xf32>
    %dot_general3A_755 = arith.constant dense<0.000000e+00> : vector<256x128xf32>
    %dot_general3A_756 = tpu.matmul %sub3A_754, %get3A_72, %dot_general3A_755 {dimension_numbers = #tpu.dot_dimension_numbers<[1], [0], [0], [1], [0, 0, 1, 1], [], []>, transpose_lhs_hint = false} : vector<256x3xf32>, vector<3x128xf32>, vector<256x128xf32> -> vector<256x128xf32>
    %add3A_757 = arith.addf %add3A_107, %dot_general3A_756 : vector<256x128xf32>
    %max3A_758 = arith.constant 0.000000e+00 : f32
    %max3A_759 = vector.broadcast %max3A_758 : f32 to vector<256x128xf32>
    %max3A_760 = arith.maximumf %add3A_757, %max3A_759 : vector<256x128xf32>
    %dot_general3A_761 = arith.constant dense<0.000000e+00> : vector<256x256xf32>
    %dot_general3A_762 = tpu.matmul %max3A_760, %get3A_78, %dot_general3A_761 {dimension_numbers = #tpu.dot_dimension_numbers<[1], [0], [0], [1], [0, 0, 1, 1], [], []>, transpose_lhs_hint = false} : vector<256x128xf32>, vector<128x256xf32>, vector<256x256xf32> -> vector<256x256xf32>
    %add3A_763 = vector.broadcast %get3A_81 : vector<1x256xf32> to vector<256x256xf32>
    %add3A_764 = arith.addf %dot_general3A_762, %add3A_763 : vector<256x256xf32>
    %max3A_765 = arith.constant 0.000000e+00 : f32
    %max3A_766 = vector.broadcast %max3A_765 : f32 to vector<256x256xf32>
    %max3A_767 = arith.maximumf %add3A_764, %max3A_766 : vector<256x256xf32>
    %swap3A_768 = arith.constant 13 : index
    %swap3A_769 = arith.constant 0 : index
    %swap3A_770 = arith.constant 0 : index
    %swap3A_771 = vector.load %arg29[%swap3A_768, %swap3A_769, %swap3A_770] : memref<16x256x256xf32, #tpu.memory_space<vmem>>, vector<1x256x256xf32>
    %swap3A_772 = vector.shape_cast %swap3A_771 : vector<1x256x256xf32> to vector<256x256xf32>
    %swap3A_773 = vector.shape_cast %max3A_767 : vector<256x256xf32> to vector<1x256x256xf32>
    tpu.vector_store %arg29[%swap3A_768, %swap3A_769, %swap3A_770], %swap3A_773 {strides = array<i32>} : memref<16x256x256xf32, #tpu.memory_space<vmem>>, vector<1x256x256xf32>,
    %reduce_min3A_774 = arith.constant dense<0x7F800000> : vector<256xf32>
    %reduce_min3A_775 = vector.multi_reduction <minimumf>, %select_n3A_753, %reduce_min3A_774 [1] : vector<256x3072xf32> to vector<256xf32>
    %broadcast_in_dim3A_776 = vector.shape_cast %reduce_min3A_775 : vector<256xf32> to vector<256x1xf32>
    %eq3A_777 = vector.broadcast %broadcast_in_dim3A_776 : vector<256x1xf32> to vector<256x3072xf32>
    %eq3A_778 = arith.cmpf oeq, %select_n3A_753, %eq3A_777 : vector<256x3072xf32>
    %jit3A_779 = arith.constant 3072 : i32
    %broadcast_in_dim3A_780 = vector.broadcast %jit3A_779 : i32 to vector<256x3072xi32>
    %select_n3A_781 = arith.select %eq3A_778, %iota3A, %broadcast_in_dim3A_780 : vector<256x3072xi1>, vector<256x3072xi32>
    %reduce_min3A_782 = arith.constant dense<2147483647> : vector<256xi32>
    %reduce_min3A_783 = vector.multi_reduction <minsi>, %select_n3A_781, %reduce_min3A_782 [1] : vector<256x3072xi32> to vector<256xi32>
    %broadcast_in_dim3A_784 = vector.shape_cast %reduce_min3A_783 : vector<256xi32> to vector<256x1xi32>
    %eq3A_785 = vector.broadcast %broadcast_in_dim3A_784 : vector<256x1xi32> to vector<256x3072xi32>
    %eq3A_786 = arith.cmpi eq, %iota3A, %eq3A_785 : vector<256x3072xi32>
    %add3A_787 = vector.broadcast %mul3A_1 : i32 to vector<256xi32>
    %add3A_788 = arith.addi %reduce_min3A_783, %add3A_787 : vector<256xi32>
    %swap3A_789 = arith.constant 14 : index
    %swap3A_790 = arith.constant 0 : index
    %swap3A_791 = vector.load %arg28[%swap3A_789, %swap3A_790] : memref<16x256xi32, #tpu.memory_space<vmem>>, vector<1x256xi32>
    %swap3A_792 = vector.shape_cast %swap3A_791 : vector<1x256xi32> to vector<256xi32>
    %swap3A_793 = vector.shape_cast %add3A_788 : vector<256xi32> to vector<1x256xi32>
    tpu.vector_store %arg28[%swap3A_789, %swap3A_790], %swap3A_793 {strides = array<i32>} : memref<16x256xi32, #tpu.memory_space<vmem>>, vector<1x256xi32>,
    %convert_element_type3A_794 = arith.extui %eq3A_786 : vector<256x3072xi1> to vector<256x3072xi32>
    %convert_element_type3A_795 = arith.sitofp %convert_element_type3A_794 : vector<256x3072xi32> to vector<256x3072xf32>
    %dot_general3A_796 = arith.constant dense<0.000000e+00> : vector<256x3xf32>
    %dot_general3A_797 = tpu.matmul %convert_element_type3A_795, %concatenate3A_66, %dot_general3A_796 {dimension_numbers = #tpu.dot_dimension_numbers<[1], [0], [0], [1], [0, 0, 1, 1], [], []>, transpose_lhs_hint = false} : vector<256x3072xf32>, vector<3072x3xf32>, vector<256x3xf32> -> vector<256x3xf32>
    %jit3A_798 = arith.constant 0x7F800000 : f32
    %broadcast_in_dim3A_799 = vector.broadcast %jit3A_798 : f32 to vector<256x3072xf32>
    %select_n3A_800 = arith.select %eq3A_786, %broadcast_in_dim3A_799, %select_n3A_753 : vector<256x3072xi1>, vector<256x3072xf32>
    %sub3A_801 = arith.subf %get3A_4, %dot_general3A_797 : vector<256x3xf32>
    %dot_general3A_802 = arith.constant dense<0.000000e+00> : vector<256x128xf32>
    %dot_general3A_803 = tpu.matmul %sub3A_801, %get3A_72, %dot_general3A_802 {dimension_numbers = #tpu.dot_dimension_numbers<[1], [0], [0], [1], [0, 0, 1, 1], [], []>, transpose_lhs_hint = false} : vector<256x3xf32>, vector<3x128xf32>, vector<256x128xf32> -> vector<256x128xf32>
    %add3A_804 = arith.addf %add3A_107, %dot_general3A_803 : vector<256x128xf32>
    %max3A_805 = arith.constant 0.000000e+00 : f32
    %max3A_806 = vector.broadcast %max3A_805 : f32 to vector<256x128xf32>
    %max3A_807 = arith.maximumf %add3A_804, %max3A_806 : vector<256x128xf32>
    %dot_general3A_808 = arith.constant dense<0.000000e+00> : vector<256x256xf32>
    %dot_general3A_809 = tpu.matmul %max3A_807, %get3A_78, %dot_general3A_808 {dimension_numbers = #tpu.dot_dimension_numbers<[1], [0], [0], [1], [0, 0, 1, 1], [], []>, transpose_lhs_hint = false} : vector<256x128xf32>, vector<128x256xf32>, vector<256x256xf32> -> vector<256x256xf32>
    %add3A_810 = vector.broadcast %get3A_81 : vector<1x256xf32> to vector<256x256xf32>
    %add3A_811 = arith.addf %dot_general3A_809, %add3A_810 : vector<256x256xf32>
    %max3A_812 = arith.constant 0.000000e+00 : f32
    %max3A_813 = vector.broadcast %max3A_812 : f32 to vector<256x256xf32>
    %max3A_814 = arith.maximumf %add3A_811, %max3A_813 : vector<256x256xf32>
    %swap3A_815 = arith.constant 14 : index
    %swap3A_816 = arith.constant 0 : index
    %swap3A_817 = arith.constant 0 : index
    %swap3A_818 = vector.load %arg29[%swap3A_815, %swap3A_816, %swap3A_817] : memref<16x256x256xf32, #tpu.memory_space<vmem>>, vector<1x256x256xf32>
    %swap3A_819 = vector.shape_cast %swap3A_818 : vector<1x256x256xf32> to vector<256x256xf32>
    %swap3A_820 = vector.shape_cast %max3A_814 : vector<256x256xf32> to vector<1x256x256xf32>
    tpu.vector_store %arg29[%swap3A_815, %swap3A_816, %swap3A_817], %swap3A_820 {strides = array<i32>} : memref<16x256x256xf32, #tpu.memory_space<vmem>>, vector<1x256x256xf32>,
    %reduce_min3A_821 = arith.constant dense<0x7F800000> : vector<256xf32>
    %reduce_min3A_822 = vector.multi_reduction <minimumf>, %select_n3A_800, %reduce_min3A_821 [1] : vector<256x3072xf32> to vector<256xf32>
    %broadcast_in_dim3A_823 = vector.shape_cast %reduce_min3A_822 : vector<256xf32> to vector<256x1xf32>
    %eq3A_824 = vector.broadcast %broadcast_in_dim3A_823 : vector<256x1xf32> to vector<256x3072xf32>
    %eq3A_825 = arith.cmpf oeq, %select_n3A_800, %eq3A_824 : vector<256x3072xf32>
    %jit3A_826 = arith.constant 3072 : i32
    %broadcast_in_dim3A_827 = vector.broadcast %jit3A_826 : i32 to vector<256x3072xi32>
    %select_n3A_828 = arith.select %eq3A_825, %iota3A, %broadcast_in_dim3A_827 : vector<256x3072xi1>, vector<256x3072xi32>
    %reduce_min3A_829 = arith.constant dense<2147483647> : vector<256xi32>
    %reduce_min3A_830 = vector.multi_reduction <minsi>, %select_n3A_828, %reduce_min3A_829 [1] : vector<256x3072xi32> to vector<256xi32>
    %broadcast_in_dim3A_831 = vector.shape_cast %reduce_min3A_830 : vector<256xi32> to vector<256x1xi32>
    %eq3A_832 = vector.broadcast %broadcast_in_dim3A_831 : vector<256x1xi32> to vector<256x3072xi32>
    %eq3A_833 = arith.cmpi eq, %iota3A, %eq3A_832 : vector<256x3072xi32>
    %add3A_834 = vector.broadcast %mul3A_1 : i32 to vector<256xi32>
    %add3A_835 = arith.addi %reduce_min3A_830, %add3A_834 : vector<256xi32>
    %swap3A_836 = arith.constant 15 : index
    %swap3A_837 = arith.constant 0 : index
    %swap3A_838 = vector.load %arg28[%swap3A_836, %swap3A_837] : memref<16x256xi32, #tpu.memory_space<vmem>>, vector<1x256xi32>
    %swap3A_839 = vector.shape_cast %swap3A_838 : vector<1x256xi32> to vector<256xi32>
    %swap3A_840 = vector.shape_cast %add3A_835 : vector<256xi32> to vector<1x256xi32>
    tpu.vector_store %arg28[%swap3A_836, %swap3A_837], %swap3A_840 {strides = array<i32>} : memref<16x256xi32, #tpu.memory_space<vmem>>, vector<1x256xi32>,
    %convert_element_type3A_841 = arith.extui %eq3A_833 : vector<256x3072xi1> to vector<256x3072xi32>
    %convert_element_type3A_842 = arith.sitofp %convert_element_type3A_841 : vector<256x3072xi32> to vector<256x3072xf32>
    %dot_general3A_843 = arith.constant dense<0.000000e+00> : vector<256x3xf32>
    %dot_general3A_844 = tpu.matmul %convert_element_type3A_842, %concatenate3A_66, %dot_general3A_843 {dimension_numbers = #tpu.dot_dimension_numbers<[1], [0], [0], [1], [0, 0, 1, 1], [], []>, transpose_lhs_hint = false} : vector<256x3072xf32>, vector<3072x3xf32>, vector<256x3xf32> -> vector<256x3xf32>
    %sub3A_845 = arith.subf %get3A_4, %dot_general3A_844 : vector<256x3xf32>
    %dot_general3A_846 = arith.constant dense<0.000000e+00> : vector<256x128xf32>
    %dot_general3A_847 = tpu.matmul %sub3A_845, %get3A_72, %dot_general3A_846 {dimension_numbers = #tpu.dot_dimension_numbers<[1], [0], [0], [1], [0, 0, 1, 1], [], []>, transpose_lhs_hint = false} : vector<256x3xf32>, vector<3x128xf32>, vector<256x128xf32> -> vector<256x128xf32>
    %add3A_848 = arith.addf %add3A_107, %dot_general3A_847 : vector<256x128xf32>
    %max3A_849 = arith.constant 0.000000e+00 : f32
    %max3A_850 = vector.broadcast %max3A_849 : f32 to vector<256x128xf32>
    %max3A_851 = arith.maximumf %add3A_848, %max3A_850 : vector<256x128xf32>
    %dot_general3A_852 = arith.constant dense<0.000000e+00> : vector<256x256xf32>
    %dot_general3A_853 = tpu.matmul %max3A_851, %get3A_78, %dot_general3A_852 {dimension_numbers = #tpu.dot_dimension_numbers<[1], [0], [0], [1], [0, 0, 1, 1], [], []>, transpose_lhs_hint = false} : vector<256x128xf32>, vector<128x256xf32>, vector<256x256xf32> -> vector<256x256xf32>
    %add3A_854 = vector.broadcast %get3A_81 : vector<1x256xf32> to vector<256x256xf32>
    %add3A_855 = arith.addf %dot_general3A_853, %add3A_854 : vector<256x256xf32>
    %max3A_856 = arith.constant 0.000000e+00 : f32
    %max3A_857 = vector.broadcast %max3A_856 : f32 to vector<256x256xf32>
    %max3A_858 = arith.maximumf %add3A_855, %max3A_857 : vector<256x256xf32>
    %swap3A_859 = arith.constant 15 : index
    %swap3A_860 = arith.constant 0 : index
    %swap3A_861 = arith.constant 0 : index
    %swap3A_862 = vector.load %arg29[%swap3A_859, %swap3A_860, %swap3A_861] : memref<16x256x256xf32, #tpu.memory_space<vmem>>, vector<1x256x256xf32>
    %swap3A_863 = vector.shape_cast %swap3A_862 : vector<1x256x256xf32> to vector<256x256xf32>
    %swap3A_864 = vector.shape_cast %max3A_858 : vector<256x256xf32> to vector<1x256x256xf32>
    tpu.vector_store %arg29[%swap3A_859, %swap3A_860, %swap3A_861], %swap3A_864 {strides = array<i32>} : memref<16x256x256xf32, #tpu.memory_space<vmem>>, vector<1x256x256xf32>,
    return
  }
  func.func @transform_0(%arg0: i32, %arg1: memref<32xi32, #tpu.memory_space<smem>>) -> (i32, i32) {
    %c0_i32 = arith.constant 0 : i32
    %c0_i32_0 = arith.constant 0 : i32
    return %arg0, %c0_i32 : i32, i32
  }
  func.func @transform_1(%arg0: i32, %arg1: memref<32xi32, #tpu.memory_space<smem>>) -> (i32, i32) {
    %c0_i32 = arith.constant 0 : i32
    %c0_i32_0 = arith.constant 0 : i32
    return %arg0, %c0_i32 : i32, i32
  }
  func.func @transform_2(%arg0: i32, %arg1: memref<32xi32, #tpu.memory_space<smem>>) -> (i32, i32) {
    %c0_i32 = arith.constant 0 : i32
    %c0_i32_0 = arith.constant 0 : i32
    return %arg0, %c0_i32 : i32, i32
  }
  func.func @transform_3(%arg0: i32, %arg1: memref<32xi32, #tpu.memory_space<smem>>) -> (i32, i32) {
    %get3A = arith.index_cast %arg0 : i32 to index
    %get3A_0 = memref.load %arg1[%get3A] : memref<32xi32, #tpu.memory_space<smem>>
    %add3A = arith.constant 0 : i32
    %add3A_1 = arith.addi %get3A_0, %add3A : i32
    %min3A = arith.constant 15 : i32
    %min3A_2 = arith.minsi %add3A_1, %min3A : i32
    %c0_i32 = arith.constant 0 : i32
    %c0_i32_3 = arith.constant 0 : i32
    return %c0_i32, %min3A_2 : i32, i32
  }
  func.func @transform_4(%arg0: i32, %arg1: memref<32xi32, #tpu.memory_space<smem>>) -> (i32, i32) {
    %get3A = arith.index_cast %arg0 : i32 to index
    %get3A_0 = memref.load %arg1[%get3A] : memref<32xi32, #tpu.memory_space<smem>>
    %add3A = arith.constant 1 : i32
    %add3A_1 = arith.addi %get3A_0, %add3A : i32
    %min3A = arith.constant 15 : i32
    %min3A_2 = arith.minsi %add3A_1, %min3A : i32
    %c0_i32 = arith.constant 0 : i32
    %c0_i32_3 = arith.constant 0 : i32
    return %c0_i32, %min3A_2 : i32, i32
  }
  func.func @transform_5(%arg0: i32, %arg1: memref<32xi32, #tpu.memory_space<smem>>) -> (i32, i32) {
    %get3A = arith.index_cast %arg0 : i32 to index
    %get3A_0 = memref.load %arg1[%get3A] : memref<32xi32, #tpu.memory_space<smem>>
    %add3A = arith.constant 2 : i32
    %add3A_1 = arith.addi %get3A_0, %add3A : i32
    %min3A = arith.constant 15 : i32
    %min3A_2 = arith.minsi %add3A_1, %min3A : i32
    %c0_i32 = arith.constant 0 : i32
    %c0_i32_3 = arith.constant 0 : i32
    return %c0_i32, %min3A_2 : i32, i32
  }
  func.func @transform_6(%arg0: i32, %arg1: memref<32xi32, #tpu.memory_space<smem>>) -> (i32, i32) {
    %get3A = arith.index_cast %arg0 : i32 to index
    %get3A_0 = memref.load %arg1[%get3A] : memref<32xi32, #tpu.memory_space<smem>>
    %add3A = arith.constant 3 : i32
    %add3A_1 = arith.addi %get3A_0, %add3A : i32
    %min3A = arith.constant 15 : i32
    %min3A_2 = arith.minsi %add3A_1, %min3A : i32
    %c0_i32 = arith.constant 0 : i32
    %c0_i32_3 = arith.constant 0 : i32
    return %c0_i32, %min3A_2 : i32, i32
  }
  func.func @transform_7(%arg0: i32, %arg1: memref<32xi32, #tpu.memory_space<smem>>) -> (i32, i32) {
    %get3A = arith.index_cast %arg0 : i32 to index
    %get3A_0 = memref.load %arg1[%get3A] : memref<32xi32, #tpu.memory_space<smem>>
    %add3A = arith.constant 4 : i32
    %add3A_1 = arith.addi %get3A_0, %add3A : i32
    %min3A = arith.constant 15 : i32
    %min3A_2 = arith.minsi %add3A_1, %min3A : i32
    %c0_i32 = arith.constant 0 : i32
    %c0_i32_3 = arith.constant 0 : i32
    return %c0_i32, %min3A_2 : i32, i32
  }
  func.func @transform_8(%arg0: i32, %arg1: memref<32xi32, #tpu.memory_space<smem>>) -> (i32, i32) {
    %get3A = arith.index_cast %arg0 : i32 to index
    %get3A_0 = memref.load %arg1[%get3A] : memref<32xi32, #tpu.memory_space<smem>>
    %add3A = arith.constant 5 : i32
    %add3A_1 = arith.addi %get3A_0, %add3A : i32
    %min3A = arith.constant 15 : i32
    %min3A_2 = arith.minsi %add3A_1, %min3A : i32
    %c0_i32 = arith.constant 0 : i32
    %c0_i32_3 = arith.constant 0 : i32
    return %c0_i32, %min3A_2 : i32, i32
  }
  func.func @transform_9(%arg0: i32, %arg1: memref<32xi32, #tpu.memory_space<smem>>) -> (i32, i32) {
    %get3A = arith.index_cast %arg0 : i32 to index
    %get3A_0 = memref.load %arg1[%get3A] : memref<32xi32, #tpu.memory_space<smem>>
    %add3A = arith.constant 0 : i32
    %add3A_1 = arith.addi %get3A_0, %add3A : i32
    %min3A = arith.constant 15 : i32
    %min3A_2 = arith.minsi %add3A_1, %min3A : i32
    %c0_i32 = arith.constant 0 : i32
    %c0_i32_3 = arith.constant 0 : i32
    return %c0_i32, %min3A_2 : i32, i32
  }
  func.func @transform_10(%arg0: i32, %arg1: memref<32xi32, #tpu.memory_space<smem>>) -> (i32, i32) {
    %get3A = arith.index_cast %arg0 : i32 to index
    %get3A_0 = memref.load %arg1[%get3A] : memref<32xi32, #tpu.memory_space<smem>>
    %add3A = arith.constant 1 : i32
    %add3A_1 = arith.addi %get3A_0, %add3A : i32
    %min3A = arith.constant 15 : i32
    %min3A_2 = arith.minsi %add3A_1, %min3A : i32
    %c0_i32 = arith.constant 0 : i32
    %c0_i32_3 = arith.constant 0 : i32
    return %c0_i32, %min3A_2 : i32, i32
  }
  func.func @transform_11(%arg0: i32, %arg1: memref<32xi32, #tpu.memory_space<smem>>) -> (i32, i32) {
    %get3A = arith.index_cast %arg0 : i32 to index
    %get3A_0 = memref.load %arg1[%get3A] : memref<32xi32, #tpu.memory_space<smem>>
    %add3A = arith.constant 2 : i32
    %add3A_1 = arith.addi %get3A_0, %add3A : i32
    %min3A = arith.constant 15 : i32
    %min3A_2 = arith.minsi %add3A_1, %min3A : i32
    %c0_i32 = arith.constant 0 : i32
    %c0_i32_3 = arith.constant 0 : i32
    return %c0_i32, %min3A_2 : i32, i32
  }
  func.func @transform_12(%arg0: i32, %arg1: memref<32xi32, #tpu.memory_space<smem>>) -> (i32, i32) {
    %get3A = arith.index_cast %arg0 : i32 to index
    %get3A_0 = memref.load %arg1[%get3A] : memref<32xi32, #tpu.memory_space<smem>>
    %add3A = arith.constant 3 : i32
    %add3A_1 = arith.addi %get3A_0, %add3A : i32
    %min3A = arith.constant 15 : i32
    %min3A_2 = arith.minsi %add3A_1, %min3A : i32
    %c0_i32 = arith.constant 0 : i32
    %c0_i32_3 = arith.constant 0 : i32
    return %c0_i32, %min3A_2 : i32, i32
  }
  func.func @transform_13(%arg0: i32, %arg1: memref<32xi32, #tpu.memory_space<smem>>) -> (i32, i32) {
    %get3A = arith.index_cast %arg0 : i32 to index
    %get3A_0 = memref.load %arg1[%get3A] : memref<32xi32, #tpu.memory_space<smem>>
    %add3A = arith.constant 4 : i32
    %add3A_1 = arith.addi %get3A_0, %add3A : i32
    %min3A = arith.constant 15 : i32
    %min3A_2 = arith.minsi %add3A_1, %min3A : i32
    %c0_i32 = arith.constant 0 : i32
    %c0_i32_3 = arith.constant 0 : i32
    return %c0_i32, %min3A_2 : i32, i32
  }
  func.func @transform_14(%arg0: i32, %arg1: memref<32xi32, #tpu.memory_space<smem>>) -> (i32, i32) {
    %get3A = arith.index_cast %arg0 : i32 to index
    %get3A_0 = memref.load %arg1[%get3A] : memref<32xi32, #tpu.memory_space<smem>>
    %add3A = arith.constant 5 : i32
    %add3A_1 = arith.addi %get3A_0, %add3A : i32
    %min3A = arith.constant 15 : i32
    %min3A_2 = arith.minsi %add3A_1, %min3A : i32
    %c0_i32 = arith.constant 0 : i32
    %c0_i32_3 = arith.constant 0 : i32
    return %c0_i32, %min3A_2 : i32, i32
  }
  func.func @transform_15(%arg0: i32, %arg1: memref<32xi32, #tpu.memory_space<smem>>) -> (i32, i32) {
    %get3A = arith.index_cast %arg0 : i32 to index
    %get3A_0 = memref.load %arg1[%get3A] : memref<32xi32, #tpu.memory_space<smem>>
    %add3A = arith.constant 0 : i32
    %add3A_1 = arith.addi %get3A_0, %add3A : i32
    %min3A = arith.constant 15 : i32
    %min3A_2 = arith.minsi %add3A_1, %min3A : i32
    %c0_i32 = arith.constant 0 : i32
    %c0_i32_3 = arith.constant 0 : i32
    return %min3A_2, %c0_i32 : i32, i32
  }
  func.func @transform_16(%arg0: i32, %arg1: memref<32xi32, #tpu.memory_space<smem>>) -> (i32, i32) {
    %get3A = arith.index_cast %arg0 : i32 to index
    %get3A_0 = memref.load %arg1[%get3A] : memref<32xi32, #tpu.memory_space<smem>>
    %add3A = arith.constant 1 : i32
    %add3A_1 = arith.addi %get3A_0, %add3A : i32
    %min3A = arith.constant 15 : i32
    %min3A_2 = arith.minsi %add3A_1, %min3A : i32
    %c0_i32 = arith.constant 0 : i32
    %c0_i32_3 = arith.constant 0 : i32
    return %min3A_2, %c0_i32 : i32, i32
  }
  func.func @transform_17(%arg0: i32, %arg1: memref<32xi32, #tpu.memory_space<smem>>) -> (i32, i32) {
    %get3A = arith.index_cast %arg0 : i32 to index
    %get3A_0 = memref.load %arg1[%get3A] : memref<32xi32, #tpu.memory_space<smem>>
    %add3A = arith.constant 2 : i32
    %add3A_1 = arith.addi %get3A_0, %add3A : i32
    %min3A = arith.constant 15 : i32
    %min3A_2 = arith.minsi %add3A_1, %min3A : i32
    %c0_i32 = arith.constant 0 : i32
    %c0_i32_3 = arith.constant 0 : i32
    return %min3A_2, %c0_i32 : i32, i32
  }
  func.func @transform_18(%arg0: i32, %arg1: memref<32xi32, #tpu.memory_space<smem>>) -> (i32, i32) {
    %get3A = arith.index_cast %arg0 : i32 to index
    %get3A_0 = memref.load %arg1[%get3A] : memref<32xi32, #tpu.memory_space<smem>>
    %add3A = arith.constant 3 : i32
    %add3A_1 = arith.addi %get3A_0, %add3A : i32
    %min3A = arith.constant 15 : i32
    %min3A_2 = arith.minsi %add3A_1, %min3A : i32
    %c0_i32 = arith.constant 0 : i32
    %c0_i32_3 = arith.constant 0 : i32
    return %min3A_2, %c0_i32 : i32, i32
  }
  func.func @transform_19(%arg0: i32, %arg1: memref<32xi32, #tpu.memory_space<smem>>) -> (i32, i32) {
    %get3A = arith.index_cast %arg0 : i32 to index
    %get3A_0 = memref.load %arg1[%get3A] : memref<32xi32, #tpu.memory_space<smem>>
    %add3A = arith.constant 4 : i32
    %add3A_1 = arith.addi %get3A_0, %add3A : i32
    %min3A = arith.constant 15 : i32
    %min3A_2 = arith.minsi %add3A_1, %min3A : i32
    %c0_i32 = arith.constant 0 : i32
    %c0_i32_3 = arith.constant 0 : i32
    return %min3A_2, %c0_i32 : i32, i32
  }
  func.func @transform_20(%arg0: i32, %arg1: memref<32xi32, #tpu.memory_space<smem>>) -> (i32, i32) {
    %get3A = arith.index_cast %arg0 : i32 to index
    %get3A_0 = memref.load %arg1[%get3A] : memref<32xi32, #tpu.memory_space<smem>>
    %add3A = arith.constant 5 : i32
    %add3A_1 = arith.addi %get3A_0, %add3A : i32
    %min3A = arith.constant 15 : i32
    %min3A_2 = arith.minsi %add3A_1, %min3A : i32
    %c0_i32 = arith.constant 0 : i32
    %c0_i32_3 = arith.constant 0 : i32
    return %min3A_2, %c0_i32 : i32, i32
  }
  func.func @transform_21(%arg0: i32, %arg1: memref<32xi32, #tpu.memory_space<smem>>) -> (i32, i32) {
    %c0_i32 = arith.constant 0 : i32
    %c0_i32_0 = arith.constant 0 : i32
    %c0_i32_1 = arith.constant 0 : i32
    return %c0_i32, %c0_i32_0 : i32, i32
  }
  func.func @transform_22(%arg0: i32, %arg1: memref<32xi32, #tpu.memory_space<smem>>) -> (i32, i32) {
    %c0_i32 = arith.constant 0 : i32
    %c0_i32_0 = arith.constant 0 : i32
    %c0_i32_1 = arith.constant 0 : i32
    return %c0_i32, %c0_i32_0 : i32, i32
  }
  func.func @transform_23(%arg0: i32, %arg1: memref<32xi32, #tpu.memory_space<smem>>) -> (i32, i32) {
    %c0_i32 = arith.constant 0 : i32
    %c0_i32_0 = arith.constant 0 : i32
    %c0_i32_1 = arith.constant 0 : i32
    return %c0_i32, %c0_i32_0 : i32, i32
  }
  func.func @transform_24(%arg0: i32, %arg1: memref<32xi32, #tpu.memory_space<smem>>) -> (i32, i32) {
    %c0_i32 = arith.constant 0 : i32
    %c0_i32_0 = arith.constant 0 : i32
    %c0_i32_1 = arith.constant 0 : i32
    return %c0_i32, %c0_i32_0 : i32, i32
  }
  func.func @transform_25(%arg0: i32, %arg1: memref<32xi32, #tpu.memory_space<smem>>) -> (i32, i32) {
    %c0_i32 = arith.constant 0 : i32
    %c0_i32_0 = arith.constant 0 : i32
    %c0_i32_1 = arith.constant 0 : i32
    return %c0_i32, %c0_i32_0 : i32, i32
  }
  func.func @transform_26(%arg0: i32, %arg1: memref<32xi32, #tpu.memory_space<smem>>) -> (i32, i32) {
    %c0_i32 = arith.constant 0 : i32
    %c0_i32_0 = arith.constant 0 : i32
    return %c0_i32, %arg0 : i32, i32
  }
  func.func @transform_27(%arg0: i32, %arg1: memref<32xi32, #tpu.memory_space<smem>>) -> (i32, i32, i32) {
    %c0_i32 = arith.constant 0 : i32
    %c0_i32_0 = arith.constant 0 : i32
    %c0_i32_1 = arith.constant 0 : i32
    return %c0_i32, %arg0, %c0_i32_0 : i32, i32, i32
  }
  func.func @transform_28(%arg0: i32, %arg1: memref<32xi32, #tpu.memory_space<smem>>) -> (i32, i32) {
    %c0_i32 = arith.constant 0 : i32
    %c0_i32_0 = arith.constant 0 : i32
    return %arg0, %c0_i32 : i32, i32
  }
}

module attributes {stable_mosaic.version = 14 : i64} {
  func.func @_scatter_kernel(%arg0: i32, %arg1: memref<16x8192xi32, #tpu.memory_space<smem>>, %arg2: memref<16x256x256xf32, #tpu.memory_space<vmem>>, %arg3: memref<8192x256xf32, #tpu.memory_space<vmem>>, %arg4: memref<8192x256xf32, #tpu.memory_space<vmem>>) attributes {dimension_semantics = [#tpu.dimension_semantics<arbitrary>], iteration_bounds = array<i64: 32>, scalar_prefetch = 1 : i64, scratch_operands = 0 : i64, tpu.core_type = #tpu.core_type<tc>, window_params = [{transform_indices = @transform_0, window_bounds = array<i64: 16, 256, 256>}, {pipeline_mode = #tpu.pipeline_mode<synchronous>, transform_indices = @transform_1, window_bounds = array<i64: 8192, 256>}, {pipeline_mode = #tpu.pipeline_mode<synchronous>, transform_indices = @transform_2, window_bounds = array<i64: 8192, 256>}]} {
    %eq3A = arith.constant 0 : i32
    %eq3A_0 = arith.cmpi eq, %arg0, %eq3A : i32
    %convert_element_type3A = arith.extui %eq3A_0 : i1 to i32
    %cond3A = arith.constant 0 : i32
    %cond3A_1 = arith.cmpi ne, %convert_element_type3A, %cond3A : i32
    scf.if %cond3A_1 {
      %get3A = arith.constant 0 : index
      %get3A_6 = arith.constant 0 : index
      %get3A_7 = vector.load %arg3[%get3A, %get3A_6] : memref<8192x256xf32, #tpu.memory_space<vmem>>, vector<8192x256xf32>
      %swap3A = arith.constant 0 : index
      %swap3A_8 = arith.constant 0 : index
      %swap3A_9 = vector.load %arg4[%swap3A, %swap3A_8] : memref<8192x256xf32, #tpu.memory_space<vmem>>, vector<8192x256xf32>
      tpu.vector_store %arg4[%swap3A, %swap3A_8], %get3A_7 {strides = array<i32>} : memref<8192x256xf32, #tpu.memory_space<vmem>>, vector<8192x256xf32>,
    } else {
    }
    %scan3A = arith.constant 0 : i32
    %scan3A_2 = arith.constant 256 : i32
    %scan3A_3 = arith.addi %scan3A, %scan3A_2 : i32
    %scan3A_4 = arith.constant 1 : i32
    scf.for %scan3A_6 = %scan3A to %scan3A_3 step %scan3A_4  : i32 {
      %mul3A = arith.constant 256 : i32
      %mul3A_7 = arith.muli %arg0, %mul3A : i32
      %add3A = arith.addi %mul3A_7, %scan3A_6 : i32
      %get3A = arith.constant 0 : index
      %get3A_8 = arith.index_cast %add3A : i32 to index
      %get3A_9 = memref.load %arg1[%get3A, %get3A_8] : memref<16x8192xi32, #tpu.memory_space<smem>>
      %get3A_10 = arith.constant 0 : index
      %get3A_11 = arith.index_cast %scan3A_6 : i32 to index
      %get3A_12 = arith.constant 0 : index
      %get3A_13 = vector.load %arg2[%get3A_10, %get3A_11, %get3A_12] : memref<16x256x256xf32, #tpu.memory_space<vmem>>, vector<1x1x256xf32>
      %get3A_14 = vector.shape_cast %get3A_13 : vector<1x1x256xf32> to vector<1x256xf32>
      %get3A_15 = arith.index_cast %get3A_9 : i32 to index
      %get3A_16 = arith.constant 0 : index
      %get3A_17 = vector.load %arg4[%get3A_15, %get3A_16] : memref<8192x256xf32, #tpu.memory_space<vmem>>, vector<1x256xf32>
      %max3A = arith.maximumf %get3A_17, %get3A_14 : vector<1x256xf32>
      %swap3A = arith.index_cast %get3A_9 : i32 to index
      %swap3A_18 = arith.constant 0 : index
      %swap3A_19 = vector.load %arg4[%swap3A, %swap3A_18] : memref<8192x256xf32, #tpu.memory_space<vmem>>, vector<1x256xf32>
      tpu.vector_store %arg4[%swap3A, %swap3A_18], %max3A {strides = array<i32>} : memref<8192x256xf32, #tpu.memory_space<vmem>>, vector<1x256xf32>,
      %mul3A_20 = arith.constant 256 : i32
      %mul3A_21 = arith.muli %arg0, %mul3A_20 : i32
      %add3A_22 = arith.addi %mul3A_21, %scan3A_6 : i32
      %get3A_23 = arith.constant 1 : index
      %get3A_24 = arith.index_cast %add3A_22 : i32 to index
      %get3A_25 = memref.load %arg1[%get3A_23, %get3A_24] : memref<16x8192xi32, #tpu.memory_space<smem>>
      %get3A_26 = arith.constant 1 : index
      %get3A_27 = arith.index_cast %scan3A_6 : i32 to index
      %get3A_28 = arith.constant 0 : index
      %get3A_29 = vector.load %arg2[%get3A_26, %get3A_27, %get3A_28] : memref<16x256x256xf32, #tpu.memory_space<vmem>>, vector<1x1x256xf32>
      %get3A_30 = vector.shape_cast %get3A_29 : vector<1x1x256xf32> to vector<1x256xf32>
      %get3A_31 = arith.index_cast %get3A_25 : i32 to index
      %get3A_32 = arith.constant 0 : index
      %get3A_33 = vector.load %arg4[%get3A_31, %get3A_32] : memref<8192x256xf32, #tpu.memory_space<vmem>>, vector<1x256xf32>
      %max3A_34 = arith.maximumf %get3A_33, %get3A_30 : vector<1x256xf32>
      %swap3A_35 = arith.index_cast %get3A_25 : i32 to index
      %swap3A_36 = arith.constant 0 : index
      %swap3A_37 = vector.load %arg4[%swap3A_35, %swap3A_36] : memref<8192x256xf32, #tpu.memory_space<vmem>>, vector<1x256xf32>
      tpu.vector_store %arg4[%swap3A_35, %swap3A_36], %max3A_34 {strides = array<i32>} : memref<8192x256xf32, #tpu.memory_space<vmem>>, vector<1x256xf32>,
      %mul3A_38 = arith.constant 256 : i32
      %mul3A_39 = arith.muli %arg0, %mul3A_38 : i32
      %add3A_40 = arith.addi %mul3A_39, %scan3A_6 : i32
      %get3A_41 = arith.constant 2 : index
      %get3A_42 = arith.index_cast %add3A_40 : i32 to index
      %get3A_43 = memref.load %arg1[%get3A_41, %get3A_42] : memref<16x8192xi32, #tpu.memory_space<smem>>
      %get3A_44 = arith.constant 2 : index
      %get3A_45 = arith.index_cast %scan3A_6 : i32 to index
      %get3A_46 = arith.constant 0 : index
      %get3A_47 = vector.load %arg2[%get3A_44, %get3A_45, %get3A_46] : memref<16x256x256xf32, #tpu.memory_space<vmem>>, vector<1x1x256xf32>
      %get3A_48 = vector.shape_cast %get3A_47 : vector<1x1x256xf32> to vector<1x256xf32>
      %get3A_49 = arith.index_cast %get3A_43 : i32 to index
      %get3A_50 = arith.constant 0 : index
      %get3A_51 = vector.load %arg4[%get3A_49, %get3A_50] : memref<8192x256xf32, #tpu.memory_space<vmem>>, vector<1x256xf32>
      %max3A_52 = arith.maximumf %get3A_51, %get3A_48 : vector<1x256xf32>
      %swap3A_53 = arith.index_cast %get3A_43 : i32 to index
      %swap3A_54 = arith.constant 0 : index
      %swap3A_55 = vector.load %arg4[%swap3A_53, %swap3A_54] : memref<8192x256xf32, #tpu.memory_space<vmem>>, vector<1x256xf32>
      tpu.vector_store %arg4[%swap3A_53, %swap3A_54], %max3A_52 {strides = array<i32>} : memref<8192x256xf32, #tpu.memory_space<vmem>>, vector<1x256xf32>,
      %mul3A_56 = arith.constant 256 : i32
      %mul3A_57 = arith.muli %arg0, %mul3A_56 : i32
      %add3A_58 = arith.addi %mul3A_57, %scan3A_6 : i32
      %get3A_59 = arith.constant 3 : index
      %get3A_60 = arith.index_cast %add3A_58 : i32 to index
      %get3A_61 = memref.load %arg1[%get3A_59, %get3A_60] : memref<16x8192xi32, #tpu.memory_space<smem>>
      %get3A_62 = arith.constant 3 : index
      %get3A_63 = arith.index_cast %scan3A_6 : i32 to index
      %get3A_64 = arith.constant 0 : index
      %get3A_65 = vector.load %arg2[%get3A_62, %get3A_63, %get3A_64] : memref<16x256x256xf32, #tpu.memory_space<vmem>>, vector<1x1x256xf32>
      %get3A_66 = vector.shape_cast %get3A_65 : vector<1x1x256xf32> to vector<1x256xf32>
      %get3A_67 = arith.index_cast %get3A_61 : i32 to index
      %get3A_68 = arith.constant 0 : index
      %get3A_69 = vector.load %arg4[%get3A_67, %get3A_68] : memref<8192x256xf32, #tpu.memory_space<vmem>>, vector<1x256xf32>
      %max3A_70 = arith.maximumf %get3A_69, %get3A_66 : vector<1x256xf32>
      %swap3A_71 = arith.index_cast %get3A_61 : i32 to index
      %swap3A_72 = arith.constant 0 : index
      %swap3A_73 = vector.load %arg4[%swap3A_71, %swap3A_72] : memref<8192x256xf32, #tpu.memory_space<vmem>>, vector<1x256xf32>
      tpu.vector_store %arg4[%swap3A_71, %swap3A_72], %max3A_70 {strides = array<i32>} : memref<8192x256xf32, #tpu.memory_space<vmem>>, vector<1x256xf32>,
      %mul3A_74 = arith.constant 256 : i32
      %mul3A_75 = arith.muli %arg0, %mul3A_74 : i32
      %add3A_76 = arith.addi %mul3A_75, %scan3A_6 : i32
      %get3A_77 = arith.constant 4 : index
      %get3A_78 = arith.index_cast %add3A_76 : i32 to index
      %get3A_79 = memref.load %arg1[%get3A_77, %get3A_78] : memref<16x8192xi32, #tpu.memory_space<smem>>
      %get3A_80 = arith.constant 4 : index
      %get3A_81 = arith.index_cast %scan3A_6 : i32 to index
      %get3A_82 = arith.constant 0 : index
      %get3A_83 = vector.load %arg2[%get3A_80, %get3A_81, %get3A_82] : memref<16x256x256xf32, #tpu.memory_space<vmem>>, vector<1x1x256xf32>
      %get3A_84 = vector.shape_cast %get3A_83 : vector<1x1x256xf32> to vector<1x256xf32>
      %get3A_85 = arith.index_cast %get3A_79 : i32 to index
      %get3A_86 = arith.constant 0 : index
      %get3A_87 = vector.load %arg4[%get3A_85, %get3A_86] : memref<8192x256xf32, #tpu.memory_space<vmem>>, vector<1x256xf32>
      %max3A_88 = arith.maximumf %get3A_87, %get3A_84 : vector<1x256xf32>
      %swap3A_89 = arith.index_cast %get3A_79 : i32 to index
      %swap3A_90 = arith.constant 0 : index
      %swap3A_91 = vector.load %arg4[%swap3A_89, %swap3A_90] : memref<8192x256xf32, #tpu.memory_space<vmem>>, vector<1x256xf32>
      tpu.vector_store %arg4[%swap3A_89, %swap3A_90], %max3A_88 {strides = array<i32>} : memref<8192x256xf32, #tpu.memory_space<vmem>>, vector<1x256xf32>,
      %mul3A_92 = arith.constant 256 : i32
      %mul3A_93 = arith.muli %arg0, %mul3A_92 : i32
      %add3A_94 = arith.addi %mul3A_93, %scan3A_6 : i32
      %get3A_95 = arith.constant 5 : index
      %get3A_96 = arith.index_cast %add3A_94 : i32 to index
      %get3A_97 = memref.load %arg1[%get3A_95, %get3A_96] : memref<16x8192xi32, #tpu.memory_space<smem>>
      %get3A_98 = arith.constant 5 : index
      %get3A_99 = arith.index_cast %scan3A_6 : i32 to index
      %get3A_100 = arith.constant 0 : index
      %get3A_101 = vector.load %arg2[%get3A_98, %get3A_99, %get3A_100] : memref<16x256x256xf32, #tpu.memory_space<vmem>>, vector<1x1x256xf32>
      %get3A_102 = vector.shape_cast %get3A_101 : vector<1x1x256xf32> to vector<1x256xf32>
      %get3A_103 = arith.index_cast %get3A_97 : i32 to index
      %get3A_104 = arith.constant 0 : index
      %get3A_105 = vector.load %arg4[%get3A_103, %get3A_104] : memref<8192x256xf32, #tpu.memory_space<vmem>>, vector<1x256xf32>
      %max3A_106 = arith.maximumf %get3A_105, %get3A_102 : vector<1x256xf32>
      %swap3A_107 = arith.index_cast %get3A_97 : i32 to index
      %swap3A_108 = arith.constant 0 : index
      %swap3A_109 = vector.load %arg4[%swap3A_107, %swap3A_108] : memref<8192x256xf32, #tpu.memory_space<vmem>>, vector<1x256xf32>
      tpu.vector_store %arg4[%swap3A_107, %swap3A_108], %max3A_106 {strides = array<i32>} : memref<8192x256xf32, #tpu.memory_space<vmem>>, vector<1x256xf32>,
      %mul3A_110 = arith.constant 256 : i32
      %mul3A_111 = arith.muli %arg0, %mul3A_110 : i32
      %add3A_112 = arith.addi %mul3A_111, %scan3A_6 : i32
      %get3A_113 = arith.constant 6 : index
      %get3A_114 = arith.index_cast %add3A_112 : i32 to index
      %get3A_115 = memref.load %arg1[%get3A_113, %get3A_114] : memref<16x8192xi32, #tpu.memory_space<smem>>
      %get3A_116 = arith.constant 6 : index
      %get3A_117 = arith.index_cast %scan3A_6 : i32 to index
      %get3A_118 = arith.constant 0 : index
      %get3A_119 = vector.load %arg2[%get3A_116, %get3A_117, %get3A_118] : memref<16x256x256xf32, #tpu.memory_space<vmem>>, vector<1x1x256xf32>
      %get3A_120 = vector.shape_cast %get3A_119 : vector<1x1x256xf32> to vector<1x256xf32>
      %get3A_121 = arith.index_cast %get3A_115 : i32 to index
      %get3A_122 = arith.constant 0 : index
      %get3A_123 = vector.load %arg4[%get3A_121, %get3A_122] : memref<8192x256xf32, #tpu.memory_space<vmem>>, vector<1x256xf32>
      %max3A_124 = arith.maximumf %get3A_123, %get3A_120 : vector<1x256xf32>
      %swap3A_125 = arith.index_cast %get3A_115 : i32 to index
      %swap3A_126 = arith.constant 0 : index
      %swap3A_127 = vector.load %arg4[%swap3A_125, %swap3A_126] : memref<8192x256xf32, #tpu.memory_space<vmem>>, vector<1x256xf32>
      tpu.vector_store %arg4[%swap3A_125, %swap3A_126], %max3A_124 {strides = array<i32>} : memref<8192x256xf32, #tpu.memory_space<vmem>>, vector<1x256xf32>,
      %mul3A_128 = arith.constant 256 : i32
      %mul3A_129 = arith.muli %arg0, %mul3A_128 : i32
      %add3A_130 = arith.addi %mul3A_129, %scan3A_6 : i32
      %get3A_131 = arith.constant 7 : index
      %get3A_132 = arith.index_cast %add3A_130 : i32 to index
      %get3A_133 = memref.load %arg1[%get3A_131, %get3A_132] : memref<16x8192xi32, #tpu.memory_space<smem>>
      %get3A_134 = arith.constant 7 : index
      %get3A_135 = arith.index_cast %scan3A_6 : i32 to index
      %get3A_136 = arith.constant 0 : index
      %get3A_137 = vector.load %arg2[%get3A_134, %get3A_135, %get3A_136] : memref<16x256x256xf32, #tpu.memory_space<vmem>>, vector<1x1x256xf32>
      %get3A_138 = vector.shape_cast %get3A_137 : vector<1x1x256xf32> to vector<1x256xf32>
      %get3A_139 = arith.index_cast %get3A_133 : i32 to index
      %get3A_140 = arith.constant 0 : index
      %get3A_141 = vector.load %arg4[%get3A_139, %get3A_140] : memref<8192x256xf32, #tpu.memory_space<vmem>>, vector<1x256xf32>
      %max3A_142 = arith.maximumf %get3A_141, %get3A_138 : vector<1x256xf32>
      %swap3A_143 = arith.index_cast %get3A_133 : i32 to index
      %swap3A_144 = arith.constant 0 : index
      %swap3A_145 = vector.load %arg4[%swap3A_143, %swap3A_144] : memref<8192x256xf32, #tpu.memory_space<vmem>>, vector<1x256xf32>
      tpu.vector_store %arg4[%swap3A_143, %swap3A_144], %max3A_142 {strides = array<i32>} : memref<8192x256xf32, #tpu.memory_space<vmem>>, vector<1x256xf32>,
      %mul3A_146 = arith.constant 256 : i32
      %mul3A_147 = arith.muli %arg0, %mul3A_146 : i32
      %add3A_148 = arith.addi %mul3A_147, %scan3A_6 : i32
      %get3A_149 = arith.constant 8 : index
      %get3A_150 = arith.index_cast %add3A_148 : i32 to index
      %get3A_151 = memref.load %arg1[%get3A_149, %get3A_150] : memref<16x8192xi32, #tpu.memory_space<smem>>
      %get3A_152 = arith.constant 8 : index
      %get3A_153 = arith.index_cast %scan3A_6 : i32 to index
      %get3A_154 = arith.constant 0 : index
      %get3A_155 = vector.load %arg2[%get3A_152, %get3A_153, %get3A_154] : memref<16x256x256xf32, #tpu.memory_space<vmem>>, vector<1x1x256xf32>
      %get3A_156 = vector.shape_cast %get3A_155 : vector<1x1x256xf32> to vector<1x256xf32>
      %get3A_157 = arith.index_cast %get3A_151 : i32 to index
      %get3A_158 = arith.constant 0 : index
      %get3A_159 = vector.load %arg4[%get3A_157, %get3A_158] : memref<8192x256xf32, #tpu.memory_space<vmem>>, vector<1x256xf32>
      %max3A_160 = arith.maximumf %get3A_159, %get3A_156 : vector<1x256xf32>
      %swap3A_161 = arith.index_cast %get3A_151 : i32 to index
      %swap3A_162 = arith.constant 0 : index
      %swap3A_163 = vector.load %arg4[%swap3A_161, %swap3A_162] : memref<8192x256xf32, #tpu.memory_space<vmem>>, vector<1x256xf32>
      tpu.vector_store %arg4[%swap3A_161, %swap3A_162], %max3A_160 {strides = array<i32>} : memref<8192x256xf32, #tpu.memory_space<vmem>>, vector<1x256xf32>,
      %mul3A_164 = arith.constant 256 : i32
      %mul3A_165 = arith.muli %arg0, %mul3A_164 : i32
      %add3A_166 = arith.addi %mul3A_165, %scan3A_6 : i32
      %get3A_167 = arith.constant 9 : index
      %get3A_168 = arith.index_cast %add3A_166 : i32 to index
      %get3A_169 = memref.load %arg1[%get3A_167, %get3A_168] : memref<16x8192xi32, #tpu.memory_space<smem>>
      %get3A_170 = arith.constant 9 : index
      %get3A_171 = arith.index_cast %scan3A_6 : i32 to index
      %get3A_172 = arith.constant 0 : index
      %get3A_173 = vector.load %arg2[%get3A_170, %get3A_171, %get3A_172] : memref<16x256x256xf32, #tpu.memory_space<vmem>>, vector<1x1x256xf32>
      %get3A_174 = vector.shape_cast %get3A_173 : vector<1x1x256xf32> to vector<1x256xf32>
      %get3A_175 = arith.index_cast %get3A_169 : i32 to index
      %get3A_176 = arith.constant 0 : index
      %get3A_177 = vector.load %arg4[%get3A_175, %get3A_176] : memref<8192x256xf32, #tpu.memory_space<vmem>>, vector<1x256xf32>
      %max3A_178 = arith.maximumf %get3A_177, %get3A_174 : vector<1x256xf32>
      %swap3A_179 = arith.index_cast %get3A_169 : i32 to index
      %swap3A_180 = arith.constant 0 : index
      %swap3A_181 = vector.load %arg4[%swap3A_179, %swap3A_180] : memref<8192x256xf32, #tpu.memory_space<vmem>>, vector<1x256xf32>
      tpu.vector_store %arg4[%swap3A_179, %swap3A_180], %max3A_178 {strides = array<i32>} : memref<8192x256xf32, #tpu.memory_space<vmem>>, vector<1x256xf32>,
      %mul3A_182 = arith.constant 256 : i32
      %mul3A_183 = arith.muli %arg0, %mul3A_182 : i32
      %add3A_184 = arith.addi %mul3A_183, %scan3A_6 : i32
      %get3A_185 = arith.constant 10 : index
      %get3A_186 = arith.index_cast %add3A_184 : i32 to index
      %get3A_187 = memref.load %arg1[%get3A_185, %get3A_186] : memref<16x8192xi32, #tpu.memory_space<smem>>
      %get3A_188 = arith.constant 10 : index
      %get3A_189 = arith.index_cast %scan3A_6 : i32 to index
      %get3A_190 = arith.constant 0 : index
      %get3A_191 = vector.load %arg2[%get3A_188, %get3A_189, %get3A_190] : memref<16x256x256xf32, #tpu.memory_space<vmem>>, vector<1x1x256xf32>
      %get3A_192 = vector.shape_cast %get3A_191 : vector<1x1x256xf32> to vector<1x256xf32>
      %get3A_193 = arith.index_cast %get3A_187 : i32 to index
      %get3A_194 = arith.constant 0 : index
      %get3A_195 = vector.load %arg4[%get3A_193, %get3A_194] : memref<8192x256xf32, #tpu.memory_space<vmem>>, vector<1x256xf32>
      %max3A_196 = arith.maximumf %get3A_195, %get3A_192 : vector<1x256xf32>
      %swap3A_197 = arith.index_cast %get3A_187 : i32 to index
      %swap3A_198 = arith.constant 0 : index
      %swap3A_199 = vector.load %arg4[%swap3A_197, %swap3A_198] : memref<8192x256xf32, #tpu.memory_space<vmem>>, vector<1x256xf32>
      tpu.vector_store %arg4[%swap3A_197, %swap3A_198], %max3A_196 {strides = array<i32>} : memref<8192x256xf32, #tpu.memory_space<vmem>>, vector<1x256xf32>,
      %mul3A_200 = arith.constant 256 : i32
      %mul3A_201 = arith.muli %arg0, %mul3A_200 : i32
      %add3A_202 = arith.addi %mul3A_201, %scan3A_6 : i32
      %get3A_203 = arith.constant 11 : index
      %get3A_204 = arith.index_cast %add3A_202 : i32 to index
      %get3A_205 = memref.load %arg1[%get3A_203, %get3A_204] : memref<16x8192xi32, #tpu.memory_space<smem>>
      %get3A_206 = arith.constant 11 : index
      %get3A_207 = arith.index_cast %scan3A_6 : i32 to index
      %get3A_208 = arith.constant 0 : index
      %get3A_209 = vector.load %arg2[%get3A_206, %get3A_207, %get3A_208] : memref<16x256x256xf32, #tpu.memory_space<vmem>>, vector<1x1x256xf32>
      %get3A_210 = vector.shape_cast %get3A_209 : vector<1x1x256xf32> to vector<1x256xf32>
      %get3A_211 = arith.index_cast %get3A_205 : i32 to index
      %get3A_212 = arith.constant 0 : index
      %get3A_213 = vector.load %arg4[%get3A_211, %get3A_212] : memref<8192x256xf32, #tpu.memory_space<vmem>>, vector<1x256xf32>
      %max3A_214 = arith.maximumf %get3A_213, %get3A_210 : vector<1x256xf32>
      %swap3A_215 = arith.index_cast %get3A_205 : i32 to index
      %swap3A_216 = arith.constant 0 : index
      %swap3A_217 = vector.load %arg4[%swap3A_215, %swap3A_216] : memref<8192x256xf32, #tpu.memory_space<vmem>>, vector<1x256xf32>
      tpu.vector_store %arg4[%swap3A_215, %swap3A_216], %max3A_214 {strides = array<i32>} : memref<8192x256xf32, #tpu.memory_space<vmem>>, vector<1x256xf32>,
      %mul3A_218 = arith.constant 256 : i32
      %mul3A_219 = arith.muli %arg0, %mul3A_218 : i32
      %add3A_220 = arith.addi %mul3A_219, %scan3A_6 : i32
      %get3A_221 = arith.constant 12 : index
      %get3A_222 = arith.index_cast %add3A_220 : i32 to index
      %get3A_223 = memref.load %arg1[%get3A_221, %get3A_222] : memref<16x8192xi32, #tpu.memory_space<smem>>
      %get3A_224 = arith.constant 12 : index
      %get3A_225 = arith.index_cast %scan3A_6 : i32 to index
      %get3A_226 = arith.constant 0 : index
      %get3A_227 = vector.load %arg2[%get3A_224, %get3A_225, %get3A_226] : memref<16x256x256xf32, #tpu.memory_space<vmem>>, vector<1x1x256xf32>
      %get3A_228 = vector.shape_cast %get3A_227 : vector<1x1x256xf32> to vector<1x256xf32>
      %get3A_229 = arith.index_cast %get3A_223 : i32 to index
      %get3A_230 = arith.constant 0 : index
      %get3A_231 = vector.load %arg4[%get3A_229, %get3A_230] : memref<8192x256xf32, #tpu.memory_space<vmem>>, vector<1x256xf32>
      %max3A_232 = arith.maximumf %get3A_231, %get3A_228 : vector<1x256xf32>
      %swap3A_233 = arith.index_cast %get3A_223 : i32 to index
      %swap3A_234 = arith.constant 0 : index
      %swap3A_235 = vector.load %arg4[%swap3A_233, %swap3A_234] : memref<8192x256xf32, #tpu.memory_space<vmem>>, vector<1x256xf32>
      tpu.vector_store %arg4[%swap3A_233, %swap3A_234], %max3A_232 {strides = array<i32>} : memref<8192x256xf32, #tpu.memory_space<vmem>>, vector<1x256xf32>,
      %mul3A_236 = arith.constant 256 : i32
      %mul3A_237 = arith.muli %arg0, %mul3A_236 : i32
      %add3A_238 = arith.addi %mul3A_237, %scan3A_6 : i32
      %get3A_239 = arith.constant 13 : index
      %get3A_240 = arith.index_cast %add3A_238 : i32 to index
      %get3A_241 = memref.load %arg1[%get3A_239, %get3A_240] : memref<16x8192xi32, #tpu.memory_space<smem>>
      %get3A_242 = arith.constant 13 : index
      %get3A_243 = arith.index_cast %scan3A_6 : i32 to index
      %get3A_244 = arith.constant 0 : index
      %get3A_245 = vector.load %arg2[%get3A_242, %get3A_243, %get3A_244] : memref<16x256x256xf32, #tpu.memory_space<vmem>>, vector<1x1x256xf32>
      %get3A_246 = vector.shape_cast %get3A_245 : vector<1x1x256xf32> to vector<1x256xf32>
      %get3A_247 = arith.index_cast %get3A_241 : i32 to index
      %get3A_248 = arith.constant 0 : index
      %get3A_249 = vector.load %arg4[%get3A_247, %get3A_248] : memref<8192x256xf32, #tpu.memory_space<vmem>>, vector<1x256xf32>
      %max3A_250 = arith.maximumf %get3A_249, %get3A_246 : vector<1x256xf32>
      %swap3A_251 = arith.index_cast %get3A_241 : i32 to index
      %swap3A_252 = arith.constant 0 : index
      %swap3A_253 = vector.load %arg4[%swap3A_251, %swap3A_252] : memref<8192x256xf32, #tpu.memory_space<vmem>>, vector<1x256xf32>
      tpu.vector_store %arg4[%swap3A_251, %swap3A_252], %max3A_250 {strides = array<i32>} : memref<8192x256xf32, #tpu.memory_space<vmem>>, vector<1x256xf32>,
      %mul3A_254 = arith.constant 256 : i32
      %mul3A_255 = arith.muli %arg0, %mul3A_254 : i32
      %add3A_256 = arith.addi %mul3A_255, %scan3A_6 : i32
      %get3A_257 = arith.constant 14 : index
      %get3A_258 = arith.index_cast %add3A_256 : i32 to index
      %get3A_259 = memref.load %arg1[%get3A_257, %get3A_258] : memref<16x8192xi32, #tpu.memory_space<smem>>
      %get3A_260 = arith.constant 14 : index
      %get3A_261 = arith.index_cast %scan3A_6 : i32 to index
      %get3A_262 = arith.constant 0 : index
      %get3A_263 = vector.load %arg2[%get3A_260, %get3A_261, %get3A_262] : memref<16x256x256xf32, #tpu.memory_space<vmem>>, vector<1x1x256xf32>
      %get3A_264 = vector.shape_cast %get3A_263 : vector<1x1x256xf32> to vector<1x256xf32>
      %get3A_265 = arith.index_cast %get3A_259 : i32 to index
      %get3A_266 = arith.constant 0 : index
      %get3A_267 = vector.load %arg4[%get3A_265, %get3A_266] : memref<8192x256xf32, #tpu.memory_space<vmem>>, vector<1x256xf32>
      %max3A_268 = arith.maximumf %get3A_267, %get3A_264 : vector<1x256xf32>
      %swap3A_269 = arith.index_cast %get3A_259 : i32 to index
      %swap3A_270 = arith.constant 0 : index
      %swap3A_271 = vector.load %arg4[%swap3A_269, %swap3A_270] : memref<8192x256xf32, #tpu.memory_space<vmem>>, vector<1x256xf32>
      tpu.vector_store %arg4[%swap3A_269, %swap3A_270], %max3A_268 {strides = array<i32>} : memref<8192x256xf32, #tpu.memory_space<vmem>>, vector<1x256xf32>,
      %mul3A_272 = arith.constant 256 : i32
      %mul3A_273 = arith.muli %arg0, %mul3A_272 : i32
      %add3A_274 = arith.addi %mul3A_273, %scan3A_6 : i32
      %get3A_275 = arith.constant 15 : index
      %get3A_276 = arith.index_cast %add3A_274 : i32 to index
      %get3A_277 = memref.load %arg1[%get3A_275, %get3A_276] : memref<16x8192xi32, #tpu.memory_space<smem>>
      %get3A_278 = arith.constant 15 : index
      %get3A_279 = arith.index_cast %scan3A_6 : i32 to index
      %get3A_280 = arith.constant 0 : index
      %get3A_281 = vector.load %arg2[%get3A_278, %get3A_279, %get3A_280] : memref<16x256x256xf32, #tpu.memory_space<vmem>>, vector<1x1x256xf32>
      %get3A_282 = vector.shape_cast %get3A_281 : vector<1x1x256xf32> to vector<1x256xf32>
      %get3A_283 = arith.index_cast %get3A_277 : i32 to index
      %get3A_284 = arith.constant 0 : index
      %get3A_285 = vector.load %arg4[%get3A_283, %get3A_284] : memref<8192x256xf32, #tpu.memory_space<vmem>>, vector<1x256xf32>
      %max3A_286 = arith.maximumf %get3A_285, %get3A_282 : vector<1x256xf32>
      %swap3A_287 = arith.index_cast %get3A_277 : i32 to index
      %swap3A_288 = arith.constant 0 : index
      %swap3A_289 = vector.load %arg4[%swap3A_287, %swap3A_288] : memref<8192x256xf32, #tpu.memory_space<vmem>>, vector<1x256xf32>
      tpu.vector_store %arg4[%swap3A_287, %swap3A_288], %max3A_286 {strides = array<i32>} : memref<8192x256xf32, #tpu.memory_space<vmem>>, vector<1x256xf32>,
    }
    %scan3A_5 = arith.constant 256 : i32
    return
  }
  func.func @transform_0(%arg0: i32, %arg1: memref<16x8192xi32, #tpu.memory_space<smem>>) -> (i32, i32, i32) {
    %c0_i32 = arith.constant 0 : i32
    %c0_i32_0 = arith.constant 0 : i32
    %c0_i32_1 = arith.constant 0 : i32
    return %c0_i32, %arg0, %c0_i32_0 : i32, i32, i32
  }
  func.func @transform_1(%arg0: i32, %arg1: memref<16x8192xi32, #tpu.memory_space<smem>>) -> (i32, i32) {
    %c0_i32 = arith.constant 0 : i32
    %c0_i32_0 = arith.constant 0 : i32
    %c0_i32_1 = arith.constant 0 : i32
    return %c0_i32, %c0_i32_0 : i32, i32
  }
  func.func @transform_2(%arg0: i32, %arg1: memref<16x8192xi32, #tpu.memory_space<smem>>) -> (i32, i32) {
    %c0_i32 = arith.constant 0 : i32
    %c0_i32_0 = arith.constant 0 : i32
    %c0_i32_1 = arith.constant 0 : i32
    return %c0_i32, %c0_i32_0 : i32, i32
  }
}

module attributes {stable_mosaic.version = 14 : i64} {
  func.func @_final_kernel(%arg0: i32, %arg1: memref<256x256xf32, #tpu.memory_space<vmem>>, %arg2: memref<256x256xf32, #tpu.memory_space<vmem>>, %arg3: memref<1x256xf32, #tpu.memory_space<vmem>>, %arg4: memref<256x256xf32, #tpu.memory_space<vmem>>) attributes {dimension_semantics = [#tpu.dimension_semantics<arbitrary>], iteration_bounds = array<i64: 32>, scalar_prefetch = 0 : i64, scratch_operands = 0 : i64, tpu.core_type = #tpu.core_type<tc>, window_params = [{transform_indices = @transform_0, window_bounds = array<i64: 256, 256>}, {pipeline_mode = #tpu.pipeline_mode<synchronous>, transform_indices = @transform_1, window_bounds = array<i64: 256, 256>}, {pipeline_mode = #tpu.pipeline_mode<synchronous>, transform_indices = @transform_2, window_bounds = array<i64: 1, 256>}, {transform_indices = @transform_3, window_bounds = array<i64: 256, 256>}]} {
    %get3A = arith.constant 0 : index
    %get3A_0 = arith.constant 0 : index
    %get3A_1 = vector.load %arg1[%get3A, %get3A_0] : memref<256x256xf32, #tpu.memory_space<vmem>>, vector<256x256xf32>
    %get3A_2 = arith.constant 0 : index
    %get3A_3 = arith.constant 0 : index
    %get3A_4 = vector.load %arg2[%get3A_2, %get3A_3] : memref<256x256xf32, #tpu.memory_space<vmem>>, vector<256x256xf32>
    %dot_general3A = arith.constant dense<0.000000e+00> : vector<256x256xf32>
    %dot_general3A_5 = tpu.matmul %get3A_1, %get3A_4, %dot_general3A {dimension_numbers = #tpu.dot_dimension_numbers<[1], [0], [0], [1], [0, 0, 1, 1], [], []>, transpose_lhs_hint = false} : vector<256x256xf32>, vector<256x256xf32>, vector<256x256xf32> -> vector<256x256xf32>
    %get3A_6 = arith.constant 0 : index
    %get3A_7 = arith.constant 0 : index
    %get3A_8 = vector.load %arg3[%get3A_6, %get3A_7] : memref<1x256xf32, #tpu.memory_space<vmem>>, vector<1x256xf32>
    %add3A = vector.broadcast %get3A_8 : vector<1x256xf32> to vector<256x256xf32>
    %add3A_9 = arith.addf %dot_general3A_5, %add3A : vector<256x256xf32>
    %max3A = arith.constant 0.000000e+00 : f32
    %max3A_10 = vector.broadcast %max3A : f32 to vector<256x256xf32>
    %max3A_11 = arith.maximumf %add3A_9, %max3A_10 : vector<256x256xf32>
    %swap3A = arith.constant 0 : index
    %swap3A_12 = arith.constant 0 : index
    %swap3A_13 = vector.load %arg4[%swap3A, %swap3A_12] : memref<256x256xf32, #tpu.memory_space<vmem>>, vector<256x256xf32>
    tpu.vector_store %arg4[%swap3A, %swap3A_12], %max3A_11 {strides = array<i32>} : memref<256x256xf32, #tpu.memory_space<vmem>>, vector<256x256xf32>,
    return
  }
  func.func @transform_0(%arg0: i32) -> (i32, i32) {
    %c0_i32 = arith.constant 0 : i32
    %c0_i32_0 = arith.constant 0 : i32
    return %arg0, %c0_i32 : i32, i32
  }
  func.func @transform_1(%arg0: i32) -> (i32, i32) {
    %c0_i32 = arith.constant 0 : i32
    %c0_i32_0 = arith.constant 0 : i32
    %c0_i32_1 = arith.constant 0 : i32
    return %c0_i32, %c0_i32_0 : i32, i32
  }
  func.func @transform_2(%arg0: i32) -> (i32, i32) {
    %c0_i32 = arith.constant 0 : i32
    %c0_i32_0 = arith.constant 0 : i32
    %c0_i32_1 = arith.constant 0 : i32
    return %c0_i32, %c0_i32_0 : i32, i32
  }
  func.func @transform_3(%arg0: i32) -> (i32, i32) {
    %c0_i32 = arith.constant 0 : i32
    %c0_i32_0 = arith.constant 0 : i32
    return %arg0, %c0_i32 : i32, i32
  }
}

</mosaic_0001>

<sc_bundles>
// kernel: scatter_offload_async_start
scs
__scs_entry_jumppad:
0x0: {  	(pc) =	sbr.rel $0x88, $3  }
0x1: {  	(tag) =	ssettag $0x0;
	lr =	simm.s32 $0x1  }
0x2: {  	[smem:$0x3F98] =	sst lr;
	_ =	strace $0xD0000000  }
0x3: {  	_ = 	snop  }
0x4: {  	_ = 	snop  }
0x5: {  	_ = 	snop  }
0x6: {  	_ = 	snop  }
0x7: {  	_ = 	snop  }
__scs_overlays_trampoline_lowered:
0x8: {  	[smem:$0x3FA7] =	sst s0  }
0x9: {  	[smem:$0x3FA8] =	sst s1  }
0xa: {  	[smem:$0x3FA9] =	sst s2  }
0xb: {  	[smem:$0x3FAA] =	sst s3  }
0xc: {  	[smem:$0x3FAB] =	sst s4  }
0xd: {  	[smem:$0x3FAC] =	sst s5  }
0xe: {  	[smem:$0x3FAD] =	sst s6  }
0xf: {  	[smem:$0x3FAE] =	sst s7  }
0x10: {  	[smem:$0x3FAF] =	sst s8  }
0x11: {  	[smem:$0x3FB0] =	sst s9;
	s0 =	simm.s32 @!p0 $0x0  }
0x12: {  	s1 =	sld [smem:$0x3F96];
	s0 =	simm.s32 @p0 $0x1  }
0x13: {  	[smem:$0x3FB1] =	sst s0;
	s0 =	simm.s32 @!p1 $0x0  }
0x14: {  	s2 =	sld [smem:$0x3F95];
	s0 =	simm.s32 @p1 $0x1  }
0x15: {  	[smem:$0x3FB2] =	sst s0;
	s0 =	simm.s32 @!p2 $0x0  }
0x16: {  	s3 =	sld [smem:$0x3FDB];
	s0 =	simm.s32 @p2 $0x1  }
0x17: {  	s4 =	simm.s32 $0x1BF5;
	[smem:$0x3FB4] =	sst s0  }
0x18: {  	s0 =	sld [smem:$0x3F97];
	_ =	swait.ge [sflag:s4], $0x0  }
0x19: {  	s7 =	sld [smem:$0x3F98]  }
0x1a: {  	s8 =	sadd.s32 $0xFFFFE003, lr  }
0x1b: {  	s9 =	sadd.s32 $0xFFFFFEF7, lr;
	s5 =	simm.s32 $0xFFFFFFFF;
	p2 =	slt.u32 s8, $0xFFFFF086  }
0x1c: {  	p1 =	slt.u32 s9, $0xF7A;
	s5 =	simm.s32 @!p2 $0x0  }
0x1d: {  	s5 =	simm.s32 @p1 $0x1;
	p0 =	seq.s32 s7, s2  }
0x1e: {  	s7 =	smul.u32 @!p0 $0xF7A, s2;
	p2 =	seq.s32 @!p0 s5, $0x0  }
0x1f: {  	s9 =	smul.u32 $0xF7A, s1;
	s8 =	simm.s32 @!p0 $0x1BF5;
	p2 =	por !p2, p0  }
0x20: {  	[sflag:s8] =	ssyncset.s32 @!p0 $0xFFFFF086;
	s6 =	sadd.s32 @!p0 s3, s7;
	s7 =	simm.s32 @!p0 $0x108  }
0x21: {  	s3 =	sadd.s32 s3, s9;
	s6 =	sadd.s32 @!p0 $0x88, s6;
	s7 =	simm.s32 @p2 $0x1082  }
0x22: {  	[simem:s7], [sflag:s8] =	dma.local @!p0 [hbm:s6], $0xF7A  }
0x23: {  	s9 =	sor.u32 $0xD0000000, s2;
	s6 =	simm.s32 $0x108;
	_ =	swait.ge @!p0 [sflag:s8], $0x0  }
0x24: {  	s3 =	sadd.s32 $0x88, s3;
	s6 =	simm.s32 @!p1 $0x1082;
	[sflag:s4] =	ssyncset.s32 $0xFFFFF086  }
0x25: {  	[simem:s6], [sflag:s4] =	dma.local [hbm:s3], $0xF7A  }
0x26: {  	[smem:$0x3F98] =	sst s1;
	(tag) =	ssettag s2;
	_ =	strace s9  }
0x27: {  	s1 =	sld [smem:$0x3FA8]  }
0x28: {  	s2 =	sld [smem:$0x3FA9]  }
0x29: {  	s4 =	sld [smem:$0x3FAB]  }
0x2a: {  	p0 =	seq.s32 s5, $0x0;
	s5 =	sld [smem:$0x3FAC]  }
0x2b: {  	s6 =	sld [smem:$0x3FAD]  }
0x2c: {  	s7 =	sld [smem:$0x3FAE]  }
0x2d: {  	s3 =	simm.s32 $0x108;
	s8 =	sld [smem:$0x3FAF]  }
0x2e: {  	s3 =	simm.s32 @!p0 $0x1082;
	s9 =	sld [smem:$0x3FB0]  }
0x2f: {  	lr =	sadd.s32 s0, s3;
	s0 =	sld [smem:$0x3FA7]  }
0x30: {  	s3 =	sld [smem:$0x3FAA]  }
0x31: {  	[smem:$0x3FB3] =	sst s10  }
0x32: {  	s10 =	sld [smem:$0x3FB1];
	_ =	sdelay $0x3  }
0x33: {  	p0 =	seq.s32 s10, $0x1;
	s10 =	sld [smem:$0x3FB3];
	_ =	sdelay $0x3  }
0x34: {  	[smem:$0x3FB3] =	sst s10  }
0x35: {  	s10 =	sld [smem:$0x3FB2];
	_ =	sdelay $0x3  }
0x36: {  	p1 =	seq.s32 s10, $0x1;
	s10 =	sld [smem:$0x3FB3];
	_ =	sdelay $0x3  }
0x37: {  	[smem:$0x3FB3] =	sst s10  }
0x38: {  	s10 =	sld [smem:$0x3FB4]  }
0x39: {  	_ = 	snop;
	(pc) =	sbr.ind lr, $3  }
0x3a: {  	_ = 	snop  }
0x3b: {  	_ = 	snop  }
0x3c: {  	p2 =	seq.s32 s10, $0x1;
	s10 =	sld [smem:$0x3FB3]  }
0x3d: {  	_ =	shalt  }
0x3e: {  	_ =	shalt  }
0x3f: {  	_ =	shalt  }
0x40: {  	_ =	shalt  }
0x41: {  	_ =	shalt  }
0x42: {  	_ =	shalt  }
0x43: {  	_ =	shalt  }
0x44: {  	_ =	shalt  }
0x45: {  	_ =	shalt  }
0x46: {  	_ =	shalt  }
0x47: {  	_ =	shalt  }
0x48: {  	_ =	shalt  }
0x49: {  	_ =	shalt  }
0x4a: {  	_ =	shalt  }
0x4b: {  	_ =	shalt  }
0x4c: {  	_ =	shalt  }
0x4d: {  	_ =	shalt  }
0x4e: {  	_ =	shalt  }
0x4f: {  	_ =	shalt  }
0x50: {  	_ =	shalt  }
0x51: {  	_ =	shalt  }
0x52: {  	_ =	shalt  }
0x53: {  	_ =	shalt  }
0x54: {  	_ =	shalt  }
0x55: {  	_ =	shalt  }
0x56: {  	_ =	shalt  }
0x57: {  	_ =	shalt  }
0x58: {  	_ =	shalt  }
0x59: {  	_ =	shalt  }
0x5a: {  	_ =	shalt  }
0x5b: {  	_ =	shalt  }
0x5c: {  	_ =	shalt  }
0x5d: {  	_ =	shalt  }
0x5e: {  	_ =	shalt  }
0x5f: {  	_ =	shalt  }
0x60: {  	_ =	shalt  }
0x61: {  	_ =	shalt  }
0x62: {  	_ =	shalt  }
0x63: {  	_ =	shalt  }
0x64: {  	_ =	shalt  }
0x65: {  	_ =	shalt  }
0x66: {  	_ =	shalt  }
0x67: {  	_ =	shalt  }
0x68: {  	_ =	shalt  }
0x69: {  	_ =	shalt  }
0x6a: {  	_ =	shalt  }
0x6b: {  	_ =	shalt  }
0x6c: {  	_ =	shalt  }
0x6d: {  	_ =	shalt  }
0x6e: {  	_ =	shalt  }
0x6f: {  	_ =	shalt  }
0x70: {  	_ =	shalt  }
0x71: {  	_ =	shalt  }
0x72: {  	_ =	shalt  }
0x73: {  	_ =	shalt  }
0x74: {  	_ =	shalt  }
0x75: {  	_ =	shalt  }
0x76: {  	_ =	shalt  }
0x77: {  	_ =	shalt  }
0x78: {  	_ =	shalt  }
0x79: {  	_ =	shalt  }
0x7a: {  	_ =	shalt  }
0x7b: {  	_ =	shalt  }
0x7c: {  	_ =	shalt  }
0x7d: {  	_ =	shalt  }
0x7e: {  	_ =	shalt  }
0x7f: {  	_ =	shalt  }
0x80: {  	_ =	shalt  }
0x81: {  	_ =	shalt  }
0x82: {  	_ =	shalt  }
0x83: {  	_ =	shalt  }
0x84: {  	_ =	shalt  }
0x85: {  	_ =	shalt  }
0x86: {  	_ =	shalt  }
0x87: {  	_ =	shalt  }
.Lfunc_end0:
.L_simem_size_0:
called_computation_lowered:
.L_overlay_start_0:
0x88: {  	s0 =	sld [smem:$0x3FD9]  }
0x89: {  	s1 =	sld [smem:$0x3FFE];
	_ =	sdelay $0x3  }
0x8a: {  	s0 =	sadd.s32 s1, s0  }
0x8b: {  	[smem:$0x3FBF] =	sst s0  }
0x8c: {  	_ = 	snop  }
0x8d: {  	s0 =	sld [smem:$0x3FD0];
	_ =	sdelay $0x2  }
0x8e: {  	s14 =	simm.s32 $0xA;
	s2 =	simm.s32 $0x10  }
0x8f: {  	[smem:s2], [sflag:s14] =	dma.local [hbm:s0], $0x1  }
0x90: {  	_ =	swait.eq [sflag:s14], $0x1  }
0x91: {  	s15 =	sld [smem:$0x10];
	[sflag:s14] =	ssyncset.done $0x0  }
0x92: {  	s16 =	sld [smem:$0x11];
	[sflag:s14] =	ssyncadd.s32 $0xFFFFFFFF  }
0x93: {  	s17 =	sld [smem:$0x12];
	(tm) =	ssettm $0x1  }
0x94: {  	s3 =	sld [smem:$0x3FFB];
	_ =	sdelay $0x3  }
0x95: {  	_ =	strace s3  }
0x96: {  	s3 =	sld [smem:$0x3FFC];
	_ =	sdelay $0x3  }
0x97: {  	_ =	strace s3  }
0x98: {  	s3 =	sld [smem:$0x3FFD];
	_ =	sdelay $0x3  }
0x99: {  	_ =	strace s3  }
0x9a: {  	_ =	strace $0x8FFFFFFF  }
0x9b: {  	s18 =	sld [smem:$0x3FDB];
	_ =	sdelay $0x1  }
0x9c: {  	s4 =	simm.s32 $_scs_section_size  }
0x9d: {  	s5 =	simm.s32 $_size__tile_overlayer_lowered;
	s6 =	simm.s32 $_tile_overlayer_lowered  }
0x9e: {  	s21 =	simm.s32 $0x1BFF;
	s20 =	sshll.u32 s6, $0x1;
	s3 =	sadd.s32 s4, s18  }
0x9f: {  	s7 =	simm.s32 $0x0;
	s19 =	sshll.u32 s5, $0x1;
	s5 =	sadd.s32 s20, s3  }
0xa0: {  	[timem:s7], [sflag:s21] =	dma.local [hbm:s5], s19  }
0xa1: {  	_ =	swait.ge [sflag:s21], s19  }
0xa2: {  	s4 =	ssub.s32 $0x0, s19;
	[sflag:s21] =	ssyncset.done $0x0  }
0xa3: {  	[sflag:s21] =	ssyncadd.s32 s4;
	_ =	sdelay $0x1  }
0xa4: {  	s22 =	simm.s32 $0x1B8B  }
0xa5: {  	_ =	swait.ge [sflag:s22], $0x1  }
0xa6: {  	[sflag:s22] =	ssyncset.done $0x0  }
0xa7: {  	s23 =	simm.s32 $0x1B8E;
	[sflag:s22] =	ssyncadd.s32 $0xFFFFFFFF  }
0xa8: {  	s24 =	simm.s32 $execute0_lowered;
	[smem:$0x3FD2] =	sst s23  }
0xa9: {  	s4 =	sshll.u32 s24, $0x1;
	_ =	strace $0x80000046;
	[dreg:$0x1] =	wrdreg $0xFFFFFFFF  }
0xaa: {  	s25 =	simm.s32 $_size_execute0_lowered;
	s3 =	sadd.s32 s3, s4;
	[dreg:$0x0] =	wrdreg $0x0  }
0xab: {  	s4 =	sshll.u32 s25, $0x1;
	[dreg:$0x2] =	wrdreg s3  }
0xac: {  	[dreg:$0x3] =	wrdreg s4  }
0xad: {  	[dreg:$0x4] =	wrdreg $0xC0  }
0xae: {  	_ =	task [dreg:s7], $0x5FFFF  }
0xaf: {  	[dreg:$0x1] =	wrdreg $0xFFFFFFFF  }
0xb0: {  	[dreg:$0x0] =	wrdreg $0x60  }
0xb1: {  	[dreg:$0x2] =	wrdreg s15  }
0xb2: {  	[dreg:$0x3] =	wrdreg s17  }
0xb3: {  	[dreg:$0x4] =	wrdreg s16  }
0xb4: {  	[dreg:$0x5] =	wrdreg $0x9  }
0xb5: {  	_ =	task.clear_ibuf [dreg:s7], $0x6FFFF;
	_ =	strace $0x90000046  }
0xb6: {  	s26 =	simm.s32 $0x9;
	_ =	strace $0x80000048  }
0xb7: {  	_ =	swait.ge [sflag:s26], $0x1  }
0xb8: {  	[sflag:s26] =	ssyncadd.s32 $0xFFFFFFFF  }
0xb9: {  	_ =	strace $0x90000048  }
0xba: {  	_ =	sfence  }
0xbb: {  	s28 =	sld [smem:$0x0];
	_ =	sdelay $0x1  }
0xbc: {  	s29 =	srdreg.scid  }
0xbd: {  	s30 =	sshll.u32 s29, $0xD;
	s31 =	sshrl.u32 s29, $0x2  }
0xbe: {  	s1 =	sand.u32 $0x1, s29;
	s2 =	sand.u32 $0x4000, s30;
	s0 =	sadd.s32 s31, s28  }
0xbf: {  	s1 =	sor.u32 s2, s1;
	s0 =	sshll.u32 s0, $0x11  }
0xc0: {  	s0 =	sor.u32 s0, s1  }
0xc1: {  	s0 =	sadd.s32 $0x8F2B, s0  }
0xc2: {  	[sflag:s0] =	ssyncadd.remote.s32 $0x1  }
0xc3: {  	_ =	sfence.sel $0xFFFF  }
0xc4: {  	[dreg:$0x0] =	wrdreg $0xFFFFFFFF;
	(pc) =	sbr.abs _section_cstart, $3  }
0xc5: {  	[dreg:$0x1] =	wrdreg $0xFFFFFFFF  }
0xc6: {  	_ =	task.clear_ibuf [dreg:s7], $0x2FFFF;
	_ =	strace $0x9FFFFFFF  }
0xc7: {  	(tm) =	ssettm $0x7FFFFFFF  }
tec
execute0_lowered:
.L_overlay_start_1:
0x0: {  	(tag) =	ssettag $0x1  }
0x1: {  	s1 =	rddreg [dreg:$0x0]  }
0x2: {  	s2 =	rddreg [dreg:$0x1]  }
0x3: {  	s3 =	rddreg [dreg:$0x2]  }
0x4: {  	s0 =	rddreg [dreg:$0x3];
	s4 =	stileid.u32  }
0x5: {  	_ =	strace $0x80000047;
	s5 =	simm.s32 $0x3E;
	p0 =	sne.s32 s4, $0x0  }
0x6: {  	[sflag:s5] =	ssyncpa.u1 $0x0;
	s6 =	simm.s32 @!p0 $0x1C3E;
	s7 =	simm.s32 @!p0 $0x0  }
0x7: {  	[spmem:s7], [sflag:s6] =	dma.local @!p0 [hbm:s1], $0x10  }
0x8: {  	s6 =	simm.s32 @!p0 $0x3E  }
0x9: {  	_ =	swait.ge @!p0 [sflag:s6], $0x10  }
0xa: {  	[sflag:s6] =	ssyncset.done @!p0 $0x0  }
0xb: {  	[sflag:s6] =	ssyncadd.s32 @!p0 $0xFFFFFFF0  }
0xc: {  	s28 =	simm.s32 $0x1;
	[bflag:$0x0] =	sbarrier.arrive $0xFFFF  }
0xd: {  	s29 =	simm.s32 $0x2;
	s4 =	sshll.u32 s4, $0x6;
	[sflag:s5] =	ssyncpa.u1 $0x1  }
0xe: {  	s31 =	simm.s32 $0x208;
	s30 =	sadd.s32 s2, s4;
	[sflag:s28] =	ssyncpa.u1 $0x0  }
0xf: {  	s2 =	simm.s32 $0x0;
	(ifvalue) =	ssetifvalue $0x80;
	[sflag:s29] =	ssyncpa.u1 $0x0  }
0x10: {  	[tilespmem:s31], [sflag:$0x2] =	stream.linear.gather [hbm4b:s30+s2], $0x200, $0x38;
	[tilespmem:$0x808] =	vst v63  }
0x11: {  	s4 =	sadd.s32 s3, s4;
	s3 =	simm.s32 $0x608  }
0x12: {  	[tilespmem:s3], [sflag:$0x2] =	stream.linear.gather [hbm4b:s4+s2], $0x200, $0x38;
	[tilespmem:$0x808] =	vst v63  }
0x13: {  	_ =	swait.ge [sflag:s29], $0x400  }
0x14: {  	[sflag:s29] =	ssyncset.done $0x0  }
0x15: {  	[sflag:s29] =	ssyncadd.s32 $0xFFFFFC00  }
0x16: {  	v0 =	vld.msk [tilespmem:s31+$0x0 ss:$0x1], $0xffff;
	_ =	sdelay $0x4  }
0x17: {  	v0 =	vmin.u32 v0, $0x80;
	_ =	sdelay $0x3  }
0x18: {  	vm0 =	vmmov $0xffff;
	s5 =	simm.s32 $0x218;
	s4 =	simm.s32 $0x0  }
0x19: {  	[spmem:s2] =	stream.indirect_vreg.scatter.add.s32 [tilespmem:s3], [sflag:$0x1], $0x1, v0, vm0, $0x4038;
	[tilespmem:$0x808] =	vst v63  }
.LBB2_1:
0x1a: {  	v0 =	vld.msk [tilespmem:s5+$0x0 ss:$0x1], $0xffff;
	s4 =	sadd.s32 $0x10, s4  }
0x1b: {  	p1 =	slt.u32 s4, $0x1F0;
	_ =	sdelay $0x4  }
0x1c: {  	v0 =	vmin.u32 v0, $0x80  }
.Ltmp0:
0x1d: {  	(pc) =	sbr.rel @p1 .LBB2_1-.Ltmp0, $3  }
0x1e: {  	_ =	sdelay $0x1  }
0x1f: {  	s5 =	sadd.s32 $0x10, s5;
	s3 =	sadd.s32 $0x10, s3  }
0x20: {  	[spmem:s2] =	stream.indirect_vreg.scatter.add.s32 [tilespmem:s3], [sflag:$0x1], $0x1, v0, vm0, $0x4038;
	[tilespmem:$0x808] =	vst v63  }
0x21: {  	s2 =	simm.s32 $0x1  }
0x22: {  	_ =	swait.ge [sflag:s2], $0x200  }
0x23: {  	[sflag:s2] =	ssyncset.done $0x0  }
0x24: {  	[sflag:s2] =	ssyncadd.s32 $0xFFFFFE00  }
0x25: {  	_ =	sfence.sel $0x180000  }
0x26: {  	s3 =	simm.s32 $0x2;
	[bflag:$0x0] =	sbarrier.arrive $0xFFFF  }
0x27: {  	[sflag:s3] =	ssyncpa.u1 $0x1  }
0x28: {  	[sflag:s2] =	ssyncpa.u1 $0x1  }
0x29: {  	_ =	sfence.stream.spmem  }
0x2a: {  	s31 =	simm.s32 $0x3D;
	[bflag:$0x0] =	sbarrier.arrive $0xFFFF  }
0x2b: {  	s2 =	simm.s32 @p0 $0x3D;
	[sflag:s31] =	ssyncpa.u1 $0x0  }
0x2c: {  	[sflag:s2] =	ssyncpa.u1 @p0 $0x1  }
0x2d: {  	[bflag:$0x0] =	sbarrier.arrive @p0 $0xFFFF  }
0x2e: {  	_ =	strace @p0 $0x90000047  }
0x2f: {  	s3 =	simm.s32 @!p0 $0x1C3D;
	s2 =	simm.s32 @!p0 $0x0;
	[bflag:$0x2] =	sbarrier.arrive @p0 $0xFFFF  }
0x30: {  	[hbm:s1], [sflag:s3] =	dma.local @!p0 [spmem:s2], $0x10  }
0x31: {  	s1 =	simm.s32 @!p0 $0x3D  }
0x32: {  	_ =	swait.ge @!p0 [sflag:s1], $0x10  }
0x33: {  	[sflag:s1] =	ssyncset.done @!p0 $0x0  }
0x34: {  	[sflag:s1] =	ssyncadd.s32 @!p0 $0xFFFFFFF0  }
0x35: {  	[sflag:s1] =	ssyncpa.u1 @!p0 $0x1  }
0x36: {  	[bflag:$0x0] =	sbarrier.arrive @!p0 $0xFFFF  }
0x37: {  	_ =	strace @!p0 $0x90000047  }
0x38: {  	s0 =	sadd.s32 @!p0 $0x100000, s0;
	[bflag:$0x2] =	sbarrier.arrive @!p0 $0xFFFF  }
0x39: {  	[sflag:s0] =	ssyncadd.tile.s32 @!p0 $0x1;
	_ =	shalt  }
.Lfunc_end2:
_tile_overlayer_lowered:
.L_overlay_start_2:
0x3a: {  	(tag) =	ssettag $0x2  }
0x3b: {  	s0 =	rddreg [dreg:$0x0];
	s2 =	stileid.u32  }
0x3c: {  	s1 =	rddreg [dreg:$0x1];
	p0 =	sne.s32 s2, $0x0  }
0x3d: {  	s3 =	rddreg [dreg:$0x2];
	[bflag:$0x3] =	sbarrier.arrive $0xFFFF;
	s2 =	simm.s32 @!p0 $0x1C01  }
0x3e: {  	[timem:s3], [sflag:s2] =	dma.local @!p0 [hbm:s0], s1  }
0x3f: {  	s0 =	simm.s32 @!p0 $0x1  }
0x40: {  	_ =	swait.ge @!p0 [sflag:s0], s1  }
0x41: {  	s1 =	ssub.s32 @!p0 $0x0, s1;
	[sflag:s0] =	ssyncset.done @!p0 $0x0  }
0x42: {  	[sflag:s0] =	ssyncadd.s32 @!p0 s1  }
0x43: {  	[bflag:$0x3] =	sbarrier.arrive $0xFFFF  }
0x44: {  	_ =	shalt  }

</sc_bundles>
